<compile_context>
chip_gen: v7x
topology: tpu7x:2x2x1
jax: 0.10.2.dev20260603
libtpu: 0.0.44.dev20260713+nightly
codegen_flags: <defaults>
</compile_context>

<pallas_src>
import functools

import jax
import jax.numpy as jnp
from jax import lax
from jax.experimental import pallas as pl
from jax.experimental.pallas import tpu as pltpu
from jax.experimental.pallas import tpu_sc as plsc

B = 4096
F_FIELDS = 26
E = 64
HIST = 20
G = 0.8
EMB = F_FIELDS * E
NB = B * F_FIELDS

NC = 2
NS = 16
NW = NC * NS
BAGS_W = NB // NW

C = 64
CH = C * HIST
CHUNKS = BAGS_W // C
UC = 832
UCHUNKS = BAGS_W // UC

LB = 32


def _tree_sum(vals):
    while len(vals) > 1:
        nxt = [a + b for a, b in zip(vals[0::2], vals[1::2])]
        if len(vals) % 2:
            nxt.append(vals[-1])
        vals = nxt
    return vals[0]


def _mesh():
    return plsc.VectorSubcoreMesh(core_axis_name="c", subcore_axis_name="s")


def _sc_item(iidx, item_table):
    @functools.partial(
        pl.kernel,
        mesh=_mesh(),
        compiler_params=pltpu.CompilerParams(use_tc_tiling_on_sc=False),
        out_type=jax.ShapeDtypeStruct((NB, E), jnp.bfloat16),
        scratch_types=[
            pltpu.VMEM((CH,), jnp.int32),
            pltpu.VMEM((CH,), jnp.int32),
            pltpu.VMEM((CH,), jnp.int32),
            pltpu.VMEM((CH,), jnp.int32),
            pltpu.VMEM((CH, E), jnp.bfloat16),
            pltpu.VMEM((CH, E), jnp.bfloat16),
            pltpu.VMEM((C, E), jnp.bfloat16),
            pltpu.SemaphoreType.DMA,
            pltpu.SemaphoreType.DMA,
            pltpu.SemaphoreType.DMA,
            pltpu.SemaphoreType.DMA,
            pltpu.SemaphoreType.DMA,
            pltpu.SemaphoreType.DMA,
        ],
    )
    def k(iidx_hbm, itab_hbm, b_out, i0, i1, i2, i3, rows0, rows1, acc_v,
          is0, is1, is2, is3, gs0, gs1):
        wid = lax.axis_index("s") * NC + lax.axis_index("c")
        bag_base = wid * BAGS_W

        idx_bufs = (i0, i1, i2, i3)
        idx_sems = (is0, is1, is2, is3)
        row_bufs = (rows0, rows1)
        row_sems = (gs0, gs1)

        def idx_copy(chunk, q):
            return pltpu.make_async_copy(
                iidx_hbm.at[pl.ds((bag_base + chunk * C) * HIST, CH)],
                idx_bufs[q], idx_sems[q])

        def gather(q, p):
            return pltpu.make_async_copy(itab_hbm.at[idx_bufs[q]],
                                         row_bufs[p], row_sems[p])

        def reduce_chunk(chunk, p):
            rows_v = row_bufs[p]

            def bag_body(c, carry):
                r0 = c * HIST
                for j in range(E // LB):
                    s = pl.ds(j * LB, LB)
                    acc_v[c, s] = _tree_sum(
                        [rows_v[r0 + h, s] for h in range(HIST)])
                return carry

            lax.fori_loop(0, C, bag_body, 0)
            pltpu.sync_copy(acc_v, b_out.at[pl.ds(bag_base + chunk * C, C)])

        for q in range(4):
            idx_copy(q, q).start()
        idx_copy(0, 0).wait()
        gather(0, 0).start()

        def quad_body(t, carry):
            for i in range(4):
                c = 4 * t + i
                q = i
                p = i % 2
                gather(q, p).wait()

                @pl.when(c + 4 < CHUNKS)
                def _():
                    idx_copy(c + 4, q).start()

                @pl.when(c + 1 < CHUNKS)
                def _():
                    idx_copy(c + 1, (q + 1) % 4).wait()
                    gather((q + 1) % 4, (p + 1) % 2).start()

                reduce_chunk(c, p)
            return carry

        lax.fori_loop(0, CHUNKS // 4, quad_body, 0)

    return k(iidx, item_table)


def _sc_user(uidx, user_table):
    @functools.partial(
        pl.kernel,
        mesh=_mesh(),
        compiler_params=pltpu.CompilerParams(use_tc_tiling_on_sc=False),
        out_type=jax.ShapeDtypeStruct((NB, E), jnp.bfloat16),
        scratch_types=[
            pltpu.VMEM((UC,), jnp.int32),
            pltpu.VMEM((UC,), jnp.int32),
            pltpu.VMEM((UC, E), jnp.bfloat16),
            pltpu.VMEM((UC, E), jnp.bfloat16),
            pltpu.SemaphoreType.DMA,
            pltpu.SemaphoreType.DMA,
        ],
    )
    def k(uidx_hbm, utab_hbm, a_out, idx0, idx1, rows0, rows1, sem0, sem1):
        wid = lax.axis_index("s") * NC + lax.axis_index("c")
        base_w = wid * BAGS_W

        idx_bufs = (idx0, idx1)
        row_bufs = (rows0, rows1)
        sems = (sem0, sem1)

        def issue(chunk, p):
            base = base_w + chunk * UC
            pltpu.sync_copy(uidx_hbm.at[pl.ds(base, UC)], idx_bufs[p])
            pltpu.make_async_copy(utab_hbm.at[idx_bufs[p]], row_bufs[p],
                                  sems[p]).start()

        issue(0, 0)
        issue(1, 1)
        for uc in range(UCHUNKS):
            p = uc % 2
            pltpu.make_async_copy(utab_hbm.at[idx_bufs[p]], row_bufs[p],
                                  sems[p]).wait()
            pltpu.sync_copy(row_bufs[p],
                            a_out.at[pl.ds(base_w + uc * UC, UC)])
            if uc + 2 < UCHUNKS:
                issue(uc + 2, p)

    return k(uidx, user_table)


BM = 512


def _tc_combine(a, bsum, Wb):
    def body(a_ref, b_ref, w_ref, o_ref):
        y = lax.dot_general(b_ref[...], w_ref[...], (((1,), (1,)), ((), ())),
                            preferred_element_type=jnp.float32)
        z = G * a_ref[...].astype(jnp.float32) + ((1.0 - G) / HIST) * y
        ss = jnp.sum(z * z, axis=1, keepdims=True)
        o_ref[...] = z / jnp.maximum(jnp.sqrt(ss), 1e-12)

    return pl.pallas_call(
        body,
        grid=(B // BM,),
        in_specs=[
            pl.BlockSpec((BM, EMB), lambda i: (i, 0)),
            pl.BlockSpec((BM, EMB), lambda i: (i, 0)),
            pl.BlockSpec((EMB, EMB), lambda i: (0, 0)),
        ],
        out_specs=pl.BlockSpec((BM, EMB), lambda i: (i, 0)),
        out_shape=jax.ShapeDtypeStruct((B, EMB), jnp.float32),
    )(a, bsum, Wb)


def kernel(user_idx, item_idx, user_table, item_table, W):
    iidx = item_idx.reshape(-1).astype(jnp.int32)
    itab = item_table.astype(jnp.bfloat16)
    bsum_flat = _sc_item(iidx, itab)
    uidx = user_idx.reshape(-1).astype(jnp.int32)
    utab = user_table.astype(jnp.bfloat16)
    a_flat = _sc_user(uidx, utab)
    a = a_flat.reshape(B, EMB)
    bsum = bsum_flat.reshape(B, EMB)
    return _tc_combine(a, bsum, W.astype(jnp.bfloat16))

# --- scband reference (transcript-rebuilt; emitter-appended) ---
"""Pipeline reference for scband-user-module-11690900980000 (READ-ONLY COPY).

The authoritative reference and input builder live on the scoring server;
editing this copy changes nothing except your own understanding.
"""

import jax, jax.numpy as jnp
import numpy as np

B = 4096
F_FIELDS = 26
E = 64
VOCAB = 100000
HIST = 20
G = 0.8
EMB_OUT = F_FIELDS * E  # 1664


def setup_inputs(seed: int = 0) -> dict:
    key = jax.random.key(seed)
    k1, k2, k3, k4, k5 = jax.random.split(key, 5)
    user_idx = jax.random.randint(k1, (B, F_FIELDS), 0, VOCAB, dtype=jnp.int64)
    item_idx = jax.random.randint(k2, (B, F_FIELDS, HIST), 0, VOCAB, dtype=jnp.int64)
    # NormalTensorInitializer(var=0.0001) -> std = 0.01
    user_table = jax.random.normal(k3, (VOCAB, E), dtype=jnp.float32) * 0.01
    item_table = jax.random.normal(k4, (VOCAB, E), dtype=jnp.float32) * 0.01
    # xavier_uniform for Linear(EMB_OUT, EMB_OUT, bias=False)
    limit = float(np.sqrt(6.0 / (EMB_OUT + EMB_OUT)))
    W = jax.random.uniform(k5, (EMB_OUT, EMB_OUT), dtype=jnp.float32, minval=-limit, maxval=limit)
    return {"user_idx": user_idx, "item_idx": item_idx, "user_table": user_table, "item_table": item_table, "W": W}


def reference(user_idx, item_idx, user_table, item_table, W):
    # EmbeddingSumConcat over user features: one index per field, sum within
    # field (trivial), concat across fields -> [B, F_FIELDS * E]
    a = jnp.take(user_table, user_idx, axis=0).reshape(B, EMB_OUT)
    # EmbeddingSumConcat with embedding_bag_mode='mean': mean over the HIST
    # bag per field, concat across fields -> [B, F_FIELDS * E]
    b = jnp.take(item_table, item_idx, axis=0).mean(axis=2).reshape(B, EMB_OUT)
    # SimpleXDense: y = average_pooling(b) = b @ W^T ; z = g*a + (1-g)*y
    y = b @ W.T
    z = G * a + (1.0 - G) * y
    # F.normalize(z): L2 normalize along dim=1, eps=1e-12
    norm = jnp.linalg.norm(z, axis=1, keepdims=True)
    return z / jnp.maximum(norm, 1e-12)

if __name__ == "__main__":
    import jax
    _d = setup_inputs()
    print(jax.jit(kernel)(*tuple(_d.values())))

</pallas_src>

<mosaic_0001>
#map = affine_map<(d0, d1) -> (0)>
#map1 = affine_map<(d0, d1) -> (0, 0)>
module attributes {stable_mosaic.version = 14 : i64} {
  func.func @k(%arg0: i32, %arg1: i32, %arg2: memref<106496xi32, #tpu.memory_space<hbm>>, %arg3: memref<100000x64xbf16, #tpu.memory_space<hbm>>, %arg4: memref<106496x64xbf16, #tpu.memory_space<hbm>>, %arg5: memref<832xi32, #tpu.memory_space<vmem>>, %arg6: memref<832xi32, #tpu.memory_space<vmem>>, %arg7: memref<832x64xbf16, #tpu.memory_space<vmem>>, %arg8: memref<832x64xbf16, #tpu.memory_space<vmem>>, %arg9: memref<!tpu.dma_semaphore, #tpu.memory_space<semaphore_mem>>, %arg10: memref<!tpu.dma_semaphore, #tpu.memory_space<semaphore_mem>>) attributes {dimension_semantics = [#tpu.dimension_semantics<core_parallel>, #tpu.dimension_semantics<subcore_parallel>], iteration_bounds = array<i64: 2, 16>, scalar_prefetch = 0 : i64, scratch_operands = 6 : i64, tpu.core_type = #tpu.core_type<sc_vector_subcore>, window_params = [{transform_indices = #map}, {transform_indices = #map1}, {transform_indices = #map1}]} {
    %mul3A = arith.constant 2 : i32
    %mul3A_0 = arith.muli %arg1, %mul3A : i32
    %add3A = arith.addi %mul3A_0, %arg0 : i32
    %mul3A_1 = arith.constant 3328 : i32
    %mul3A_2 = arith.muli %add3A, %mul3A_1 : i32
    %add3A_3 = arith.constant 0 : i32
    %add3A_4 = arith.addi %mul3A_2, %add3A_3 : i32
    "tpu.region"() ({
      %run_scoped3A = tpu.sem_alloc : memref<!tpu.dma_semaphore, #tpu.memory_space<semaphore_mem>>
      %dma_start3A_41 = tpu.memref_slice %arg2[%add3A_4] : memref<106496xi32, #tpu.memory_space<hbm>> -> memref<832xi32, #tpu.memory_space<hbm>>
      %dma_start3A_42 = tpu.memref_slice %arg2[%add3A_4] : memref<106496xi32, #tpu.memory_space<hbm>> -> memref<832xi32, #tpu.memory_space<hbm>>
      tpu.enqueue_dma source(%dma_start3A_42 : memref<832xi32, #tpu.memory_space<hbm>>) target(%arg5 : memref<832xi32, #tpu.memory_space<vmem>>) target_semaphore(%run_scoped3A : memref<!tpu.dma_semaphore, #tpu.memory_space<semaphore_mem>>)
      %dma_wait3A_43 = tpu.memref_slice %arg2[%add3A_4] : memref<106496xi32, #tpu.memory_space<hbm>> -> memref<832xi32, #tpu.memory_space<hbm>>
      %dma_wait3A_44 = tpu.memref_slice %arg2[%add3A_4] : memref<106496xi32, #tpu.memory_space<hbm>> -> memref<832xi32, #tpu.memory_space<hbm>>
      tpu.wait_dma2 semaphore(%run_scoped3A : memref<!tpu.dma_semaphore, #tpu.memory_space<semaphore_mem>>) src(%dma_wait3A_44 : memref<832xi32, #tpu.memory_space<hbm>>) dst(%arg5 : memref<832xi32, #tpu.memory_space<vmem>>)
      tpu.yield
    }) : () -> ()
    %dma_start3A = arith.constant 0 : i32
    %dma_start3A_5 = arith.constant 0 : i32
    %dma_start3A_6 = tpu.memref_slice %arg3[%dma_start3A, %dma_start3A_5] : memref<100000x64xbf16, #tpu.memory_space<hbm>> -> memref<100000x64xbf16, #tpu.memory_space<hbm>>
    tpu.enqueue_indirect_dma source(%dma_start3A_6 : memref<100000x64xbf16, #tpu.memory_space<hbm>>) target(%arg7 : memref<832x64xbf16, #tpu.memory_space<vmem>>) offsets(%arg5 : memref<832xi32, #tpu.memory_space<vmem>>) semaphore(%arg9 : memref<!tpu.dma_semaphore, #tpu.memory_space<semaphore_mem>>)
    %add3A_7 = arith.constant 832 : i32
    %add3A_8 = arith.addi %mul3A_2, %add3A_7 : i32
    "tpu.region"() ({
      %run_scoped3A = tpu.sem_alloc : memref<!tpu.dma_semaphore, #tpu.memory_space<semaphore_mem>>
      %dma_start3A_41 = tpu.memref_slice %arg2[%add3A_8] : memref<106496xi32, #tpu.memory_space<hbm>> -> memref<832xi32, #tpu.memory_space<hbm>>
      %dma_start3A_42 = tpu.memref_slice %arg2[%add3A_8] : memref<106496xi32, #tpu.memory_space<hbm>> -> memref<832xi32, #tpu.memory_space<hbm>>
      tpu.enqueue_dma source(%dma_start3A_42 : memref<832xi32, #tpu.memory_space<hbm>>) target(%arg6 : memref<832xi32, #tpu.memory_space<vmem>>) target_semaphore(%run_scoped3A : memref<!tpu.dma_semaphore, #tpu.memory_space<semaphore_mem>>)
      %dma_wait3A_43 = tpu.memref_slice %arg2[%add3A_8] : memref<106496xi32, #tpu.memory_space<hbm>> -> memref<832xi32, #tpu.memory_space<hbm>>
      %dma_wait3A_44 = tpu.memref_slice %arg2[%add3A_8] : memref<106496xi32, #tpu.memory_space<hbm>> -> memref<832xi32, #tpu.memory_space<hbm>>
      tpu.wait_dma2 semaphore(%run_scoped3A : memref<!tpu.dma_semaphore, #tpu.memory_space<semaphore_mem>>) src(%dma_wait3A_44 : memref<832xi32, #tpu.memory_space<hbm>>) dst(%arg6 : memref<832xi32, #tpu.memory_space<vmem>>)
      tpu.yield
    }) : () -> ()
    %dma_start3A_9 = arith.constant 0 : i32
    %dma_start3A_10 = arith.constant 0 : i32
    %dma_start3A_11 = tpu.memref_slice %arg3[%dma_start3A_9, %dma_start3A_10] : memref<100000x64xbf16, #tpu.memory_space<hbm>> -> memref<100000x64xbf16, #tpu.memory_space<hbm>>
    tpu.enqueue_indirect_dma source(%dma_start3A_11 : memref<100000x64xbf16, #tpu.memory_space<hbm>>) target(%arg8 : memref<832x64xbf16, #tpu.memory_space<vmem>>) offsets(%arg6 : memref<832xi32, #tpu.memory_space<vmem>>) semaphore(%arg10 : memref<!tpu.dma_semaphore, #tpu.memory_space<semaphore_mem>>)
    %dma_wait3A = arith.constant 0 : i32
    %dma_wait3A_12 = arith.constant 0 : i32
    %dma_wait3A_13 = tpu.memref_slice %arg3[%dma_wait3A, %dma_wait3A_12] : memref<100000x64xbf16, #tpu.memory_space<hbm>> -> memref<100000x64xbf16, #tpu.memory_space<hbm>>
    tpu.wait_indirect_dma semaphore(%arg9 : memref<!tpu.dma_semaphore, #tpu.memory_space<semaphore_mem>>) src(%dma_wait3A_13 : memref<100000x64xbf16, #tpu.memory_space<hbm>>) dst(%arg7 : memref<832x64xbf16, #tpu.memory_space<vmem>>)
    %add3A_14 = arith.constant 0 : i32
    %add3A_15 = arith.addi %mul3A_2, %add3A_14 : i32
    "tpu.region"() ({
      %run_scoped3A = tpu.sem_alloc : memref<!tpu.dma_semaphore, #tpu.memory_space<semaphore_mem>>
      %dma_start3A_41 = arith.constant 0 : i32
      %dma_start3A_42 = tpu.memref_slice %arg4[%add3A_15, %dma_start3A_41] : memref<106496x64xbf16, #tpu.memory_space<hbm>> -> memref<832x64xbf16, #tpu.memory_space<hbm>>
      %dma_start3A_43 = arith.constant 0 : i32
      %dma_start3A_44 = tpu.memref_slice %arg4[%add3A_15, %dma_start3A_43] : memref<106496x64xbf16, #tpu.memory_space<hbm>> -> memref<832x64xbf16, #tpu.memory_space<hbm>>
      tpu.enqueue_dma source(%arg7 : memref<832x64xbf16, #tpu.memory_space<vmem>>) target(%dma_start3A_44 : memref<832x64xbf16, #tpu.memory_space<hbm>>) target_semaphore(%run_scoped3A : memref<!tpu.dma_semaphore, #tpu.memory_space<semaphore_mem>>)
      %dma_wait3A_45 = arith.constant 0 : i32
      %dma_wait3A_46 = tpu.memref_slice %arg4[%add3A_15, %dma_wait3A_45] : memref<106496x64xbf16, #tpu.memory_space<hbm>> -> memref<832x64xbf16, #tpu.memory_space<hbm>>
      %dma_wait3A_47 = arith.constant 0 : i32
      %dma_wait3A_48 = tpu.memref_slice %arg4[%add3A_15, %dma_wait3A_47] : memref<106496x64xbf16, #tpu.memory_space<hbm>> -> memref<832x64xbf16, #tpu.memory_space<hbm>>
      tpu.wait_dma2 semaphore(%run_scoped3A : memref<!tpu.dma_semaphore, #tpu.memory_space<semaphore_mem>>) src(%arg7 : memref<832x64xbf16, #tpu.memory_space<vmem>>) dst(%dma_wait3A_48 : memref<832x64xbf16, #tpu.memory_space<hbm>>)
      tpu.yield
    }) : () -> ()
    %add3A_16 = arith.constant 1664 : i32
    %add3A_17 = arith.addi %mul3A_2, %add3A_16 : i32
    "tpu.region"() ({
      %run_scoped3A = tpu.sem_alloc : memref<!tpu.dma_semaphore, #tpu.memory_space<semaphore_mem>>
      %dma_start3A_41 = tpu.memref_slice %arg2[%add3A_17] : memref<106496xi32, #tpu.memory_space<hbm>> -> memref<832xi32, #tpu.memory_space<hbm>>
      %dma_start3A_42 = tpu.memref_slice %arg2[%add3A_17] : memref<106496xi32, #tpu.memory_space<hbm>> -> memref<832xi32, #tpu.memory_space<hbm>>
      tpu.enqueue_dma source(%dma_start3A_42 : memref<832xi32, #tpu.memory_space<hbm>>) target(%arg5 : memref<832xi32, #tpu.memory_space<vmem>>) target_semaphore(%run_scoped3A : memref<!tpu.dma_semaphore, #tpu.memory_space<semaphore_mem>>)
      %dma_wait3A_43 = tpu.memref_slice %arg2[%add3A_17] : memref<106496xi32, #tpu.memory_space<hbm>> -> memref<832xi32, #tpu.memory_space<hbm>>
      %dma_wait3A_44 = tpu.memref_slice %arg2[%add3A_17] : memref<106496xi32, #tpu.memory_space<hbm>> -> memref<832xi32, #tpu.memory_space<hbm>>
      tpu.wait_dma2 semaphore(%run_scoped3A : memref<!tpu.dma_semaphore, #tpu.memory_space<semaphore_mem>>) src(%dma_wait3A_44 : memref<832xi32, #tpu.memory_space<hbm>>) dst(%arg5 : memref<832xi32, #tpu.memory_space<vmem>>)
      tpu.yield
    }) : () -> ()
    %dma_start3A_18 = arith.constant 0 : i32
    %dma_start3A_19 = arith.constant 0 : i32
    %dma_start3A_20 = tpu.memref_slice %arg3[%dma_start3A_18, %dma_start3A_19] : memref<100000x64xbf16, #tpu.memory_space<hbm>> -> memref<100000x64xbf16, #tpu.memory_space<hbm>>
    tpu.enqueue_indirect_dma source(%dma_start3A_20 : memref<100000x64xbf16, #tpu.memory_space<hbm>>) target(%arg7 : memref<832x64xbf16, #tpu.memory_space<vmem>>) offsets(%arg5 : memref<832xi32, #tpu.memory_space<vmem>>) semaphore(%arg9 : memref<!tpu.dma_semaphore, #tpu.memory_space<semaphore_mem>>)
    %dma_wait3A_21 = arith.constant 0 : i32
    %dma_wait3A_22 = arith.constant 0 : i32
    %dma_wait3A_23 = tpu.memref_slice %arg3[%dma_wait3A_21, %dma_wait3A_22] : memref<100000x64xbf16, #tpu.memory_space<hbm>> -> memref<100000x64xbf16, #tpu.memory_space<hbm>>
    tpu.wait_indirect_dma semaphore(%arg10 : memref<!tpu.dma_semaphore, #tpu.memory_space<semaphore_mem>>) src(%dma_wait3A_23 : memref<100000x64xbf16, #tpu.memory_space<hbm>>) dst(%arg8 : memref<832x64xbf16, #tpu.memory_space<vmem>>)
    %add3A_24 = arith.constant 832 : i32
    %add3A_25 = arith.addi %mul3A_2, %add3A_24 : i32
    "tpu.region"() ({
      %run_scoped3A = tpu.sem_alloc : memref<!tpu.dma_semaphore, #tpu.memory_space<semaphore_mem>>
      %dma_start3A_41 = arith.constant 0 : i32
      %dma_start3A_42 = tpu.memref_slice %arg4[%add3A_25, %dma_start3A_41] : memref<106496x64xbf16, #tpu.memory_space<hbm>> -> memref<832x64xbf16, #tpu.memory_space<hbm>>
      %dma_start3A_43 = arith.constant 0 : i32
      %dma_start3A_44 = tpu.memref_slice %arg4[%add3A_25, %dma_start3A_43] : memref<106496x64xbf16, #tpu.memory_space<hbm>> -> memref<832x64xbf16, #tpu.memory_space<hbm>>
      tpu.enqueue_dma source(%arg8 : memref<832x64xbf16, #tpu.memory_space<vmem>>) target(%dma_start3A_44 : memref<832x64xbf16, #tpu.memory_space<hbm>>) target_semaphore(%run_scoped3A : memref<!tpu.dma_semaphore, #tpu.memory_space<semaphore_mem>>)
      %dma_wait3A_45 = arith.constant 0 : i32
      %dma_wait3A_46 = tpu.memref_slice %arg4[%add3A_25, %dma_wait3A_45] : memref<106496x64xbf16, #tpu.memory_space<hbm>> -> memref<832x64xbf16, #tpu.memory_space<hbm>>
      %dma_wait3A_47 = arith.constant 0 : i32
      %dma_wait3A_48 = tpu.memref_slice %arg4[%add3A_25, %dma_wait3A_47] : memref<106496x64xbf16, #tpu.memory_space<hbm>> -> memref<832x64xbf16, #tpu.memory_space<hbm>>
      tpu.wait_dma2 semaphore(%run_scoped3A : memref<!tpu.dma_semaphore, #tpu.memory_space<semaphore_mem>>) src(%arg8 : memref<832x64xbf16, #tpu.memory_space<vmem>>) dst(%dma_wait3A_48 : memref<832x64xbf16, #tpu.memory_space<hbm>>)
      tpu.yield
    }) : () -> ()
    %add3A_26 = arith.constant 2496 : i32
    %add3A_27 = arith.addi %mul3A_2, %add3A_26 : i32
    "tpu.region"() ({
      %run_scoped3A = tpu.sem_alloc : memref<!tpu.dma_semaphore, #tpu.memory_space<semaphore_mem>>
      %dma_start3A_41 = tpu.memref_slice %arg2[%add3A_27] : memref<106496xi32, #tpu.memory_space<hbm>> -> memref<832xi32, #tpu.memory_space<hbm>>
      %dma_start3A_42 = tpu.memref_slice %arg2[%add3A_27] : memref<106496xi32, #tpu.memory_space<hbm>> -> memref<832xi32, #tpu.memory_space<hbm>>
      tpu.enqueue_dma source(%dma_start3A_42 : memref<832xi32, #tpu.memory_space<hbm>>) target(%arg6 : memref<832xi32, #tpu.memory_space<vmem>>) target_semaphore(%run_scoped3A : memref<!tpu.dma_semaphore, #tpu.memory_space<semaphore_mem>>)
      %dma_wait3A_43 = tpu.memref_slice %arg2[%add3A_27] : memref<106496xi32, #tpu.memory_space<hbm>> -> memref<832xi32, #tpu.memory_space<hbm>>
      %dma_wait3A_44 = tpu.memref_slice %arg2[%add3A_27] : memref<106496xi32, #tpu.memory_space<hbm>> -> memref<832xi32, #tpu.memory_space<hbm>>
      tpu.wait_dma2 semaphore(%run_scoped3A : memref<!tpu.dma_semaphore, #tpu.memory_space<semaphore_mem>>) src(%dma_wait3A_44 : memref<832xi32, #tpu.memory_space<hbm>>) dst(%arg6 : memref<832xi32, #tpu.memory_space<vmem>>)
      tpu.yield
    }) : () -> ()
    %dma_start3A_28 = arith.constant 0 : i32
    %dma_start3A_29 = arith.constant 0 : i32
    %dma_start3A_30 = tpu.memref_slice %arg3[%dma_start3A_28, %dma_start3A_29] : memref<100000x64xbf16, #tpu.memory_space<hbm>> -> memref<100000x64xbf16, #tpu.memory_space<hbm>>
    tpu.enqueue_indirect_dma source(%dma_start3A_30 : memref<100000x64xbf16, #tpu.memory_space<hbm>>) target(%arg8 : memref<832x64xbf16, #tpu.memory_space<vmem>>) offsets(%arg6 : memref<832xi32, #tpu.memory_space<vmem>>) semaphore(%arg10 : memref<!tpu.dma_semaphore, #tpu.memory_space<semaphore_mem>>)
    %dma_wait3A_31 = arith.constant 0 : i32
    %dma_wait3A_32 = arith.constant 0 : i32
    %dma_wait3A_33 = tpu.memref_slice %arg3[%dma_wait3A_31, %dma_wait3A_32] : memref<100000x64xbf16, #tpu.memory_space<hbm>> -> memref<100000x64xbf16, #tpu.memory_space<hbm>>
    tpu.wait_indirect_dma semaphore(%arg9 : memref<!tpu.dma_semaphore, #tpu.memory_space<semaphore_mem>>) src(%dma_wait3A_33 : memref<100000x64xbf16, #tpu.memory_space<hbm>>) dst(%arg7 : memref<832x64xbf16, #tpu.memory_space<vmem>>)
    %add3A_34 = arith.constant 1664 : i32
    %add3A_35 = arith.addi %mul3A_2, %add3A_34 : i32
    "tpu.region"() ({
      %run_scoped3A = tpu.sem_alloc : memref<!tpu.dma_semaphore, #tpu.memory_space<semaphore_mem>>
      %dma_start3A_41 = arith.constant 0 : i32
      %dma_start3A_42 = tpu.memref_slice %arg4[%add3A_35, %dma_start3A_41] : memref<106496x64xbf16, #tpu.memory_space<hbm>> -> memref<832x64xbf16, #tpu.memory_space<hbm>>
      %dma_start3A_43 = arith.constant 0 : i32
      %dma_start3A_44 = tpu.memref_slice %arg4[%add3A_35, %dma_start3A_43] : memref<106496x64xbf16, #tpu.memory_space<hbm>> -> memref<832x64xbf16, #tpu.memory_space<hbm>>
      tpu.enqueue_dma source(%arg7 : memref<832x64xbf16, #tpu.memory_space<vmem>>) target(%dma_start3A_44 : memref<832x64xbf16, #tpu.memory_space<hbm>>) target_semaphore(%run_scoped3A : memref<!tpu.dma_semaphore, #tpu.memory_space<semaphore_mem>>)
      %dma_wait3A_45 = arith.constant 0 : i32
      %dma_wait3A_46 = tpu.memref_slice %arg4[%add3A_35, %dma_wait3A_45] : memref<106496x64xbf16, #tpu.memory_space<hbm>> -> memref<832x64xbf16, #tpu.memory_space<hbm>>
      %dma_wait3A_47 = arith.constant 0 : i32
      %dma_wait3A_48 = tpu.memref_slice %arg4[%add3A_35, %dma_wait3A_47] : memref<106496x64xbf16, #tpu.memory_space<hbm>> -> memref<832x64xbf16, #tpu.memory_space<hbm>>
      tpu.wait_dma2 semaphore(%run_scoped3A : memref<!tpu.dma_semaphore, #tpu.memory_space<semaphore_mem>>) src(%arg7 : memref<832x64xbf16, #tpu.memory_space<vmem>>) dst(%dma_wait3A_48 : memref<832x64xbf16, #tpu.memory_space<hbm>>)
      tpu.yield
    }) : () -> ()
    %dma_wait3A_36 = arith.constant 0 : i32
    %dma_wait3A_37 = arith.constant 0 : i32
    %dma_wait3A_38 = tpu.memref_slice %arg3[%dma_wait3A_36, %dma_wait3A_37] : memref<100000x64xbf16, #tpu.memory_space<hbm>> -> memref<100000x64xbf16, #tpu.memory_space<hbm>>
    tpu.wait_indirect_dma semaphore(%arg10 : memref<!tpu.dma_semaphore, #tpu.memory_space<semaphore_mem>>) src(%dma_wait3A_38 : memref<100000x64xbf16, #tpu.memory_space<hbm>>) dst(%arg8 : memref<832x64xbf16, #tpu.memory_space<vmem>>)
    %add3A_39 = arith.constant 2496 : i32
    %add3A_40 = arith.addi %mul3A_2, %add3A_39 : i32
    "tpu.region"() ({
      %run_scoped3A = tpu.sem_alloc : memref<!tpu.dma_semaphore, #tpu.memory_space<semaphore_mem>>
      %dma_start3A_41 = arith.constant 0 : i32
      %dma_start3A_42 = tpu.memref_slice %arg4[%add3A_40, %dma_start3A_41] : memref<106496x64xbf16, #tpu.memory_space<hbm>> -> memref<832x64xbf16, #tpu.memory_space<hbm>>
      %dma_start3A_43 = arith.constant 0 : i32
      %dma_start3A_44 = tpu.memref_slice %arg4[%add3A_40, %dma_start3A_43] : memref<106496x64xbf16, #tpu.memory_space<hbm>> -> memref<832x64xbf16, #tpu.memory_space<hbm>>
      tpu.enqueue_dma source(%arg8 : memref<832x64xbf16, #tpu.memory_space<vmem>>) target(%dma_start3A_44 : memref<832x64xbf16, #tpu.memory_space<hbm>>) target_semaphore(%run_scoped3A : memref<!tpu.dma_semaphore, #tpu.memory_space<semaphore_mem>>)
      %dma_wait3A_45 = arith.constant 0 : i32
      %dma_wait3A_46 = tpu.memref_slice %arg4[%add3A_40, %dma_wait3A_45] : memref<106496x64xbf16, #tpu.memory_space<hbm>> -> memref<832x64xbf16, #tpu.memory_space<hbm>>
      %dma_wait3A_47 = arith.constant 0 : i32
      %dma_wait3A_48 = tpu.memref_slice %arg4[%add3A_40, %dma_wait3A_47] : memref<106496x64xbf16, #tpu.memory_space<hbm>> -> memref<832x64xbf16, #tpu.memory_space<hbm>>
      tpu.wait_dma2 semaphore(%run_scoped3A : memref<!tpu.dma_semaphore, #tpu.memory_space<semaphore_mem>>) src(%arg8 : memref<832x64xbf16, #tpu.memory_space<vmem>>) dst(%dma_wait3A_48 : memref<832x64xbf16, #tpu.memory_space<hbm>>)
      tpu.yield
    }) : () -> ()
    return
  }
}

#map = affine_map<(d0, d1) -> (0)>
#map1 = affine_map<(d0, d1) -> (0, 0)>
module attributes {stable_mosaic.version = 14 : i64} {
  func.func @k(%arg0: i32, %arg1: i32, %arg2: memref<2129920xi32, #tpu.memory_space<hbm>>, %arg3: memref<100000x64xbf16, #tpu.memory_space<hbm>>, %arg4: memref<106496x64xbf16, #tpu.memory_space<hbm>>, %arg5: memref<1280xi32, #tpu.memory_space<vmem>>, %arg6: memref<1280xi32, #tpu.memory_space<vmem>>, %arg7: memref<1280xi32, #tpu.memory_space<vmem>>, %arg8: memref<1280xi32, #tpu.memory_space<vmem>>, %arg9: memref<1280x64xbf16, #tpu.memory_space<vmem>>, %arg10: memref<1280x64xbf16, #tpu.memory_space<vmem>>, %arg11: memref<64x64xbf16, #tpu.memory_space<vmem>>, %arg12: memref<!tpu.dma_semaphore, #tpu.memory_space<semaphore_mem>>, %arg13: memref<!tpu.dma_semaphore, #tpu.memory_space<semaphore_mem>>, %arg14: memref<!tpu.dma_semaphore, #tpu.memory_space<semaphore_mem>>, %arg15: memref<!tpu.dma_semaphore, #tpu.memory_space<semaphore_mem>>, %arg16: memref<!tpu.dma_semaphore, #tpu.memory_space<semaphore_mem>>, %arg17: memref<!tpu.dma_semaphore, #tpu.memory_space<semaphore_mem>>) attributes {dimension_semantics = [#tpu.dimension_semantics<core_parallel>, #tpu.dimension_semantics<subcore_parallel>], iteration_bounds = array<i64: 2, 16>, scalar_prefetch = 0 : i64, scratch_operands = 13 : i64, tpu.core_type = #tpu.core_type<sc_vector_subcore>, window_params = [{transform_indices = #map}, {transform_indices = #map1}, {transform_indices = #map1}]} {
    %mul3A = arith.constant 2 : i32
    %mul3A_0 = arith.muli %arg1, %mul3A : i32
    %add3A = arith.addi %mul3A_0, %arg0 : i32
    %mul3A_1 = arith.constant 3328 : i32
    %mul3A_2 = arith.muli %add3A, %mul3A_1 : i32
    %add3A_3 = arith.constant 0 : i32
    %add3A_4 = arith.addi %mul3A_2, %add3A_3 : i32
    %mul3A_5 = arith.constant 20 : i32
    %mul3A_6 = arith.muli %add3A_4, %mul3A_5 : i32
    %dma_start3A = tpu.memref_slice %arg2[%mul3A_6] : memref<2129920xi32, #tpu.memory_space<hbm>> -> memref<1280xi32, #tpu.memory_space<hbm>>
    %dma_start3A_7 = tpu.memref_slice %arg2[%mul3A_6] : memref<2129920xi32, #tpu.memory_space<hbm>> -> memref<1280xi32, #tpu.memory_space<hbm>>
    tpu.enqueue_dma source(%dma_start3A_7 : memref<1280xi32, #tpu.memory_space<hbm>>) target(%arg5 : memref<1280xi32, #tpu.memory_space<vmem>>) target_semaphore(%arg12 : memref<!tpu.dma_semaphore, #tpu.memory_space<semaphore_mem>>)
    %add3A_8 = arith.constant 64 : i32
    %add3A_9 = arith.addi %mul3A_2, %add3A_8 : i32
    %mul3A_10 = arith.constant 20 : i32
    %mul3A_11 = arith.muli %add3A_9, %mul3A_10 : i32
    %dma_start3A_12 = tpu.memref_slice %arg2[%mul3A_11] : memref<2129920xi32, #tpu.memory_space<hbm>> -> memref<1280xi32, #tpu.memory_space<hbm>>
    %dma_start3A_13 = tpu.memref_slice %arg2[%mul3A_11] : memref<2129920xi32, #tpu.memory_space<hbm>> -> memref<1280xi32, #tpu.memory_space<hbm>>
    tpu.enqueue_dma source(%dma_start3A_13 : memref<1280xi32, #tpu.memory_space<hbm>>) target(%arg6 : memref<1280xi32, #tpu.memory_space<vmem>>) target_semaphore(%arg13 : memref<!tpu.dma_semaphore, #tpu.memory_space<semaphore_mem>>)
    %add3A_14 = arith.constant 128 : i32
    %add3A_15 = arith.addi %mul3A_2, %add3A_14 : i32
    %mul3A_16 = arith.constant 20 : i32
    %mul3A_17 = arith.muli %add3A_15, %mul3A_16 : i32
    %dma_start3A_18 = tpu.memref_slice %arg2[%mul3A_17] : memref<2129920xi32, #tpu.memory_space<hbm>> -> memref<1280xi32, #tpu.memory_space<hbm>>
    %dma_start3A_19 = tpu.memref_slice %arg2[%mul3A_17] : memref<2129920xi32, #tpu.memory_space<hbm>> -> memref<1280xi32, #tpu.memory_space<hbm>>
    tpu.enqueue_dma source(%dma_start3A_19 : memref<1280xi32, #tpu.memory_space<hbm>>) target(%arg7 : memref<1280xi32, #tpu.memory_space<vmem>>) target_semaphore(%arg14 : memref<!tpu.dma_semaphore, #tpu.memory_space<semaphore_mem>>)
    %add3A_20 = arith.constant 192 : i32
    %add3A_21 = arith.addi %mul3A_2, %add3A_20 : i32
    %mul3A_22 = arith.constant 20 : i32
    %mul3A_23 = arith.muli %add3A_21, %mul3A_22 : i32
    %dma_start3A_24 = tpu.memref_slice %arg2[%mul3A_23] : memref<2129920xi32, #tpu.memory_space<hbm>> -> memref<1280xi32, #tpu.memory_space<hbm>>
    %dma_start3A_25 = tpu.memref_slice %arg2[%mul3A_23] : memref<2129920xi32, #tpu.memory_space<hbm>> -> memref<1280xi32, #tpu.memory_space<hbm>>
    tpu.enqueue_dma source(%dma_start3A_25 : memref<1280xi32, #tpu.memory_space<hbm>>) target(%arg8 : memref<1280xi32, #tpu.memory_space<vmem>>) target_semaphore(%arg15 : memref<!tpu.dma_semaphore, #tpu.memory_space<semaphore_mem>>)
    %add3A_26 = arith.constant 0 : i32
    %add3A_27 = arith.addi %mul3A_2, %add3A_26 : i32
    %mul3A_28 = arith.constant 20 : i32
    %mul3A_29 = arith.muli %add3A_27, %mul3A_28 : i32
    %dma_wait3A = tpu.memref_slice %arg2[%mul3A_29] : memref<2129920xi32, #tpu.memory_space<hbm>> -> memref<1280xi32, #tpu.memory_space<hbm>>
    %dma_wait3A_30 = tpu.memref_slice %arg2[%mul3A_29] : memref<2129920xi32, #tpu.memory_space<hbm>> -> memref<1280xi32, #tpu.memory_space<hbm>>
    tpu.wait_dma2 semaphore(%arg12 : memref<!tpu.dma_semaphore, #tpu.memory_space<semaphore_mem>>) src(%dma_wait3A_30 : memref<1280xi32, #tpu.memory_space<hbm>>) dst(%arg5 : memref<1280xi32, #tpu.memory_space<vmem>>)
    %dma_start3A_31 = arith.constant 0 : i32
    %dma_start3A_32 = arith.constant 0 : i32
    %dma_start3A_33 = tpu.memref_slice %arg3[%dma_start3A_31, %dma_start3A_32] : memref<100000x64xbf16, #tpu.memory_space<hbm>> -> memref<100000x64xbf16, #tpu.memory_space<hbm>>
    tpu.enqueue_indirect_dma source(%dma_start3A_33 : memref<100000x64xbf16, #tpu.memory_space<hbm>>) target(%arg9 : memref<1280x64xbf16, #tpu.memory_space<vmem>>) offsets(%arg5 : memref<1280xi32, #tpu.memory_space<vmem>>) semaphore(%arg16 : memref<!tpu.dma_semaphore, #tpu.memory_space<semaphore_mem>>)
    %scan3A = arith.constant 0 : i32
    %scan3A_34 = arith.constant 0 : i32
    %scan3A_35 = arith.constant 13 : i32
    %scan3A_36 = arith.addi %scan3A_34, %scan3A_35 : i32
    %scan3A_37 = arith.constant 1 : i32
    scf.for %scan3A_39 = %scan3A_34 to %scan3A_36 step %scan3A_37  : i32 {
      %mul3A_40 = arith.constant 4 : i32
      %mul3A_41 = arith.muli %mul3A_40, %scan3A_39 : i32
      %add3A_42 = arith.constant 0 : i32
      %add3A_43 = arith.addi %mul3A_41, %add3A_42 : i32
      %dma_wait3A_44 = arith.constant 0 : i32
      %dma_wait3A_45 = arith.constant 0 : i32
      %dma_wait3A_46 = tpu.memref_slice %arg3[%dma_wait3A_44, %dma_wait3A_45] : memref<100000x64xbf16, #tpu.memory_space<hbm>> -> memref<100000x64xbf16, #tpu.memory_space<hbm>>
      tpu.wait_indirect_dma semaphore(%arg16 : memref<!tpu.dma_semaphore, #tpu.memory_space<semaphore_mem>>) src(%dma_wait3A_46 : memref<100000x64xbf16, #tpu.memory_space<hbm>>) dst(%arg9 : memref<1280x64xbf16, #tpu.memory_space<vmem>>)
      %add3A_47 = arith.constant 4 : i32
      %add3A_48 = arith.addi %add3A_43, %add3A_47 : i32
      %lt3A = arith.constant 52 : i32
      %lt3A_49 = arith.cmpi slt, %add3A_48, %lt3A : i32
      %convert_element_type3A = arith.extui %lt3A_49 : i1 to i32
      %cond3A = arith.constant 0 : i32
      %cond3A_50 = arith.cmpi ne, %convert_element_type3A, %cond3A : i32
      scf.if %cond3A_50 {
        %add3A_157 = arith.constant 4 : i32
        %add3A_158 = arith.addi %add3A_43, %add3A_157 : i32
        %mul3A_159 = arith.constant 64 : i32
        %mul3A_160 = arith.muli %add3A_158, %mul3A_159 : i32
        %add3A_161 = arith.addi %mul3A_2, %mul3A_160 : i32
        %mul3A_162 = arith.constant 20 : i32
        %mul3A_163 = arith.muli %add3A_161, %mul3A_162 : i32
        %dma_start3A_164 = tpu.memref_slice %arg2[%mul3A_163] : memref<2129920xi32, #tpu.memory_space<hbm>> -> memref<1280xi32, #tpu.memory_space<hbm>>
        %dma_start3A_165 = tpu.memref_slice %arg2[%mul3A_163] : memref<2129920xi32, #tpu.memory_space<hbm>> -> memref<1280xi32, #tpu.memory_space<hbm>>
        tpu.enqueue_dma source(%dma_start3A_165 : memref<1280xi32, #tpu.memory_space<hbm>>) target(%arg5 : memref<1280xi32, #tpu.memory_space<vmem>>) target_semaphore(%arg12 : memref<!tpu.dma_semaphore, #tpu.memory_space<semaphore_mem>>)
      } else {
      }
      %add3A_51 = arith.constant 1 : i32
      %add3A_52 = arith.addi %add3A_43, %add3A_51 : i32
      %lt3A_53 = arith.constant 52 : i32
      %lt3A_54 = arith.cmpi slt, %add3A_52, %lt3A_53 : i32
      %convert_element_type3A_55 = arith.extui %lt3A_54 : i1 to i32
      %cond3A_56 = arith.constant 0 : i32
      %cond3A_57 = arith.cmpi ne, %convert_element_type3A_55, %cond3A_56 : i32
      scf.if %cond3A_57 {
        %add3A_157 = arith.constant 1 : i32
        %add3A_158 = arith.addi %add3A_43, %add3A_157 : i32
        %mul3A_159 = arith.constant 64 : i32
        %mul3A_160 = arith.muli %add3A_158, %mul3A_159 : i32
        %add3A_161 = arith.addi %mul3A_2, %mul3A_160 : i32
        %mul3A_162 = arith.constant 20 : i32
        %mul3A_163 = arith.muli %add3A_161, %mul3A_162 : i32
        %dma_wait3A_164 = tpu.memref_slice %arg2[%mul3A_163] : memref<2129920xi32, #tpu.memory_space<hbm>> -> memref<1280xi32, #tpu.memory_space<hbm>>
        %dma_wait3A_165 = tpu.memref_slice %arg2[%mul3A_163] : memref<2129920xi32, #tpu.memory_space<hbm>> -> memref<1280xi32, #tpu.memory_space<hbm>>
        tpu.wait_dma2 semaphore(%arg13 : memref<!tpu.dma_semaphore, #tpu.memory_space<semaphore_mem>>) src(%dma_wait3A_165 : memref<1280xi32, #tpu.memory_space<hbm>>) dst(%arg6 : memref<1280xi32, #tpu.memory_space<vmem>>)
        %dma_start3A_166 = arith.constant 0 : i32
        %dma_start3A_167 = arith.constant 0 : i32
        %dma_start3A_168 = tpu.memref_slice %arg3[%dma_start3A_166, %dma_start3A_167] : memref<100000x64xbf16, #tpu.memory_space<hbm>> -> memref<100000x64xbf16, #tpu.memory_space<hbm>>
        tpu.enqueue_indirect_dma source(%dma_start3A_168 : memref<100000x64xbf16, #tpu.memory_space<hbm>>) target(%arg10 : memref<1280x64xbf16, #tpu.memory_space<vmem>>) offsets(%arg6 : memref<1280xi32, #tpu.memory_space<vmem>>) semaphore(%arg17 : memref<!tpu.dma_semaphore, #tpu.memory_space<semaphore_mem>>)
      } else {
      }
      %scan3A_58 = arith.constant 0 : i32
      %scan3A_59 = arith.constant 0 : i32
      %scan3A_60 = arith.constant 64 : i32
      %scan3A_61 = arith.addi %scan3A_59, %scan3A_60 : i32
      %scan3A_62 = arith.constant 1 : i32
      scf.for %scan3A_157 = %scan3A_59 to %scan3A_61 step %scan3A_62  : i32 {
        %mul3A_158 = arith.constant 20 : i32
        %mul3A_159 = arith.muli %scan3A_157, %mul3A_158 : i32
        %add3A_160 = arith.constant 0 : i32
        %add3A_161 = arith.addi %mul3A_159, %add3A_160 : i32
        %get3A = arith.index_cast %add3A_161 : i32 to index
        %get3A_162 = arith.constant 0 : index
        %get3A_163 = tpu.vector_load %arg9[%get3A, %get3A_162] {strides = array<i32>} : memref<1280x64xbf16, #tpu.memory_space<vmem>>, vector<1x32xbf16>,
        %get3A_164 = vector.shape_cast %get3A_163 : vector<1x32xbf16> to vector<32xbf16>
        %add3A_165 = arith.constant 1 : i32
        %add3A_166 = arith.addi %mul3A_159, %add3A_165 : i32
        %get3A_167 = arith.index_cast %add3A_166 : i32 to index
        %get3A_168 = arith.constant 0 : index
        %get3A_169 = tpu.vector_load %arg9[%get3A_167, %get3A_168] {strides = array<i32>} : memref<1280x64xbf16, #tpu.memory_space<vmem>>, vector<1x32xbf16>,
        %get3A_170 = vector.shape_cast %get3A_169 : vector<1x32xbf16> to vector<32xbf16>
        %add3A_171 = arith.constant 2 : i32
        %add3A_172 = arith.addi %mul3A_159, %add3A_171 : i32
        %get3A_173 = arith.index_cast %add3A_172 : i32 to index
        %get3A_174 = arith.constant 0 : index
        %get3A_175 = tpu.vector_load %arg9[%get3A_173, %get3A_174] {strides = array<i32>} : memref<1280x64xbf16, #tpu.memory_space<vmem>>, vector<1x32xbf16>,
        %get3A_176 = vector.shape_cast %get3A_175 : vector<1x32xbf16> to vector<32xbf16>
        %add3A_177 = arith.constant 3 : i32
        %add3A_178 = arith.addi %mul3A_159, %add3A_177 : i32
        %get3A_179 = arith.index_cast %add3A_178 : i32 to index
        %get3A_180 = arith.constant 0 : index
        %get3A_181 = tpu.vector_load %arg9[%get3A_179, %get3A_180] {strides = array<i32>} : memref<1280x64xbf16, #tpu.memory_space<vmem>>, vector<1x32xbf16>,
        %get3A_182 = vector.shape_cast %get3A_181 : vector<1x32xbf16> to vector<32xbf16>
        %add3A_183 = arith.constant 4 : i32
        %add3A_184 = arith.addi %mul3A_159, %add3A_183 : i32
        %get3A_185 = arith.index_cast %add3A_184 : i32 to index
        %get3A_186 = arith.constant 0 : index
        %get3A_187 = tpu.vector_load %arg9[%get3A_185, %get3A_186] {strides = array<i32>} : memref<1280x64xbf16, #tpu.memory_space<vmem>>, vector<1x32xbf16>,
        %get3A_188 = vector.shape_cast %get3A_187 : vector<1x32xbf16> to vector<32xbf16>
        %add3A_189 = arith.constant 5 : i32
        %add3A_190 = arith.addi %mul3A_159, %add3A_189 : i32
        %get3A_191 = arith.index_cast %add3A_190 : i32 to index
        %get3A_192 = arith.constant 0 : index
        %get3A_193 = tpu.vector_load %arg9[%get3A_191, %get3A_192] {strides = array<i32>} : memref<1280x64xbf16, #tpu.memory_space<vmem>>, vector<1x32xbf16>,
        %get3A_194 = vector.shape_cast %get3A_193 : vector<1x32xbf16> to vector<32xbf16>
        %add3A_195 = arith.constant 6 : i32
        %add3A_196 = arith.addi %mul3A_159, %add3A_195 : i32
        %get3A_197 = arith.index_cast %add3A_196 : i32 to index
        %get3A_198 = arith.constant 0 : index
        %get3A_199 = tpu.vector_load %arg9[%get3A_197, %get3A_198] {strides = array<i32>} : memref<1280x64xbf16, #tpu.memory_space<vmem>>, vector<1x32xbf16>,
        %get3A_200 = vector.shape_cast %get3A_199 : vector<1x32xbf16> to vector<32xbf16>
        %add3A_201 = arith.constant 7 : i32
        %add3A_202 = arith.addi %mul3A_159, %add3A_201 : i32
        %get3A_203 = arith.index_cast %add3A_202 : i32 to index
        %get3A_204 = arith.constant 0 : index
        %get3A_205 = tpu.vector_load %arg9[%get3A_203, %get3A_204] {strides = array<i32>} : memref<1280x64xbf16, #tpu.memory_space<vmem>>, vector<1x32xbf16>,
        %get3A_206 = vector.shape_cast %get3A_205 : vector<1x32xbf16> to vector<32xbf16>
        %add3A_207 = arith.constant 8 : i32
        %add3A_208 = arith.addi %mul3A_159, %add3A_207 : i32
        %get3A_209 = arith.index_cast %add3A_208 : i32 to index
        %get3A_210 = arith.constant 0 : index
        %get3A_211 = tpu.vector_load %arg9[%get3A_209, %get3A_210] {strides = array<i32>} : memref<1280x64xbf16, #tpu.memory_space<vmem>>, vector<1x32xbf16>,
        %get3A_212 = vector.shape_cast %get3A_211 : vector<1x32xbf16> to vector<32xbf16>
        %add3A_213 = arith.constant 9 : i32
        %add3A_214 = arith.addi %mul3A_159, %add3A_213 : i32
        %get3A_215 = arith.index_cast %add3A_214 : i32 to index
        %get3A_216 = arith.constant 0 : index
        %get3A_217 = tpu.vector_load %arg9[%get3A_215, %get3A_216] {strides = array<i32>} : memref<1280x64xbf16, #tpu.memory_space<vmem>>, vector<1x32xbf16>,
        %get3A_218 = vector.shape_cast %get3A_217 : vector<1x32xbf16> to vector<32xbf16>
        %add3A_219 = arith.constant 10 : i32
        %add3A_220 = arith.addi %mul3A_159, %add3A_219 : i32
        %get3A_221 = arith.index_cast %add3A_220 : i32 to index
        %get3A_222 = arith.constant 0 : index
        %get3A_223 = tpu.vector_load %arg9[%get3A_221, %get3A_222] {strides = array<i32>} : memref<1280x64xbf16, #tpu.memory_space<vmem>>, vector<1x32xbf16>,
        %get3A_224 = vector.shape_cast %get3A_223 : vector<1x32xbf16> to vector<32xbf16>
        %add3A_225 = arith.constant 11 : i32
        %add3A_226 = arith.addi %mul3A_159, %add3A_225 : i32
        %get3A_227 = arith.index_cast %add3A_226 : i32 to index
        %get3A_228 = arith.constant 0 : index
        %get3A_229 = tpu.vector_load %arg9[%get3A_227, %get3A_228] {strides = array<i32>} : memref<1280x64xbf16, #tpu.memory_space<vmem>>, vector<1x32xbf16>,
        %get3A_230 = vector.shape_cast %get3A_229 : vector<1x32xbf16> to vector<32xbf16>
        %add3A_231 = arith.constant 12 : i32
        %add3A_232 = arith.addi %mul3A_159, %add3A_231 : i32
        %get3A_233 = arith.index_cast %add3A_232 : i32 to index
        %get3A_234 = arith.constant 0 : index
        %get3A_235 = tpu.vector_load %arg9[%get3A_233, %get3A_234] {strides = array<i32>} : memref<1280x64xbf16, #tpu.memory_space<vmem>>, vector<1x32xbf16>,
        %get3A_236 = vector.shape_cast %get3A_235 : vector<1x32xbf16> to vector<32xbf16>
        %add3A_237 = arith.constant 13 : i32
        %add3A_238 = arith.addi %mul3A_159, %add3A_237 : i32
        %get3A_239 = arith.index_cast %add3A_238 : i32 to index
        %get3A_240 = arith.constant 0 : index
        %get3A_241 = tpu.vector_load %arg9[%get3A_239, %get3A_240] {strides = array<i32>} : memref<1280x64xbf16, #tpu.memory_space<vmem>>, vector<1x32xbf16>,
        %get3A_242 = vector.shape_cast %get3A_241 : vector<1x32xbf16> to vector<32xbf16>
        %add3A_243 = arith.constant 14 : i32
        %add3A_244 = arith.addi %mul3A_159, %add3A_243 : i32
        %get3A_245 = arith.index_cast %add3A_244 : i32 to index
        %get3A_246 = arith.constant 0 : index
        %get3A_247 = tpu.vector_load %arg9[%get3A_245, %get3A_246] {strides = array<i32>} : memref<1280x64xbf16, #tpu.memory_space<vmem>>, vector<1x32xbf16>,
        %get3A_248 = vector.shape_cast %get3A_247 : vector<1x32xbf16> to vector<32xbf16>
        %add3A_249 = arith.constant 15 : i32
        %add3A_250 = arith.addi %mul3A_159, %add3A_249 : i32
        %get3A_251 = arith.index_cast %add3A_250 : i32 to index
        %get3A_252 = arith.constant 0 : index
        %get3A_253 = tpu.vector_load %arg9[%get3A_251, %get3A_252] {strides = array<i32>} : memref<1280x64xbf16, #tpu.memory_space<vmem>>, vector<1x32xbf16>,
        %get3A_254 = vector.shape_cast %get3A_253 : vector<1x32xbf16> to vector<32xbf16>
        %add3A_255 = arith.constant 16 : i32
        %add3A_256 = arith.addi %mul3A_159, %add3A_255 : i32
        %get3A_257 = arith.index_cast %add3A_256 : i32 to index
        %get3A_258 = arith.constant 0 : index
        %get3A_259 = tpu.vector_load %arg9[%get3A_257, %get3A_258] {strides = array<i32>} : memref<1280x64xbf16, #tpu.memory_space<vmem>>, vector<1x32xbf16>,
        %get3A_260 = vector.shape_cast %get3A_259 : vector<1x32xbf16> to vector<32xbf16>
        %add3A_261 = arith.constant 17 : i32
        %add3A_262 = arith.addi %mul3A_159, %add3A_261 : i32
        %get3A_263 = arith.index_cast %add3A_262 : i32 to index
        %get3A_264 = arith.constant 0 : index
        %get3A_265 = tpu.vector_load %arg9[%get3A_263, %get3A_264] {strides = array<i32>} : memref<1280x64xbf16, #tpu.memory_space<vmem>>, vector<1x32xbf16>,
        %get3A_266 = vector.shape_cast %get3A_265 : vector<1x32xbf16> to vector<32xbf16>
        %add3A_267 = arith.constant 18 : i32
        %add3A_268 = arith.addi %mul3A_159, %add3A_267 : i32
        %get3A_269 = arith.index_cast %add3A_268 : i32 to index
        %get3A_270 = arith.constant 0 : index
        %get3A_271 = tpu.vector_load %arg9[%get3A_269, %get3A_270] {strides = array<i32>} : memref<1280x64xbf16, #tpu.memory_space<vmem>>, vector<1x32xbf16>,
        %get3A_272 = vector.shape_cast %get3A_271 : vector<1x32xbf16> to vector<32xbf16>
        %add3A_273 = arith.constant 19 : i32
        %add3A_274 = arith.addi %mul3A_159, %add3A_273 : i32
        %get3A_275 = arith.index_cast %add3A_274 : i32 to index
        %get3A_276 = arith.constant 0 : index
        %get3A_277 = tpu.vector_load %arg9[%get3A_275, %get3A_276] {strides = array<i32>} : memref<1280x64xbf16, #tpu.memory_space<vmem>>, vector<1x32xbf16>,
        %get3A_278 = vector.shape_cast %get3A_277 : vector<1x32xbf16> to vector<32xbf16>
        %add3A_279 = arith.addf %get3A_164, %get3A_170 : vector<32xbf16>
        %add3A_280 = arith.addf %get3A_176, %get3A_182 : vector<32xbf16>
        %add3A_281 = arith.addf %get3A_188, %get3A_194 : vector<32xbf16>
        %add3A_282 = arith.addf %get3A_200, %get3A_206 : vector<32xbf16>
        %add3A_283 = arith.addf %get3A_212, %get3A_218 : vector<32xbf16>
        %add3A_284 = arith.addf %get3A_224, %get3A_230 : vector<32xbf16>
        %add3A_285 = arith.addf %get3A_236, %get3A_242 : vector<32xbf16>
        %add3A_286 = arith.addf %get3A_248, %get3A_254 : vector<32xbf16>
        %add3A_287 = arith.addf %get3A_260, %get3A_266 : vector<32xbf16>
        %add3A_288 = arith.addf %get3A_272, %get3A_278 : vector<32xbf16>
        %add3A_289 = arith.addf %add3A_279, %add3A_280 : vector<32xbf16>
        %add3A_290 = arith.addf %add3A_281, %add3A_282 : vector<32xbf16>
        %add3A_291 = arith.addf %add3A_283, %add3A_284 : vector<32xbf16>
        %add3A_292 = arith.addf %add3A_285, %add3A_286 : vector<32xbf16>
        %add3A_293 = arith.addf %add3A_287, %add3A_288 : vector<32xbf16>
        %add3A_294 = arith.addf %add3A_289, %add3A_290 : vector<32xbf16>
        %add3A_295 = arith.addf %add3A_291, %add3A_292 : vector<32xbf16>
        %add3A_296 = arith.addf %add3A_294, %add3A_295 : vector<32xbf16>
        %add3A_297 = arith.addf %add3A_296, %add3A_293 : vector<32xbf16>
        %swap3A = arith.index_cast %scan3A_157 : i32 to index
        %swap3A_298 = arith.constant 0 : index
        %swap3A_299 = tpu.vector_load %arg11[%swap3A, %swap3A_298] {strides = array<i32>} : memref<64x64xbf16, #tpu.memory_space<vmem>>, vector<1x32xbf16>,
        %swap3A_300 = vector.shape_cast %swap3A_299 : vector<1x32xbf16> to vector<32xbf16>
        %swap3A_301 = vector.shape_cast %add3A_297 : vector<32xbf16> to vector<1x32xbf16>
        tpu.vector_store %arg11[%swap3A, %swap3A_298], %swap3A_301 {strides = array<i32>} : memref<64x64xbf16, #tpu.memory_space<vmem>>, vector<1x32xbf16>,
        %add3A_302 = arith.constant 0 : i32
        %add3A_303 = arith.addi %mul3A_159, %add3A_302 : i32
        %get3A_304 = arith.index_cast %add3A_303 : i32 to index
        %get3A_305 = arith.constant 32 : index
        %get3A_306 = tpu.vector_load %arg9[%get3A_304, %get3A_305] {strides = array<i32>} : memref<1280x64xbf16, #tpu.memory_space<vmem>>, vector<1x32xbf16>,
        %get3A_307 = vector.shape_cast %get3A_306 : vector<1x32xbf16> to vector<32xbf16>
        %add3A_308 = arith.constant 1 : i32
        %add3A_309 = arith.addi %mul3A_159, %add3A_308 : i32
        %get3A_310 = arith.index_cast %add3A_309 : i32 to index
        %get3A_311 = arith.constant 32 : index
        %get3A_312 = tpu.vector_load %arg9[%get3A_310, %get3A_311] {strides = array<i32>} : memref<1280x64xbf16, #tpu.memory_space<vmem>>, vector<1x32xbf16>,
        %get3A_313 = vector.shape_cast %get3A_312 : vector<1x32xbf16> to vector<32xbf16>
        %add3A_314 = arith.constant 2 : i32
        %add3A_315 = arith.addi %mul3A_159, %add3A_314 : i32
        %get3A_316 = arith.index_cast %add3A_315 : i32 to index
        %get3A_317 = arith.constant 32 : index
        %get3A_318 = tpu.vector_load %arg9[%get3A_316, %get3A_317] {strides = array<i32>} : memref<1280x64xbf16, #tpu.memory_space<vmem>>, vector<1x32xbf16>,
        %get3A_319 = vector.shape_cast %get3A_318 : vector<1x32xbf16> to vector<32xbf16>
        %add3A_320 = arith.constant 3 : i32
        %add3A_321 = arith.addi %mul3A_159, %add3A_320 : i32
        %get3A_322 = arith.index_cast %add3A_321 : i32 to index
        %get3A_323 = arith.constant 32 : index
        %get3A_324 = tpu.vector_load %arg9[%get3A_322, %get3A_323] {strides = array<i32>} : memref<1280x64xbf16, #tpu.memory_space<vmem>>, vector<1x32xbf16>,
        %get3A_325 = vector.shape_cast %get3A_324 : vector<1x32xbf16> to vector<32xbf16>
        %add3A_326 = arith.constant 4 : i32
        %add3A_327 = arith.addi %mul3A_159, %add3A_326 : i32
        %get3A_328 = arith.index_cast %add3A_327 : i32 to index
        %get3A_329 = arith.constant 32 : index
        %get3A_330 = tpu.vector_load %arg9[%get3A_328, %get3A_329] {strides = array<i32>} : memref<1280x64xbf16, #tpu.memory_space<vmem>>, vector<1x32xbf16>,
        %get3A_331 = vector.shape_cast %get3A_330 : vector<1x32xbf16> to vector<32xbf16>
        %add3A_332 = arith.constant 5 : i32
        %add3A_333 = arith.addi %mul3A_159, %add3A_332 : i32
        %get3A_334 = arith.index_cast %add3A_333 : i32 to index
        %get3A_335 = arith.constant 32 : index
        %get3A_336 = tpu.vector_load %arg9[%get3A_334, %get3A_335] {strides = array<i32>} : memref<1280x64xbf16, #tpu.memory_space<vmem>>, vector<1x32xbf16>,
        %get3A_337 = vector.shape_cast %get3A_336 : vector<1x32xbf16> to vector<32xbf16>
        %add3A_338 = arith.constant 6 : i32
        %add3A_339 = arith.addi %mul3A_159, %add3A_338 : i32
        %get3A_340 = arith.index_cast %add3A_339 : i32 to index
        %get3A_341 = arith.constant 32 : index
        %get3A_342 = tpu.vector_load %arg9[%get3A_340, %get3A_341] {strides = array<i32>} : memref<1280x64xbf16, #tpu.memory_space<vmem>>, vector<1x32xbf16>,
        %get3A_343 = vector.shape_cast %get3A_342 : vector<1x32xbf16> to vector<32xbf16>
        %add3A_344 = arith.constant 7 : i32
        %add3A_345 = arith.addi %mul3A_159, %add3A_344 : i32
        %get3A_346 = arith.index_cast %add3A_345 : i32 to index
        %get3A_347 = arith.constant 32 : index
        %get3A_348 = tpu.vector_load %arg9[%get3A_346, %get3A_347] {strides = array<i32>} : memref<1280x64xbf16, #tpu.memory_space<vmem>>, vector<1x32xbf16>,
        %get3A_349 = vector.shape_cast %get3A_348 : vector<1x32xbf16> to vector<32xbf16>
        %add3A_350 = arith.constant 8 : i32
        %add3A_351 = arith.addi %mul3A_159, %add3A_350 : i32
        %get3A_352 = arith.index_cast %add3A_351 : i32 to index
        %get3A_353 = arith.constant 32 : index
        %get3A_354 = tpu.vector_load %arg9[%get3A_352, %get3A_353] {strides = array<i32>} : memref<1280x64xbf16, #tpu.memory_space<vmem>>, vector<1x32xbf16>,
        %get3A_355 = vector.shape_cast %get3A_354 : vector<1x32xbf16> to vector<32xbf16>
        %add3A_356 = arith.constant 9 : i32
        %add3A_357 = arith.addi %mul3A_159, %add3A_356 : i32
        %get3A_358 = arith.index_cast %add3A_357 : i32 to index
        %get3A_359 = arith.constant 32 : index
        %get3A_360 = tpu.vector_load %arg9[%get3A_358, %get3A_359] {strides = array<i32>} : memref<1280x64xbf16, #tpu.memory_space<vmem>>, vector<1x32xbf16>,
        %get3A_361 = vector.shape_cast %get3A_360 : vector<1x32xbf16> to vector<32xbf16>
        %add3A_362 = arith.constant 10 : i32
        %add3A_363 = arith.addi %mul3A_159, %add3A_362 : i32
        %get3A_364 = arith.index_cast %add3A_363 : i32 to index
        %get3A_365 = arith.constant 32 : index
        %get3A_366 = tpu.vector_load %arg9[%get3A_364, %get3A_365] {strides = array<i32>} : memref<1280x64xbf16, #tpu.memory_space<vmem>>, vector<1x32xbf16>,
        %get3A_367 = vector.shape_cast %get3A_366 : vector<1x32xbf16> to vector<32xbf16>
        %add3A_368 = arith.constant 11 : i32
        %add3A_369 = arith.addi %mul3A_159, %add3A_368 : i32
        %get3A_370 = arith.index_cast %add3A_369 : i32 to index
        %get3A_371 = arith.constant 32 : index
        %get3A_372 = tpu.vector_load %arg9[%get3A_370, %get3A_371] {strides = array<i32>} : memref<1280x64xbf16, #tpu.memory_space<vmem>>, vector<1x32xbf16>,
        %get3A_373 = vector.shape_cast %get3A_372 : vector<1x32xbf16> to vector<32xbf16>
        %add3A_374 = arith.constant 12 : i32
        %add3A_375 = arith.addi %mul3A_159, %add3A_374 : i32
        %get3A_376 = arith.index_cast %add3A_375 : i32 to index
        %get3A_377 = arith.constant 32 : index
        %get3A_378 = tpu.vector_load %arg9[%get3A_376, %get3A_377] {strides = array<i32>} : memref<1280x64xbf16, #tpu.memory_space<vmem>>, vector<1x32xbf16>,
        %get3A_379 = vector.shape_cast %get3A_378 : vector<1x32xbf16> to vector<32xbf16>
        %add3A_380 = arith.constant 13 : i32
        %add3A_381 = arith.addi %mul3A_159, %add3A_380 : i32
        %get3A_382 = arith.index_cast %add3A_381 : i32 to index
        %get3A_383 = arith.constant 32 : index
        %get3A_384 = tpu.vector_load %arg9[%get3A_382, %get3A_383] {strides = array<i32>} : memref<1280x64xbf16, #tpu.memory_space<vmem>>, vector<1x32xbf16>,
        %get3A_385 = vector.shape_cast %get3A_384 : vector<1x32xbf16> to vector<32xbf16>
        %add3A_386 = arith.constant 14 : i32
        %add3A_387 = arith.addi %mul3A_159, %add3A_386 : i32
        %get3A_388 = arith.index_cast %add3A_387 : i32 to index
        %get3A_389 = arith.constant 32 : index
        %get3A_390 = tpu.vector_load %arg9[%get3A_388, %get3A_389] {strides = array<i32>} : memref<1280x64xbf16, #tpu.memory_space<vmem>>, vector<1x32xbf16>,
        %get3A_391 = vector.shape_cast %get3A_390 : vector<1x32xbf16> to vector<32xbf16>
        %add3A_392 = arith.constant 15 : i32
        %add3A_393 = arith.addi %mul3A_159, %add3A_392 : i32
        %get3A_394 = arith.index_cast %add3A_393 : i32 to index
        %get3A_395 = arith.constant 32 : index
        %get3A_396 = tpu.vector_load %arg9[%get3A_394, %get3A_395] {strides = array<i32>} : memref<1280x64xbf16, #tpu.memory_space<vmem>>, vector<1x32xbf16>,
        %get3A_397 = vector.shape_cast %get3A_396 : vector<1x32xbf16> to vector<32xbf16>
        %add3A_398 = arith.constant 16 : i32
        %add3A_399 = arith.addi %mul3A_159, %add3A_398 : i32
        %get3A_400 = arith.index_cast %add3A_399 : i32 to index
        %get3A_401 = arith.constant 32 : index
        %get3A_402 = tpu.vector_load %arg9[%get3A_400, %get3A_401] {strides = array<i32>} : memref<1280x64xbf16, #tpu.memory_space<vmem>>, vector<1x32xbf16>,
        %get3A_403 = vector.shape_cast %get3A_402 : vector<1x32xbf16> to vector<32xbf16>
        %add3A_404 = arith.constant 17 : i32
        %add3A_405 = arith.addi %mul3A_159, %add3A_404 : i32
        %get3A_406 = arith.index_cast %add3A_405 : i32 to index
        %get3A_407 = arith.constant 32 : index
        %get3A_408 = tpu.vector_load %arg9[%get3A_406, %get3A_407] {strides = array<i32>} : memref<1280x64xbf16, #tpu.memory_space<vmem>>, vector<1x32xbf16>,
        %get3A_409 = vector.shape_cast %get3A_408 : vector<1x32xbf16> to vector<32xbf16>
        %add3A_410 = arith.constant 18 : i32
        %add3A_411 = arith.addi %mul3A_159, %add3A_410 : i32
        %get3A_412 = arith.index_cast %add3A_411 : i32 to index
        %get3A_413 = arith.constant 32 : index
        %get3A_414 = tpu.vector_load %arg9[%get3A_412, %get3A_413] {strides = array<i32>} : memref<1280x64xbf16, #tpu.memory_space<vmem>>, vector<1x32xbf16>,
        %get3A_415 = vector.shape_cast %get3A_414 : vector<1x32xbf16> to vector<32xbf16>
        %add3A_416 = arith.constant 19 : i32
        %add3A_417 = arith.addi %mul3A_159, %add3A_416 : i32
        %get3A_418 = arith.index_cast %add3A_417 : i32 to index
        %get3A_419 = arith.constant 32 : index
        %get3A_420 = tpu.vector_load %arg9[%get3A_418, %get3A_419] {strides = array<i32>} : memref<1280x64xbf16, #tpu.memory_space<vmem>>, vector<1x32xbf16>,
        %get3A_421 = vector.shape_cast %get3A_420 : vector<1x32xbf16> to vector<32xbf16>
        %add3A_422 = arith.addf %get3A_307, %get3A_313 : vector<32xbf16>
        %add3A_423 = arith.addf %get3A_319, %get3A_325 : vector<32xbf16>
        %add3A_424 = arith.addf %get3A_331, %get3A_337 : vector<32xbf16>
        %add3A_425 = arith.addf %get3A_343, %get3A_349 : vector<32xbf16>
        %add3A_426 = arith.addf %get3A_355, %get3A_361 : vector<32xbf16>
        %add3A_427 = arith.addf %get3A_367, %get3A_373 : vector<32xbf16>
        %add3A_428 = arith.addf %get3A_379, %get3A_385 : vector<32xbf16>
        %add3A_429 = arith.addf %get3A_391, %get3A_397 : vector<32xbf16>
        %add3A_430 = arith.addf %get3A_403, %get3A_409 : vector<32xbf16>
        %add3A_431 = arith.addf %get3A_415, %get3A_421 : vector<32xbf16>
        %add3A_432 = arith.addf %add3A_422, %add3A_423 : vector<32xbf16>
        %add3A_433 = arith.addf %add3A_424, %add3A_425 : vector<32xbf16>
        %add3A_434 = arith.addf %add3A_426, %add3A_427 : vector<32xbf16>
        %add3A_435 = arith.addf %add3A_428, %add3A_429 : vector<32xbf16>
        %add3A_436 = arith.addf %add3A_430, %add3A_431 : vector<32xbf16>
        %add3A_437 = arith.addf %add3A_432, %add3A_433 : vector<32xbf16>
        %add3A_438 = arith.addf %add3A_434, %add3A_435 : vector<32xbf16>
        %add3A_439 = arith.addf %add3A_437, %add3A_438 : vector<32xbf16>
        %add3A_440 = arith.addf %add3A_439, %add3A_436 : vector<32xbf16>
        %swap3A_441 = arith.index_cast %scan3A_157 : i32 to index
        %swap3A_442 = arith.constant 32 : index
        %swap3A_443 = tpu.vector_load %arg11[%swap3A_441, %swap3A_442] {strides = array<i32>} : memref<64x64xbf16, #tpu.memory_space<vmem>>, vector<1x32xbf16>,
        %swap3A_444 = vector.shape_cast %swap3A_443 : vector<1x32xbf16> to vector<32xbf16>
        %swap3A_445 = vector.shape_cast %add3A_440 : vector<32xbf16> to vector<1x32xbf16>
        tpu.vector_store %arg11[%swap3A_441, %swap3A_442], %swap3A_445 {strides = array<i32>} : memref<64x64xbf16, #tpu.memory_space<vmem>>, vector<1x32xbf16>,
      }
      %scan3A_63 = arith.constant 64 : i32
      %mul3A_64 = arith.constant 64 : i32
      %mul3A_65 = arith.muli %add3A_43, %mul3A_64 : i32
      %add3A_66 = arith.addi %mul3A_2, %mul3A_65 : i32
      "tpu.region"() ({
        %run_scoped3A = tpu.sem_alloc : memref<!tpu.dma_semaphore, #tpu.memory_space<semaphore_mem>>
        %dma_start3A_157 = arith.constant 0 : i32
        %dma_start3A_158 = tpu.memref_slice %arg4[%add3A_66, %dma_start3A_157] : memref<106496x64xbf16, #tpu.memory_space<hbm>> -> memref<64x64xbf16, #tpu.memory_space<hbm>>
        %dma_start3A_159 = arith.constant 0 : i32
        %dma_start3A_160 = tpu.memref_slice %arg4[%add3A_66, %dma_start3A_159] : memref<106496x64xbf16, #tpu.memory_space<hbm>> -> memref<64x64xbf16, #tpu.memory_space<hbm>>
        tpu.enqueue_dma source(%arg11 : memref<64x64xbf16, #tpu.memory_space<vmem>>) target(%dma_start3A_160 : memref<64x64xbf16, #tpu.memory_space<hbm>>) target_semaphore(%run_scoped3A : memref<!tpu.dma_semaphore, #tpu.memory_space<semaphore_mem>>)
        %dma_wait3A_161 = arith.constant 0 : i32
        %dma_wait3A_162 = tpu.memref_slice %arg4[%add3A_66, %dma_wait3A_161] : memref<106496x64xbf16, #tpu.memory_space<hbm>> -> memref<64x64xbf16, #tpu.memory_space<hbm>>
        %dma_wait3A_163 = arith.constant 0 : i32
        %dma_wait3A_164 = tpu.memref_slice %arg4[%add3A_66, %dma_wait3A_163] : memref<106496x64xbf16, #tpu.memory_space<hbm>> -> memref<64x64xbf16, #tpu.memory_space<hbm>>
        tpu.wait_dma2 semaphore(%run_scoped3A : memref<!tpu.dma_semaphore, #tpu.memory_space<semaphore_mem>>) src(%arg11 : memref<64x64xbf16, #tpu.memory_space<vmem>>) dst(%dma_wait3A_164 : memref<64x64xbf16, #tpu.memory_space<hbm>>)
        tpu.yield
      }) : () -> ()
      %mul3A_67 = arith.constant 4 : i32
      %mul3A_68 = arith.muli %mul3A_67, %scan3A_39 : i32
      %add3A_69 = arith.constant 1 : i32
      %add3A_70 = arith.addi %mul3A_68, %add3A_69 : i32
      %dma_wait3A_71 = arith.constant 0 : i32
      %dma_wait3A_72 = arith.constant 0 : i32
      %dma_wait3A_73 = tpu.memref_slice %arg3[%dma_wait3A_71, %dma_wait3A_72] : memref<100000x64xbf16, #tpu.memory_space<hbm>> -> memref<100000x64xbf16, #tpu.memory_space<hbm>>
      tpu.wait_indirect_dma semaphore(%arg17 : memref<!tpu.dma_semaphore, #tpu.memory_space<semaphore_mem>>) src(%dma_wait3A_73 : memref<100000x64xbf16, #tpu.memory_space<hbm>>) dst(%arg10 : memref<1280x64xbf16, #tpu.memory_space<vmem>>)
      %add3A_74 = arith.constant 4 : i32
      %add3A_75 = arith.addi %add3A_70, %add3A_74 : i32
      %lt3A_76 = arith.constant 52 : i32
      %lt3A_77 = arith.cmpi slt, %add3A_75, %lt3A_76 : i32
      %convert_element_type3A_78 = arith.extui %lt3A_77 : i1 to i32
      %cond3A_79 = arith.constant 0 : i32
      %cond3A_80 = arith.cmpi ne, %convert_element_type3A_78, %cond3A_79 : i32
      scf.if %cond3A_80 {
        %add3A_157 = arith.constant 4 : i32
        %add3A_158 = arith.addi %add3A_70, %add3A_157 : i32
        %mul3A_159 = arith.constant 64 : i32
        %mul3A_160 = arith.muli %add3A_158, %mul3A_159 : i32
        %add3A_161 = arith.addi %mul3A_2, %mul3A_160 : i32
        %mul3A_162 = arith.constant 20 : i32
        %mul3A_163 = arith.muli %add3A_161, %mul3A_162 : i32
        %dma_start3A_164 = tpu.memref_slice %arg2[%mul3A_163] : memref<2129920xi32, #tpu.memory_space<hbm>> -> memref<1280xi32, #tpu.memory_space<hbm>>
        %dma_start3A_165 = tpu.memref_slice %arg2[%mul3A_163] : memref<2129920xi32, #tpu.memory_space<hbm>> -> memref<1280xi32, #tpu.memory_space<hbm>>
        tpu.enqueue_dma source(%dma_start3A_165 : memref<1280xi32, #tpu.memory_space<hbm>>) target(%arg6 : memref<1280xi32, #tpu.memory_space<vmem>>) target_semaphore(%arg13 : memref<!tpu.dma_semaphore, #tpu.memory_space<semaphore_mem>>)
      } else {
      }
      %add3A_81 = arith.constant 1 : i32
      %add3A_82 = arith.addi %add3A_70, %add3A_81 : i32
      %lt3A_83 = arith.constant 52 : i32
      %lt3A_84 = arith.cmpi slt, %add3A_82, %lt3A_83 : i32
      %convert_element_type3A_85 = arith.extui %lt3A_84 : i1 to i32
      %cond3A_86 = arith.constant 0 : i32
      %cond3A_87 = arith.cmpi ne, %convert_element_type3A_85, %cond3A_86 : i32
      scf.if %cond3A_87 {
        %add3A_157 = arith.constant 1 : i32
        %add3A_158 = arith.addi %add3A_70, %add3A_157 : i32
        %mul3A_159 = arith.constant 64 : i32
        %mul3A_160 = arith.muli %add3A_158, %mul3A_159 : i32
        %add3A_161 = arith.addi %mul3A_2, %mul3A_160 : i32
        %mul3A_162 = arith.constant 20 : i32
        %mul3A_163 = arith.muli %add3A_161, %mul3A_162 : i32
        %dma_wait3A_164 = tpu.memref_slice %arg2[%mul3A_163] : memref<2129920xi32, #tpu.memory_space<hbm>> -> memref<1280xi32, #tpu.memory_space<hbm>>
        %dma_wait3A_165 = tpu.memref_slice %arg2[%mul3A_163] : memref<2129920xi32, #tpu.memory_space<hbm>> -> memref<1280xi32, #tpu.memory_space<hbm>>
        tpu.wait_dma2 semaphore(%arg14 : memref<!tpu.dma_semaphore, #tpu.memory_space<semaphore_mem>>) src(%dma_wait3A_165 : memref<1280xi32, #tpu.memory_space<hbm>>) dst(%arg7 : memref<1280xi32, #tpu.memory_space<vmem>>)
        %dma_start3A_166 = arith.constant 0 : i32
        %dma_start3A_167 = arith.constant 0 : i32
        %dma_start3A_168 = tpu.memref_slice %arg3[%dma_start3A_166, %dma_start3A_167] : memref<100000x64xbf16, #tpu.memory_space<hbm>> -> memref<100000x64xbf16, #tpu.memory_space<hbm>>
        tpu.enqueue_indirect_dma source(%dma_start3A_168 : memref<100000x64xbf16, #tpu.memory_space<hbm>>) target(%arg9 : memref<1280x64xbf16, #tpu.memory_space<vmem>>) offsets(%arg7 : memref<1280xi32, #tpu.memory_space<vmem>>) semaphore(%arg16 : memref<!tpu.dma_semaphore, #tpu.memory_space<semaphore_mem>>)
      } else {
      }
      %scan3A_88 = arith.constant 0 : i32
      %scan3A_89 = arith.constant 0 : i32
      %scan3A_90 = arith.constant 64 : i32
      %scan3A_91 = arith.addi %scan3A_89, %scan3A_90 : i32
      %scan3A_92 = arith.constant 1 : i32
      scf.for %scan3A_157 = %scan3A_89 to %scan3A_91 step %scan3A_92  : i32 {
        %mul3A_158 = arith.constant 20 : i32
        %mul3A_159 = arith.muli %scan3A_157, %mul3A_158 : i32
        %add3A_160 = arith.constant 0 : i32
        %add3A_161 = arith.addi %mul3A_159, %add3A_160 : i32
        %get3A = arith.index_cast %add3A_161 : i32 to index
        %get3A_162 = arith.constant 0 : index
        %get3A_163 = tpu.vector_load %arg10[%get3A, %get3A_162] {strides = array<i32>} : memref<1280x64xbf16, #tpu.memory_space<vmem>>, vector<1x32xbf16>,
        %get3A_164 = vector.shape_cast %get3A_163 : vector<1x32xbf16> to vector<32xbf16>
        %add3A_165 = arith.constant 1 : i32
        %add3A_166 = arith.addi %mul3A_159, %add3A_165 : i32
        %get3A_167 = arith.index_cast %add3A_166 : i32 to index
        %get3A_168 = arith.constant 0 : index
        %get3A_169 = tpu.vector_load %arg10[%get3A_167, %get3A_168] {strides = array<i32>} : memref<1280x64xbf16, #tpu.memory_space<vmem>>, vector<1x32xbf16>,
        %get3A_170 = vector.shape_cast %get3A_169 : vector<1x32xbf16> to vector<32xbf16>
        %add3A_171 = arith.constant 2 : i32
        %add3A_172 = arith.addi %mul3A_159, %add3A_171 : i32
        %get3A_173 = arith.index_cast %add3A_172 : i32 to index
        %get3A_174 = arith.constant 0 : index
        %get3A_175 = tpu.vector_load %arg10[%get3A_173, %get3A_174] {strides = array<i32>} : memref<1280x64xbf16, #tpu.memory_space<vmem>>, vector<1x32xbf16>,
        %get3A_176 = vector.shape_cast %get3A_175 : vector<1x32xbf16> to vector<32xbf16>
        %add3A_177 = arith.constant 3 : i32
        %add3A_178 = arith.addi %mul3A_159, %add3A_177 : i32
        %get3A_179 = arith.index_cast %add3A_178 : i32 to index
        %get3A_180 = arith.constant 0 : index
        %get3A_181 = tpu.vector_load %arg10[%get3A_179, %get3A_180] {strides = array<i32>} : memref<1280x64xbf16, #tpu.memory_space<vmem>>, vector<1x32xbf16>,
        %get3A_182 = vector.shape_cast %get3A_181 : vector<1x32xbf16> to vector<32xbf16>
        %add3A_183 = arith.constant 4 : i32
        %add3A_184 = arith.addi %mul3A_159, %add3A_183 : i32
        %get3A_185 = arith.index_cast %add3A_184 : i32 to index
        %get3A_186 = arith.constant 0 : index
        %get3A_187 = tpu.vector_load %arg10[%get3A_185, %get3A_186] {strides = array<i32>} : memref<1280x64xbf16, #tpu.memory_space<vmem>>, vector<1x32xbf16>,
        %get3A_188 = vector.shape_cast %get3A_187 : vector<1x32xbf16> to vector<32xbf16>
        %add3A_189 = arith.constant 5 : i32
        %add3A_190 = arith.addi %mul3A_159, %add3A_189 : i32
        %get3A_191 = arith.index_cast %add3A_190 : i32 to index
        %get3A_192 = arith.constant 0 : index
        %get3A_193 = tpu.vector_load %arg10[%get3A_191, %get3A_192] {strides = array<i32>} : memref<1280x64xbf16, #tpu.memory_space<vmem>>, vector<1x32xbf16>,
        %get3A_194 = vector.shape_cast %get3A_193 : vector<1x32xbf16> to vector<32xbf16>
        %add3A_195 = arith.constant 6 : i32
        %add3A_196 = arith.addi %mul3A_159, %add3A_195 : i32
        %get3A_197 = arith.index_cast %add3A_196 : i32 to index
        %get3A_198 = arith.constant 0 : index
        %get3A_199 = tpu.vector_load %arg10[%get3A_197, %get3A_198] {strides = array<i32>} : memref<1280x64xbf16, #tpu.memory_space<vmem>>, vector<1x32xbf16>,
        %get3A_200 = vector.shape_cast %get3A_199 : vector<1x32xbf16> to vector<32xbf16>
        %add3A_201 = arith.constant 7 : i32
        %add3A_202 = arith.addi %mul3A_159, %add3A_201 : i32
        %get3A_203 = arith.index_cast %add3A_202 : i32 to index
        %get3A_204 = arith.constant 0 : index
        %get3A_205 = tpu.vector_load %arg10[%get3A_203, %get3A_204] {strides = array<i32>} : memref<1280x64xbf16, #tpu.memory_space<vmem>>, vector<1x32xbf16>,
        %get3A_206 = vector.shape_cast %get3A_205 : vector<1x32xbf16> to vector<32xbf16>
        %add3A_207 = arith.constant 8 : i32
        %add3A_208 = arith.addi %mul3A_159, %add3A_207 : i32
        %get3A_209 = arith.index_cast %add3A_208 : i32 to index
        %get3A_210 = arith.constant 0 : index
        %get3A_211 = tpu.vector_load %arg10[%get3A_209, %get3A_210] {strides = array<i32>} : memref<1280x64xbf16, #tpu.memory_space<vmem>>, vector<1x32xbf16>,
        %get3A_212 = vector.shape_cast %get3A_211 : vector<1x32xbf16> to vector<32xbf16>
        %add3A_213 = arith.constant 9 : i32
        %add3A_214 = arith.addi %mul3A_159, %add3A_213 : i32
        %get3A_215 = arith.index_cast %add3A_214 : i32 to index
        %get3A_216 = arith.constant 0 : index
        %get3A_217 = tpu.vector_load %arg10[%get3A_215, %get3A_216] {strides = array<i32>} : memref<1280x64xbf16, #tpu.memory_space<vmem>>, vector<1x32xbf16>,
        %get3A_218 = vector.shape_cast %get3A_217 : vector<1x32xbf16> to vector<32xbf16>
        %add3A_219 = arith.constant 10 : i32
        %add3A_220 = arith.addi %mul3A_159, %add3A_219 : i32
        %get3A_221 = arith.index_cast %add3A_220 : i32 to index
        %get3A_222 = arith.constant 0 : index
        %get3A_223 = tpu.vector_load %arg10[%get3A_221, %get3A_222] {strides = array<i32>} : memref<1280x64xbf16, #tpu.memory_space<vmem>>, vector<1x32xbf16>,
        %get3A_224 = vector.shape_cast %get3A_223 : vector<1x32xbf16> to vector<32xbf16>
        %add3A_225 = arith.constant 11 : i32
        %add3A_226 = arith.addi %mul3A_159, %add3A_225 : i32
        %get3A_227 = arith.index_cast %add3A_226 : i32 to index
        %get3A_228 = arith.constant 0 : index
        %get3A_229 = tpu.vector_load %arg10[%get3A_227, %get3A_228] {strides = array<i32>} : memref<1280x64xbf16, #tpu.memory_space<vmem>>, vector<1x32xbf16>,
        %get3A_230 = vector.shape_cast %get3A_229 : vector<1x32xbf16> to vector<32xbf16>
        %add3A_231 = arith.constant 12 : i32
        %add3A_232 = arith.addi %mul3A_159, %add3A_231 : i32
        %get3A_233 = arith.index_cast %add3A_232 : i32 to index
        %get3A_234 = arith.constant 0 : index
        %get3A_235 = tpu.vector_load %arg10[%get3A_233, %get3A_234] {strides = array<i32>} : memref<1280x64xbf16, #tpu.memory_space<vmem>>, vector<1x32xbf16>,
        %get3A_236 = vector.shape_cast %get3A_235 : vector<1x32xbf16> to vector<32xbf16>
        %add3A_237 = arith.constant 13 : i32
        %add3A_238 = arith.addi %mul3A_159, %add3A_237 : i32
        %get3A_239 = arith.index_cast %add3A_238 : i32 to index
        %get3A_240 = arith.constant 0 : index
        %get3A_241 = tpu.vector_load %arg10[%get3A_239, %get3A_240] {strides = array<i32>} : memref<1280x64xbf16, #tpu.memory_space<vmem>>, vector<1x32xbf16>,
        %get3A_242 = vector.shape_cast %get3A_241 : vector<1x32xbf16> to vector<32xbf16>
        %add3A_243 = arith.constant 14 : i32
        %add3A_244 = arith.addi %mul3A_159, %add3A_243 : i32
        %get3A_245 = arith.index_cast %add3A_244 : i32 to index
        %get3A_246 = arith.constant 0 : index
        %get3A_247 = tpu.vector_load %arg10[%get3A_245, %get3A_246] {strides = array<i32>} : memref<1280x64xbf16, #tpu.memory_space<vmem>>, vector<1x32xbf16>,
        %get3A_248 = vector.shape_cast %get3A_247 : vector<1x32xbf16> to vector<32xbf16>
        %add3A_249 = arith.constant 15 : i32
        %add3A_250 = arith.addi %mul3A_159, %add3A_249 : i32
        %get3A_251 = arith.index_cast %add3A_250 : i32 to index
        %get3A_252 = arith.constant 0 : index
        %get3A_253 = tpu.vector_load %arg10[%get3A_251, %get3A_252] {strides = array<i32>} : memref<1280x64xbf16, #tpu.memory_space<vmem>>, vector<1x32xbf16>,
        %get3A_254 = vector.shape_cast %get3A_253 : vector<1x32xbf16> to vector<32xbf16>
        %add3A_255 = arith.constant 16 : i32
        %add3A_256 = arith.addi %mul3A_159, %add3A_255 : i32
        %get3A_257 = arith.index_cast %add3A_256 : i32 to index
        %get3A_258 = arith.constant 0 : index
        %get3A_259 = tpu.vector_load %arg10[%get3A_257, %get3A_258] {strides = array<i32>} : memref<1280x64xbf16, #tpu.memory_space<vmem>>, vector<1x32xbf16>,
        %get3A_260 = vector.shape_cast %get3A_259 : vector<1x32xbf16> to vector<32xbf16>
        %add3A_261 = arith.constant 17 : i32
        %add3A_262 = arith.addi %mul3A_159, %add3A_261 : i32
        %get3A_263 = arith.index_cast %add3A_262 : i32 to index
        %get3A_264 = arith.constant 0 : index
        %get3A_265 = tpu.vector_load %arg10[%get3A_263, %get3A_264] {strides = array<i32>} : memref<1280x64xbf16, #tpu.memory_space<vmem>>, vector<1x32xbf16>,
        %get3A_266 = vector.shape_cast %get3A_265 : vector<1x32xbf16> to vector<32xbf16>
        %add3A_267 = arith.constant 18 : i32
        %add3A_268 = arith.addi %mul3A_159, %add3A_267 : i32
        %get3A_269 = arith.index_cast %add3A_268 : i32 to index
        %get3A_270 = arith.constant 0 : index
        %get3A_271 = tpu.vector_load %arg10[%get3A_269, %get3A_270] {strides = array<i32>} : memref<1280x64xbf16, #tpu.memory_space<vmem>>, vector<1x32xbf16>,
        %get3A_272 = vector.shape_cast %get3A_271 : vector<1x32xbf16> to vector<32xbf16>
        %add3A_273 = arith.constant 19 : i32
        %add3A_274 = arith.addi %mul3A_159, %add3A_273 : i32
        %get3A_275 = arith.index_cast %add3A_274 : i32 to index
        %get3A_276 = arith.constant 0 : index
        %get3A_277 = tpu.vector_load %arg10[%get3A_275, %get3A_276] {strides = array<i32>} : memref<1280x64xbf16, #tpu.memory_space<vmem>>, vector<1x32xbf16>,
        %get3A_278 = vector.shape_cast %get3A_277 : vector<1x32xbf16> to vector<32xbf16>
        %add3A_279 = arith.addf %get3A_164, %get3A_170 : vector<32xbf16>
        %add3A_280 = arith.addf %get3A_176, %get3A_182 : vector<32xbf16>
        %add3A_281 = arith.addf %get3A_188, %get3A_194 : vector<32xbf16>
        %add3A_282 = arith.addf %get3A_200, %get3A_206 : vector<32xbf16>
        %add3A_283 = arith.addf %get3A_212, %get3A_218 : vector<32xbf16>
        %add3A_284 = arith.addf %get3A_224, %get3A_230 : vector<32xbf16>
        %add3A_285 = arith.addf %get3A_236, %get3A_242 : vector<32xbf16>
        %add3A_286 = arith.addf %get3A_248, %get3A_254 : vector<32xbf16>
        %add3A_287 = arith.addf %get3A_260, %get3A_266 : vector<32xbf16>
        %add3A_288 = arith.addf %get3A_272, %get3A_278 : vector<32xbf16>
        %add3A_289 = arith.addf %add3A_279, %add3A_280 : vector<32xbf16>
        %add3A_290 = arith.addf %add3A_281, %add3A_282 : vector<32xbf16>
        %add3A_291 = arith.addf %add3A_283, %add3A_284 : vector<32xbf16>
        %add3A_292 = arith.addf %add3A_285, %add3A_286 : vector<32xbf16>
        %add3A_293 = arith.addf %add3A_287, %add3A_288 : vector<32xbf16>
        %add3A_294 = arith.addf %add3A_289, %add3A_290 : vector<32xbf16>
        %add3A_295 = arith.addf %add3A_291, %add3A_292 : vector<32xbf16>
        %add3A_296 = arith.addf %add3A_294, %add3A_295 : vector<32xbf16>
        %add3A_297 = arith.addf %add3A_296, %add3A_293 : vector<32xbf16>
        %swap3A = arith.index_cast %scan3A_157 : i32 to index
        %swap3A_298 = arith.constant 0 : index
        %swap3A_299 = tpu.vector_load %arg11[%swap3A, %swap3A_298] {strides = array<i32>} : memref<64x64xbf16, #tpu.memory_space<vmem>>, vector<1x32xbf16>,
        %swap3A_300 = vector.shape_cast %swap3A_299 : vector<1x32xbf16> to vector<32xbf16>
        %swap3A_301 = vector.shape_cast %add3A_297 : vector<32xbf16> to vector<1x32xbf16>
        tpu.vector_store %arg11[%swap3A, %swap3A_298], %swap3A_301 {strides = array<i32>} : memref<64x64xbf16, #tpu.memory_space<vmem>>, vector<1x32xbf16>,
        %add3A_302 = arith.constant 0 : i32
        %add3A_303 = arith.addi %mul3A_159, %add3A_302 : i32
        %get3A_304 = arith.index_cast %add3A_303 : i32 to index
        %get3A_305 = arith.constant 32 : index
        %get3A_306 = tpu.vector_load %arg10[%get3A_304, %get3A_305] {strides = array<i32>} : memref<1280x64xbf16, #tpu.memory_space<vmem>>, vector<1x32xbf16>,
        %get3A_307 = vector.shape_cast %get3A_306 : vector<1x32xbf16> to vector<32xbf16>
        %add3A_308 = arith.constant 1 : i32
        %add3A_309 = arith.addi %mul3A_159, %add3A_308 : i32
        %get3A_310 = arith.index_cast %add3A_309 : i32 to index
        %get3A_311 = arith.constant 32 : index
        %get3A_312 = tpu.vector_load %arg10[%get3A_310, %get3A_311] {strides = array<i32>} : memref<1280x64xbf16, #tpu.memory_space<vmem>>, vector<1x32xbf16>,
        %get3A_313 = vector.shape_cast %get3A_312 : vector<1x32xbf16> to vector<32xbf16>
        %add3A_314 = arith.constant 2 : i32
        %add3A_315 = arith.addi %mul3A_159, %add3A_314 : i32
        %get3A_316 = arith.index_cast %add3A_315 : i32 to index
        %get3A_317 = arith.constant 32 : index
        %get3A_318 = tpu.vector_load %arg10[%get3A_316, %get3A_317] {strides = array<i32>} : memref<1280x64xbf16, #tpu.memory_space<vmem>>, vector<1x32xbf16>,
        %get3A_319 = vector.shape_cast %get3A_318 : vector<1x32xbf16> to vector<32xbf16>
        %add3A_320 = arith.constant 3 : i32
        %add3A_321 = arith.addi %mul3A_159, %add3A_320 : i32
        %get3A_322 = arith.index_cast %add3A_321 : i32 to index
        %get3A_323 = arith.constant 32 : index
        %get3A_324 = tpu.vector_load %arg10[%get3A_322, %get3A_323] {strides = array<i32>} : memref<1280x64xbf16, #tpu.memory_space<vmem>>, vector<1x32xbf16>,
        %get3A_325 = vector.shape_cast %get3A_324 : vector<1x32xbf16> to vector<32xbf16>
        %add3A_326 = arith.constant 4 : i32
        %add3A_327 = arith.addi %mul3A_159, %add3A_326 : i32
        %get3A_328 = arith.index_cast %add3A_327 : i32 to index
        %get3A_329 = arith.constant 32 : index
        %get3A_330 = tpu.vector_load %arg10[%get3A_328, %get3A_329] {strides = array<i32>} : memref<1280x64xbf16, #tpu.memory_space<vmem>>, vector<1x32xbf16>,
        %get3A_331 = vector.shape_cast %get3A_330 : vector<1x32xbf16> to vector<32xbf16>
        %add3A_332 = arith.constant 5 : i32
        %add3A_333 = arith.addi %mul3A_159, %add3A_332 : i32
        %get3A_334 = arith.index_cast %add3A_333 : i32 to index
        %get3A_335 = arith.constant 32 : index
        %get3A_336 = tpu.vector_load %arg10[%get3A_334, %get3A_335] {strides = array<i32>} : memref<1280x64xbf16, #tpu.memory_space<vmem>>, vector<1x32xbf16>,
        %get3A_337 = vector.shape_cast %get3A_336 : vector<1x32xbf16> to vector<32xbf16>
        %add3A_338 = arith.constant 6 : i32
        %add3A_339 = arith.addi %mul3A_159, %add3A_338 : i32
        %get3A_340 = arith.index_cast %add3A_339 : i32 to index
        %get3A_341 = arith.constant 32 : index
        %get3A_342 = tpu.vector_load %arg10[%get3A_340, %get3A_341] {strides = array<i32>} : memref<1280x64xbf16, #tpu.memory_space<vmem>>, vector<1x32xbf16>,
        %get3A_343 = vector.shape_cast %get3A_342 : vector<1x32xbf16> to vector<32xbf16>
        %add3A_344 = arith.constant 7 : i32
        %add3A_345 = arith.addi %mul3A_159, %add3A_344 : i32
        %get3A_346 = arith.index_cast %add3A_345 : i32 to index
        %get3A_347 = arith.constant 32 : index
        %get3A_348 = tpu.vector_load %arg10[%get3A_346, %get3A_347] {strides = array<i32>} : memref<1280x64xbf16, #tpu.memory_space<vmem>>, vector<1x32xbf16>,
        %get3A_349 = vector.shape_cast %get3A_348 : vector<1x32xbf16> to vector<32xbf16>
        %add3A_350 = arith.constant 8 : i32
        %add3A_351 = arith.addi %mul3A_159, %add3A_350 : i32
        %get3A_352 = arith.index_cast %add3A_351 : i32 to index
        %get3A_353 = arith.constant 32 : index
        %get3A_354 = tpu.vector_load %arg10[%get3A_352, %get3A_353] {strides = array<i32>} : memref<1280x64xbf16, #tpu.memory_space<vmem>>, vector<1x32xbf16>,
        %get3A_355 = vector.shape_cast %get3A_354 : vector<1x32xbf16> to vector<32xbf16>
        %add3A_356 = arith.constant 9 : i32
        %add3A_357 = arith.addi %mul3A_159, %add3A_356 : i32
        %get3A_358 = arith.index_cast %add3A_357 : i32 to index
        %get3A_359 = arith.constant 32 : index
        %get3A_360 = tpu.vector_load %arg10[%get3A_358, %get3A_359] {strides = array<i32>} : memref<1280x64xbf16, #tpu.memory_space<vmem>>, vector<1x32xbf16>,
        %get3A_361 = vector.shape_cast %get3A_360 : vector<1x32xbf16> to vector<32xbf16>
        %add3A_362 = arith.constant 10 : i32
        %add3A_363 = arith.addi %mul3A_159, %add3A_362 : i32
        %get3A_364 = arith.index_cast %add3A_363 : i32 to index
        %get3A_365 = arith.constant 32 : index
        %get3A_366 = tpu.vector_load %arg10[%get3A_364, %get3A_365] {strides = array<i32>} : memref<1280x64xbf16, #tpu.memory_space<vmem>>, vector<1x32xbf16>,
        %get3A_367 = vector.shape_cast %get3A_366 : vector<1x32xbf16> to vector<32xbf16>
        %add3A_368 = arith.constant 11 : i32
        %add3A_369 = arith.addi %mul3A_159, %add3A_368 : i32
        %get3A_370 = arith.index_cast %add3A_369 : i32 to index
        %get3A_371 = arith.constant 32 : index
        %get3A_372 = tpu.vector_load %arg10[%get3A_370, %get3A_371] {strides = array<i32>} : memref<1280x64xbf16, #tpu.memory_space<vmem>>, vector<1x32xbf16>,
        %get3A_373 = vector.shape_cast %get3A_372 : vector<1x32xbf16> to vector<32xbf16>
        %add3A_374 = arith.constant 12 : i32
        %add3A_375 = arith.addi %mul3A_159, %add3A_374 : i32
        %get3A_376 = arith.index_cast %add3A_375 : i32 to index
        %get3A_377 = arith.constant 32 : index
        %get3A_378 = tpu.vector_load %arg10[%get3A_376, %get3A_377] {strides = array<i32>} : memref<1280x64xbf16, #tpu.memory_space<vmem>>, vector<1x32xbf16>,
        %get3A_379 = vector.shape_cast %get3A_378 : vector<1x32xbf16> to vector<32xbf16>
        %add3A_380 = arith.constant 13 : i32
        %add3A_381 = arith.addi %mul3A_159, %add3A_380 : i32
        %get3A_382 = arith.index_cast %add3A_381 : i32 to index
        %get3A_383 = arith.constant 32 : index
        %get3A_384 = tpu.vector_load %arg10[%get3A_382, %get3A_383] {strides = array<i32>} : memref<1280x64xbf16, #tpu.memory_space<vmem>>, vector<1x32xbf16>,
        %get3A_385 = vector.shape_cast %get3A_384 : vector<1x32xbf16> to vector<32xbf16>
        %add3A_386 = arith.constant 14 : i32
        %add3A_387 = arith.addi %mul3A_159, %add3A_386 : i32
        %get3A_388 = arith.index_cast %add3A_387 : i32 to index
        %get3A_389 = arith.constant 32 : index
        %get3A_390 = tpu.vector_load %arg10[%get3A_388, %get3A_389] {strides = array<i32>} : memref<1280x64xbf16, #tpu.memory_space<vmem>>, vector<1x32xbf16>,
        %get3A_391 = vector.shape_cast %get3A_390 : vector<1x32xbf16> to vector<32xbf16>
        %add3A_392 = arith.constant 15 : i32
        %add3A_393 = arith.addi %mul3A_159, %add3A_392 : i32
        %get3A_394 = arith.index_cast %add3A_393 : i32 to index
        %get3A_395 = arith.constant 32 : index
        %get3A_396 = tpu.vector_load %arg10[%get3A_394, %get3A_395] {strides = array<i32>} : memref<1280x64xbf16, #tpu.memory_space<vmem>>, vector<1x32xbf16>,
        %get3A_397 = vector.shape_cast %get3A_396 : vector<1x32xbf16> to vector<32xbf16>
        %add3A_398 = arith.constant 16 : i32
        %add3A_399 = arith.addi %mul3A_159, %add3A_398 : i32
        %get3A_400 = arith.index_cast %add3A_399 : i32 to index
        %get3A_401 = arith.constant 32 : index
        %get3A_402 = tpu.vector_load %arg10[%get3A_400, %get3A_401] {strides = array<i32>} : memref<1280x64xbf16, #tpu.memory_space<vmem>>, vector<1x32xbf16>,
        %get3A_403 = vector.shape_cast %get3A_402 : vector<1x32xbf16> to vector<32xbf16>
        %add3A_404 = arith.constant 17 : i32
        %add3A_405 = arith.addi %mul3A_159, %add3A_404 : i32
        %get3A_406 = arith.index_cast %add3A_405 : i32 to index
        %get3A_407 = arith.constant 32 : index
        %get3A_408 = tpu.vector_load %arg10[%get3A_406, %get3A_407] {strides = array<i32>} : memref<1280x64xbf16, #tpu.memory_space<vmem>>, vector<1x32xbf16>,
        %get3A_409 = vector.shape_cast %get3A_408 : vector<1x32xbf16> to vector<32xbf16>
        %add3A_410 = arith.constant 18 : i32
        %add3A_411 = arith.addi %mul3A_159, %add3A_410 : i32
        %get3A_412 = arith.index_cast %add3A_411 : i32 to index
        %get3A_413 = arith.constant 32 : index
        %get3A_414 = tpu.vector_load %arg10[%get3A_412, %get3A_413] {strides = array<i32>} : memref<1280x64xbf16, #tpu.memory_space<vmem>>, vector<1x32xbf16>,
        %get3A_415 = vector.shape_cast %get3A_414 : vector<1x32xbf16> to vector<32xbf16>
        %add3A_416 = arith.constant 19 : i32
        %add3A_417 = arith.addi %mul3A_159, %add3A_416 : i32
        %get3A_418 = arith.index_cast %add3A_417 : i32 to index
        %get3A_419 = arith.constant 32 : index
        %get3A_420 = tpu.vector_load %arg10[%get3A_418, %get3A_419] {strides = array<i32>} : memref<1280x64xbf16, #tpu.memory_space<vmem>>, vector<1x32xbf16>,
        %get3A_421 = vector.shape_cast %get3A_420 : vector<1x32xbf16> to vector<32xbf16>
        %add3A_422 = arith.addf %get3A_307, %get3A_313 : vector<32xbf16>
        %add3A_423 = arith.addf %get3A_319, %get3A_325 : vector<32xbf16>
        %add3A_424 = arith.addf %get3A_331, %get3A_337 : vector<32xbf16>
        %add3A_425 = arith.addf %get3A_343, %get3A_349 : vector<32xbf16>
        %add3A_426 = arith.addf %get3A_355, %get3A_361 : vector<32xbf16>
        %add3A_427 = arith.addf %get3A_367, %get3A_373 : vector<32xbf16>
        %add3A_428 = arith.addf %get3A_379, %get3A_385 : vector<32xbf16>
        %add3A_429 = arith.addf %get3A_391, %get3A_397 : vector<32xbf16>
        %add3A_430 = arith.addf %get3A_403, %get3A_409 : vector<32xbf16>
        %add3A_431 = arith.addf %get3A_415, %get3A_421 : vector<32xbf16>
        %add3A_432 = arith.addf %add3A_422, %add3A_423 : vector<32xbf16>
        %add3A_433 = arith.addf %add3A_424, %add3A_425 : vector<32xbf16>
        %add3A_434 = arith.addf %add3A_426, %add3A_427 : vector<32xbf16>
        %add3A_435 = arith.addf %add3A_428, %add3A_429 : vector<32xbf16>
        %add3A_436 = arith.addf %add3A_430, %add3A_431 : vector<32xbf16>
        %add3A_437 = arith.addf %add3A_432, %add3A_433 : vector<32xbf16>
        %add3A_438 = arith.addf %add3A_434, %add3A_435 : vector<32xbf16>
        %add3A_439 = arith.addf %add3A_437, %add3A_438 : vector<32xbf16>
        %add3A_440 = arith.addf %add3A_439, %add3A_436 : vector<32xbf16>
        %swap3A_441 = arith.index_cast %scan3A_157 : i32 to index
        %swap3A_442 = arith.constant 32 : index
        %swap3A_443 = tpu.vector_load %arg11[%swap3A_441, %swap3A_442] {strides = array<i32>} : memref<64x64xbf16, #tpu.memory_space<vmem>>, vector<1x32xbf16>,
        %swap3A_444 = vector.shape_cast %swap3A_443 : vector<1x32xbf16> to vector<32xbf16>
        %swap3A_445 = vector.shape_cast %add3A_440 : vector<32xbf16> to vector<1x32xbf16>
        tpu.vector_store %arg11[%swap3A_441, %swap3A_442], %swap3A_445 {strides = array<i32>} : memref<64x64xbf16, #tpu.memory_space<vmem>>, vector<1x32xbf16>,
      }
      %scan3A_93 = arith.constant 64 : i32
      %mul3A_94 = arith.constant 64 : i32
      %mul3A_95 = arith.muli %add3A_70, %mul3A_94 : i32
      %add3A_96 = arith.addi %mul3A_2, %mul3A_95 : i32
      "tpu.region"() ({
        %run_scoped3A = tpu.sem_alloc : memref<!tpu.dma_semaphore, #tpu.memory_space<semaphore_mem>>
        %dma_start3A_157 = arith.constant 0 : i32
        %dma_start3A_158 = tpu.memref_slice %arg4[%add3A_96, %dma_start3A_157] : memref<106496x64xbf16, #tpu.memory_space<hbm>> -> memref<64x64xbf16, #tpu.memory_space<hbm>>
        %dma_start3A_159 = arith.constant 0 : i32
        %dma_start3A_160 = tpu.memref_slice %arg4[%add3A_96, %dma_start3A_159] : memref<106496x64xbf16, #tpu.memory_space<hbm>> -> memref<64x64xbf16, #tpu.memory_space<hbm>>
        tpu.enqueue_dma source(%arg11 : memref<64x64xbf16, #tpu.memory_space<vmem>>) target(%dma_start3A_160 : memref<64x64xbf16, #tpu.memory_space<hbm>>) target_semaphore(%run_scoped3A : memref<!tpu.dma_semaphore, #tpu.memory_space<semaphore_mem>>)
        %dma_wait3A_161 = arith.constant 0 : i32
        %dma_wait3A_162 = tpu.memref_slice %arg4[%add3A_96, %dma_wait3A_161] : memref<106496x64xbf16, #tpu.memory_space<hbm>> -> memref<64x64xbf16, #tpu.memory_space<hbm>>
        %dma_wait3A_163 = arith.constant 0 : i32
        %dma_wait3A_164 = tpu.memref_slice %arg4[%add3A_96, %dma_wait3A_163] : memref<106496x64xbf16, #tpu.memory_space<hbm>> -> memref<64x64xbf16, #tpu.memory_space<hbm>>
        tpu.wait_dma2 semaphore(%run_scoped3A : memref<!tpu.dma_semaphore, #tpu.memory_space<semaphore_mem>>) src(%arg11 : memref<64x64xbf16, #tpu.memory_space<vmem>>) dst(%dma_wait3A_164 : memref<64x64xbf16, #tpu.memory_space<hbm>>)
        tpu.yield
      }) : () -> ()
      %mul3A_97 = arith.constant 4 : i32
      %mul3A_98 = arith.muli %mul3A_97, %scan3A_39 : i32
      %add3A_99 = arith.constant 2 : i32
      %add3A_100 = arith.addi %mul3A_98, %add3A_99 : i32
      %dma_wait3A_101 = arith.constant 0 : i32
      %dma_wait3A_102 = arith.constant 0 : i32
      %dma_wait3A_103 = tpu.memref_slice %arg3[%dma_wait3A_101, %dma_wait3A_102] : memref<100000x64xbf16, #tpu.memory_space<hbm>> -> memref<100000x64xbf16, #tpu.memory_space<hbm>>
      tpu.wait_indirect_dma semaphore(%arg16 : memref<!tpu.dma_semaphore, #tpu.memory_space<semaphore_mem>>) src(%dma_wait3A_103 : memref<100000x64xbf16, #tpu.memory_space<hbm>>) dst(%arg9 : memref<1280x64xbf16, #tpu.memory_space<vmem>>)
      %add3A_104 = arith.constant 4 : i32
      %add3A_105 = arith.addi %add3A_100, %add3A_104 : i32
      %lt3A_106 = arith.constant 52 : i32
      %lt3A_107 = arith.cmpi slt, %add3A_105, %lt3A_106 : i32
      %convert_element_type3A_108 = arith.extui %lt3A_107 : i1 to i32
      %cond3A_109 = arith.constant 0 : i32
      %cond3A_110 = arith.cmpi ne, %convert_element_type3A_108, %cond3A_109 : i32
      scf.if %cond3A_110 {
        %add3A_157 = arith.constant 4 : i32
        %add3A_158 = arith.addi %add3A_100, %add3A_157 : i32
        %mul3A_159 = arith.constant 64 : i32
        %mul3A_160 = arith.muli %add3A_158, %mul3A_159 : i32
        %add3A_161 = arith.addi %mul3A_2, %mul3A_160 : i32
        %mul3A_162 = arith.constant 20 : i32
        %mul3A_163 = arith.muli %add3A_161, %mul3A_162 : i32
        %dma_start3A_164 = tpu.memref_slice %arg2[%mul3A_163] : memref<2129920xi32, #tpu.memory_space<hbm>> -> memref<1280xi32, #tpu.memory_space<hbm>>
        %dma_start3A_165 = tpu.memref_slice %arg2[%mul3A_163] : memref<2129920xi32, #tpu.memory_space<hbm>> -> memref<1280xi32, #tpu.memory_space<hbm>>
        tpu.enqueue_dma source(%dma_start3A_165 : memref<1280xi32, #tpu.memory_space<hbm>>) target(%arg7 : memref<1280xi32, #tpu.memory_space<vmem>>) target_semaphore(%arg14 : memref<!tpu.dma_semaphore, #tpu.memory_space<semaphore_mem>>)
      } else {
      }
      %add3A_111 = arith.constant 1 : i32
      %add3A_112 = arith.addi %add3A_100, %add3A_111 : i32
      %lt3A_113 = arith.constant 52 : i32
      %lt3A_114 = arith.cmpi slt, %add3A_112, %lt3A_113 : i32
      %convert_element_type3A_115 = arith.extui %lt3A_114 : i1 to i32
      %cond3A_116 = arith.constant 0 : i32
      %cond3A_117 = arith.cmpi ne, %convert_element_type3A_115, %cond3A_116 : i32
      scf.if %cond3A_117 {
        %add3A_157 = arith.constant 1 : i32
        %add3A_158 = arith.addi %add3A_100, %add3A_157 : i32
        %mul3A_159 = arith.constant 64 : i32
        %mul3A_160 = arith.muli %add3A_158, %mul3A_159 : i32
        %add3A_161 = arith.addi %mul3A_2, %mul3A_160 : i32
        %mul3A_162 = arith.constant 20 : i32
        %mul3A_163 = arith.muli %add3A_161, %mul3A_162 : i32
        %dma_wait3A_164 = tpu.memref_slice %arg2[%mul3A_163] : memref<2129920xi32, #tpu.memory_space<hbm>> -> memref<1280xi32, #tpu.memory_space<hbm>>
        %dma_wait3A_165 = tpu.memref_slice %arg2[%mul3A_163] : memref<2129920xi32, #tpu.memory_space<hbm>> -> memref<1280xi32, #tpu.memory_space<hbm>>
        tpu.wait_dma2 semaphore(%arg15 : memref<!tpu.dma_semaphore, #tpu.memory_space<semaphore_mem>>) src(%dma_wait3A_165 : memref<1280xi32, #tpu.memory_space<hbm>>) dst(%arg8 : memref<1280xi32, #tpu.memory_space<vmem>>)
        %dma_start3A_166 = arith.constant 0 : i32
        %dma_start3A_167 = arith.constant 0 : i32
        %dma_start3A_168 = tpu.memref_slice %arg3[%dma_start3A_166, %dma_start3A_167] : memref<100000x64xbf16, #tpu.memory_space<hbm>> -> memref<100000x64xbf16, #tpu.memory_space<hbm>>
        tpu.enqueue_indirect_dma source(%dma_start3A_168 : memref<100000x64xbf16, #tpu.memory_space<hbm>>) target(%arg10 : memref<1280x64xbf16, #tpu.memory_space<vmem>>) offsets(%arg8 : memref<1280xi32, #tpu.memory_space<vmem>>) semaphore(%arg17 : memref<!tpu.dma_semaphore, #tpu.memory_space<semaphore_mem>>)
      } else {
      }
      %scan3A_118 = arith.constant 0 : i32
      %scan3A_119 = arith.constant 0 : i32
      %scan3A_120 = arith.constant 64 : i32
      %scan3A_121 = arith.addi %scan3A_119, %scan3A_120 : i32
      %scan3A_122 = arith.constant 1 : i32
      scf.for %scan3A_157 = %scan3A_119 to %scan3A_121 step %scan3A_122  : i32 {
        %mul3A_158 = arith.constant 20 : i32
        %mul3A_159 = arith.muli %scan3A_157, %mul3A_158 : i32
        %add3A_160 = arith.constant 0 : i32
        %add3A_161 = arith.addi %mul3A_159, %add3A_160 : i32
        %get3A = arith.index_cast %add3A_161 : i32 to index
        %get3A_162 = arith.constant 0 : index
        %get3A_163 = tpu.vector_load %arg9[%get3A, %get3A_162] {strides = array<i32>} : memref<1280x64xbf16, #tpu.memory_space<vmem>>, vector<1x32xbf16>,
        %get3A_164 = vector.shape_cast %get3A_163 : vector<1x32xbf16> to vector<32xbf16>
        %add3A_165 = arith.constant 1 : i32
        %add3A_166 = arith.addi %mul3A_159, %add3A_165 : i32
        %get3A_167 = arith.index_cast %add3A_166 : i32 to index
        %get3A_168 = arith.constant 0 : index
        %get3A_169 = tpu.vector_load %arg9[%get3A_167, %get3A_168] {strides = array<i32>} : memref<1280x64xbf16, #tpu.memory_space<vmem>>, vector<1x32xbf16>,
        %get3A_170 = vector.shape_cast %get3A_169 : vector<1x32xbf16> to vector<32xbf16>
        %add3A_171 = arith.constant 2 : i32
        %add3A_172 = arith.addi %mul3A_159, %add3A_171 : i32
        %get3A_173 = arith.index_cast %add3A_172 : i32 to index
        %get3A_174 = arith.constant 0 : index
        %get3A_175 = tpu.vector_load %arg9[%get3A_173, %get3A_174] {strides = array<i32>} : memref<1280x64xbf16, #tpu.memory_space<vmem>>, vector<1x32xbf16>,
        %get3A_176 = vector.shape_cast %get3A_175 : vector<1x32xbf16> to vector<32xbf16>
        %add3A_177 = arith.constant 3 : i32
        %add3A_178 = arith.addi %mul3A_159, %add3A_177 : i32
        %get3A_179 = arith.index_cast %add3A_178 : i32 to index
        %get3A_180 = arith.constant 0 : index
        %get3A_181 = tpu.vector_load %arg9[%get3A_179, %get3A_180] {strides = array<i32>} : memref<1280x64xbf16, #tpu.memory_space<vmem>>, vector<1x32xbf16>,
        %get3A_182 = vector.shape_cast %get3A_181 : vector<1x32xbf16> to vector<32xbf16>
        %add3A_183 = arith.constant 4 : i32
        %add3A_184 = arith.addi %mul3A_159, %add3A_183 : i32
        %get3A_185 = arith.index_cast %add3A_184 : i32 to index
        %get3A_186 = arith.constant 0 : index
        %get3A_187 = tpu.vector_load %arg9[%get3A_185, %get3A_186] {strides = array<i32>} : memref<1280x64xbf16, #tpu.memory_space<vmem>>, vector<1x32xbf16>,
        %get3A_188 = vector.shape_cast %get3A_187 : vector<1x32xbf16> to vector<32xbf16>
        %add3A_189 = arith.constant 5 : i32
        %add3A_190 = arith.addi %mul3A_159, %add3A_189 : i32
        %get3A_191 = arith.index_cast %add3A_190 : i32 to index
        %get3A_192 = arith.constant 0 : index
        %get3A_193 = tpu.vector_load %arg9[%get3A_191, %get3A_192] {strides = array<i32>} : memref<1280x64xbf16, #tpu.memory_space<vmem>>, vector<1x32xbf16>,
        %get3A_194 = vector.shape_cast %get3A_193 : vector<1x32xbf16> to vector<32xbf16>
        %add3A_195 = arith.constant 6 : i32
        %add3A_196 = arith.addi %mul3A_159, %add3A_195 : i32
        %get3A_197 = arith.index_cast %add3A_196 : i32 to index
        %get3A_198 = arith.constant 0 : index
        %get3A_199 = tpu.vector_load %arg9[%get3A_197, %get3A_198] {strides = array<i32>} : memref<1280x64xbf16, #tpu.memory_space<vmem>>, vector<1x32xbf16>,
        %get3A_200 = vector.shape_cast %get3A_199 : vector<1x32xbf16> to vector<32xbf16>
        %add3A_201 = arith.constant 7 : i32
        %add3A_202 = arith.addi %mul3A_159, %add3A_201 : i32
        %get3A_203 = arith.index_cast %add3A_202 : i32 to index
        %get3A_204 = arith.constant 0 : index
        %get3A_205 = tpu.vector_load %arg9[%get3A_203, %get3A_204] {strides = array<i32>} : memref<1280x64xbf16, #tpu.memory_space<vmem>>, vector<1x32xbf16>,
        %get3A_206 = vector.shape_cast %get3A_205 : vector<1x32xbf16> to vector<32xbf16>
        %add3A_207 = arith.constant 8 : i32
        %add3A_208 = arith.addi %mul3A_159, %add3A_207 : i32
        %get3A_209 = arith.index_cast %add3A_208 : i32 to index
        %get3A_210 = arith.constant 0 : index
        %get3A_211 = tpu.vector_load %arg9[%get3A_209, %get3A_210] {strides = array<i32>} : memref<1280x64xbf16, #tpu.memory_space<vmem>>, vector<1x32xbf16>,
        %get3A_212 = vector.shape_cast %get3A_211 : vector<1x32xbf16> to vector<32xbf16>
        %add3A_213 = arith.constant 9 : i32
        %add3A_214 = arith.addi %mul3A_159, %add3A_213 : i32
        %get3A_215 = arith.index_cast %add3A_214 : i32 to index
        %get3A_216 = arith.constant 0 : index
        %get3A_217 = tpu.vector_load %arg9[%get3A_215, %get3A_216] {strides = array<i32>} : memref<1280x64xbf16, #tpu.memory_space<vmem>>, vector<1x32xbf16>,
        %get3A_218 = vector.shape_cast %get3A_217 : vector<1x32xbf16> to vector<32xbf16>
        %add3A_219 = arith.constant 10 : i32
        %add3A_220 = arith.addi %mul3A_159, %add3A_219 : i32
        %get3A_221 = arith.index_cast %add3A_220 : i32 to index
        %get3A_222 = arith.constant 0 : index
        %get3A_223 = tpu.vector_load %arg9[%get3A_221, %get3A_222] {strides = array<i32>} : memref<1280x64xbf16, #tpu.memory_space<vmem>>, vector<1x32xbf16>,
        %get3A_224 = vector.shape_cast %get3A_223 : vector<1x32xbf16> to vector<32xbf16>
        %add3A_225 = arith.constant 11 : i32
        %add3A_226 = arith.addi %mul3A_159, %add3A_225 : i32
        %get3A_227 = arith.index_cast %add3A_226 : i32 to index
        %get3A_228 = arith.constant 0 : index
        %get3A_229 = tpu.vector_load %arg9[%get3A_227, %get3A_228] {strides = array<i32>} : memref<1280x64xbf16, #tpu.memory_space<vmem>>, vector<1x32xbf16>,
        %get3A_230 = vector.shape_cast %get3A_229 : vector<1x32xbf16> to vector<32xbf16>
        %add3A_231 = arith.constant 12 : i32
        %add3A_232 = arith.addi %mul3A_159, %add3A_231 : i32
        %get3A_233 = arith.index_cast %add3A_232 : i32 to index
        %get3A_234 = arith.constant 0 : index
        %get3A_235 = tpu.vector_load %arg9[%get3A_233, %get3A_234] {strides = array<i32>} : memref<1280x64xbf16, #tpu.memory_space<vmem>>, vector<1x32xbf16>,
        %get3A_236 = vector.shape_cast %get3A_235 : vector<1x32xbf16> to vector<32xbf16>
        %add3A_237 = arith.constant 13 : i32
        %add3A_238 = arith.addi %mul3A_159, %add3A_237 : i32
        %get3A_239 = arith.index_cast %add3A_238 : i32 to index
        %get3A_240 = arith.constant 0 : index
        %get3A_241 = tpu.vector_load %arg9[%get3A_239, %get3A_240] {strides = array<i32>} : memref<1280x64xbf16, #tpu.memory_space<vmem>>, vector<1x32xbf16>,
        %get3A_242 = vector.shape_cast %get3A_241 : vector<1x32xbf16> to vector<32xbf16>
        %add3A_243 = arith.constant 14 : i32
        %add3A_244 = arith.addi %mul3A_159, %add3A_243 : i32
        %get3A_245 = arith.index_cast %add3A_244 : i32 to index
        %get3A_246 = arith.constant 0 : index
        %get3A_247 = tpu.vector_load %arg9[%get3A_245, %get3A_246] {strides = array<i32>} : memref<1280x64xbf16, #tpu.memory_space<vmem>>, vector<1x32xbf16>,
        %get3A_248 = vector.shape_cast %get3A_247 : vector<1x32xbf16> to vector<32xbf16>
        %add3A_249 = arith.constant 15 : i32
        %add3A_250 = arith.addi %mul3A_159, %add3A_249 : i32
        %get3A_251 = arith.index_cast %add3A_250 : i32 to index
        %get3A_252 = arith.constant 0 : index
        %get3A_253 = tpu.vector_load %arg9[%get3A_251, %get3A_252] {strides = array<i32>} : memref<1280x64xbf16, #tpu.memory_space<vmem>>, vector<1x32xbf16>,
        %get3A_254 = vector.shape_cast %get3A_253 : vector<1x32xbf16> to vector<32xbf16>
        %add3A_255 = arith.constant 16 : i32
        %add3A_256 = arith.addi %mul3A_159, %add3A_255 : i32
        %get3A_257 = arith.index_cast %add3A_256 : i32 to index
        %get3A_258 = arith.constant 0 : index
        %get3A_259 = tpu.vector_load %arg9[%get3A_257, %get3A_258] {strides = array<i32>} : memref<1280x64xbf16, #tpu.memory_space<vmem>>, vector<1x32xbf16>,
        %get3A_260 = vector.shape_cast %get3A_259 : vector<1x32xbf16> to vector<32xbf16>
        %add3A_261 = arith.constant 17 : i32
        %add3A_262 = arith.addi %mul3A_159, %add3A_261 : i32
        %get3A_263 = arith.index_cast %add3A_262 : i32 to index
        %get3A_264 = arith.constant 0 : index
        %get3A_265 = tpu.vector_load %arg9[%get3A_263, %get3A_264] {strides = array<i32>} : memref<1280x64xbf16, #tpu.memory_space<vmem>>, vector<1x32xbf16>,
        %get3A_266 = vector.shape_cast %get3A_265 : vector<1x32xbf16> to vector<32xbf16>
        %add3A_267 = arith.constant 18 : i32
        %add3A_268 = arith.addi %mul3A_159, %add3A_267 : i32
        %get3A_269 = arith.index_cast %add3A_268 : i32 to index
        %get3A_270 = arith.constant 0 : index
        %get3A_271 = tpu.vector_load %arg9[%get3A_269, %get3A_270] {strides = array<i32>} : memref<1280x64xbf16, #tpu.memory_space<vmem>>, vector<1x32xbf16>,
        %get3A_272 = vector.shape_cast %get3A_271 : vector<1x32xbf16> to vector<32xbf16>
        %add3A_273 = arith.constant 19 : i32
        %add3A_274 = arith.addi %mul3A_159, %add3A_273 : i32
        %get3A_275 = arith.index_cast %add3A_274 : i32 to index
        %get3A_276 = arith.constant 0 : index
        %get3A_277 = tpu.vector_load %arg9[%get3A_275, %get3A_276] {strides = array<i32>} : memref<1280x64xbf16, #tpu.memory_space<vmem>>, vector<1x32xbf16>,
        %get3A_278 = vector.shape_cast %get3A_277 : vector<1x32xbf16> to vector<32xbf16>
        %add3A_279 = arith.addf %get3A_164, %get3A_170 : vector<32xbf16>
        %add3A_280 = arith.addf %get3A_176, %get3A_182 : vector<32xbf16>
        %add3A_281 = arith.addf %get3A_188, %get3A_194 : vector<32xbf16>
        %add3A_282 = arith.addf %get3A_200, %get3A_206 : vector<32xbf16>
        %add3A_283 = arith.addf %get3A_212, %get3A_218 : vector<32xbf16>
        %add3A_284 = arith.addf %get3A_224, %get3A_230 : vector<32xbf16>
        %add3A_285 = arith.addf %get3A_236, %get3A_242 : vector<32xbf16>
        %add3A_286 = arith.addf %get3A_248, %get3A_254 : vector<32xbf16>
        %add3A_287 = arith.addf %get3A_260, %get3A_266 : vector<32xbf16>
        %add3A_288 = arith.addf %get3A_272, %get3A_278 : vector<32xbf16>
        %add3A_289 = arith.addf %add3A_279, %add3A_280 : vector<32xbf16>
        %add3A_290 = arith.addf %add3A_281, %add3A_282 : vector<32xbf16>
        %add3A_291 = arith.addf %add3A_283, %add3A_284 : vector<32xbf16>
        %add3A_292 = arith.addf %add3A_285, %add3A_286 : vector<32xbf16>
        %add3A_293 = arith.addf %add3A_287, %add3A_288 : vector<32xbf16>
        %add3A_294 = arith.addf %add3A_289, %add3A_290 : vector<32xbf16>
        %add3A_295 = arith.addf %add3A_291, %add3A_292 : vector<32xbf16>
        %add3A_296 = arith.addf %add3A_294, %add3A_295 : vector<32xbf16>
        %add3A_297 = arith.addf %add3A_296, %add3A_293 : vector<32xbf16>
        %swap3A = arith.index_cast %scan3A_157 : i32 to index
        %swap3A_298 = arith.constant 0 : index
        %swap3A_299 = tpu.vector_load %arg11[%swap3A, %swap3A_298] {strides = array<i32>} : memref<64x64xbf16, #tpu.memory_space<vmem>>, vector<1x32xbf16>,
        %swap3A_300 = vector.shape_cast %swap3A_299 : vector<1x32xbf16> to vector<32xbf16>
        %swap3A_301 = vector.shape_cast %add3A_297 : vector<32xbf16> to vector<1x32xbf16>
        tpu.vector_store %arg11[%swap3A, %swap3A_298], %swap3A_301 {strides = array<i32>} : memref<64x64xbf16, #tpu.memory_space<vmem>>, vector<1x32xbf16>,
        %add3A_302 = arith.constant 0 : i32
        %add3A_303 = arith.addi %mul3A_159, %add3A_302 : i32
        %get3A_304 = arith.index_cast %add3A_303 : i32 to index
        %get3A_305 = arith.constant 32 : index
        %get3A_306 = tpu.vector_load %arg9[%get3A_304, %get3A_305] {strides = array<i32>} : memref<1280x64xbf16, #tpu.memory_space<vmem>>, vector<1x32xbf16>,
        %get3A_307 = vector.shape_cast %get3A_306 : vector<1x32xbf16> to vector<32xbf16>
        %add3A_308 = arith.constant 1 : i32
        %add3A_309 = arith.addi %mul3A_159, %add3A_308 : i32
        %get3A_310 = arith.index_cast %add3A_309 : i32 to index
        %get3A_311 = arith.constant 32 : index
        %get3A_312 = tpu.vector_load %arg9[%get3A_310, %get3A_311] {strides = array<i32>} : memref<1280x64xbf16, #tpu.memory_space<vmem>>, vector<1x32xbf16>,
        %get3A_313 = vector.shape_cast %get3A_312 : vector<1x32xbf16> to vector<32xbf16>
        %add3A_314 = arith.constant 2 : i32
        %add3A_315 = arith.addi %mul3A_159, %add3A_314 : i32
        %get3A_316 = arith.index_cast %add3A_315 : i32 to index
        %get3A_317 = arith.constant 32 : index
        %get3A_318 = tpu.vector_load %arg9[%get3A_316, %get3A_317] {strides = array<i32>} : memref<1280x64xbf16, #tpu.memory_space<vmem>>, vector<1x32xbf16>,
        %get3A_319 = vector.shape_cast %get3A_318 : vector<1x32xbf16> to vector<32xbf16>
        %add3A_320 = arith.constant 3 : i32
        %add3A_321 = arith.addi %mul3A_159, %add3A_320 : i32
        %get3A_322 = arith.index_cast %add3A_321 : i32 to index
        %get3A_323 = arith.constant 32 : index
        %get3A_324 = tpu.vector_load %arg9[%get3A_322, %get3A_323] {strides = array<i32>} : memref<1280x64xbf16, #tpu.memory_space<vmem>>, vector<1x32xbf16>,
        %get3A_325 = vector.shape_cast %get3A_324 : vector<1x32xbf16> to vector<32xbf16>
        %add3A_326 = arith.constant 4 : i32
        %add3A_327 = arith.addi %mul3A_159, %add3A_326 : i32
        %get3A_328 = arith.index_cast %add3A_327 : i32 to index
        %get3A_329 = arith.constant 32 : index
        %get3A_330 = tpu.vector_load %arg9[%get3A_328, %get3A_329] {strides = array<i32>} : memref<1280x64xbf16, #tpu.memory_space<vmem>>, vector<1x32xbf16>,
        %get3A_331 = vector.shape_cast %get3A_330 : vector<1x32xbf16> to vector<32xbf16>
        %add3A_332 = arith.constant 5 : i32
        %add3A_333 = arith.addi %mul3A_159, %add3A_332 : i32
        %get3A_334 = arith.index_cast %add3A_333 : i32 to index
        %get3A_335 = arith.constant 32 : index
        %get3A_336 = tpu.vector_load %arg9[%get3A_334, %get3A_335] {strides = array<i32>} : memref<1280x64xbf16, #tpu.memory_space<vmem>>, vector<1x32xbf16>,
        %get3A_337 = vector.shape_cast %get3A_336 : vector<1x32xbf16> to vector<32xbf16>
        %add3A_338 = arith.constant 6 : i32
        %add3A_339 = arith.addi %mul3A_159, %add3A_338 : i32
        %get3A_340 = arith.index_cast %add3A_339 : i32 to index
        %get3A_341 = arith.constant 32 : index
        %get3A_342 = tpu.vector_load %arg9[%get3A_340, %get3A_341] {strides = array<i32>} : memref<1280x64xbf16, #tpu.memory_space<vmem>>, vector<1x32xbf16>,
        %get3A_343 = vector.shape_cast %get3A_342 : vector<1x32xbf16> to vector<32xbf16>
        %add3A_344 = arith.constant 7 : i32
        %add3A_345 = arith.addi %mul3A_159, %add3A_344 : i32
        %get3A_346 = arith.index_cast %add3A_345 : i32 to index
        %get3A_347 = arith.constant 32 : index
        %get3A_348 = tpu.vector_load %arg9[%get3A_346, %get3A_347] {strides = array<i32>} : memref<1280x64xbf16, #tpu.memory_space<vmem>>, vector<1x32xbf16>,
        %get3A_349 = vector.shape_cast %get3A_348 : vector<1x32xbf16> to vector<32xbf16>
        %add3A_350 = arith.constant 8 : i32
        %add3A_351 = arith.addi %mul3A_159, %add3A_350 : i32
        %get3A_352 = arith.index_cast %add3A_351 : i32 to index
        %get3A_353 = arith.constant 32 : index
        %get3A_354 = tpu.vector_load %arg9[%get3A_352, %get3A_353] {strides = array<i32>} : memref<1280x64xbf16, #tpu.memory_space<vmem>>, vector<1x32xbf16>,
        %get3A_355 = vector.shape_cast %get3A_354 : vector<1x32xbf16> to vector<32xbf16>
        %add3A_356 = arith.constant 9 : i32
        %add3A_357 = arith.addi %mul3A_159, %add3A_356 : i32
        %get3A_358 = arith.index_cast %add3A_357 : i32 to index
        %get3A_359 = arith.constant 32 : index
        %get3A_360 = tpu.vector_load %arg9[%get3A_358, %get3A_359] {strides = array<i32>} : memref<1280x64xbf16, #tpu.memory_space<vmem>>, vector<1x32xbf16>,
        %get3A_361 = vector.shape_cast %get3A_360 : vector<1x32xbf16> to vector<32xbf16>
        %add3A_362 = arith.constant 10 : i32
        %add3A_363 = arith.addi %mul3A_159, %add3A_362 : i32
        %get3A_364 = arith.index_cast %add3A_363 : i32 to index
        %get3A_365 = arith.constant 32 : index
        %get3A_366 = tpu.vector_load %arg9[%get3A_364, %get3A_365] {strides = array<i32>} : memref<1280x64xbf16, #tpu.memory_space<vmem>>, vector<1x32xbf16>,
        %get3A_367 = vector.shape_cast %get3A_366 : vector<1x32xbf16> to vector<32xbf16>
        %add3A_368 = arith.constant 11 : i32
        %add3A_369 = arith.addi %mul3A_159, %add3A_368 : i32
        %get3A_370 = arith.index_cast %add3A_369 : i32 to index
        %get3A_371 = arith.constant 32 : index
        %get3A_372 = tpu.vector_load %arg9[%get3A_370, %get3A_371] {strides = array<i32>} : memref<1280x64xbf16, #tpu.memory_space<vmem>>, vector<1x32xbf16>,
        %get3A_373 = vector.shape_cast %get3A_372 : vector<1x32xbf16> to vector<32xbf16>
        %add3A_374 = arith.constant 12 : i32
        %add3A_375 = arith.addi %mul3A_159, %add3A_374 : i32
        %get3A_376 = arith.index_cast %add3A_375 : i32 to index
        %get3A_377 = arith.constant 32 : index
        %get3A_378 = tpu.vector_load %arg9[%get3A_376, %get3A_377] {strides = array<i32>} : memref<1280x64xbf16, #tpu.memory_space<vmem>>, vector<1x32xbf16>,
        %get3A_379 = vector.shape_cast %get3A_378 : vector<1x32xbf16> to vector<32xbf16>
        %add3A_380 = arith.constant 13 : i32
        %add3A_381 = arith.addi %mul3A_159, %add3A_380 : i32
        %get3A_382 = arith.index_cast %add3A_381 : i32 to index
        %get3A_383 = arith.constant 32 : index
        %get3A_384 = tpu.vector_load %arg9[%get3A_382, %get3A_383] {strides = array<i32>} : memref<1280x64xbf16, #tpu.memory_space<vmem>>, vector<1x32xbf16>,
        %get3A_385 = vector.shape_cast %get3A_384 : vector<1x32xbf16> to vector<32xbf16>
        %add3A_386 = arith.constant 14 : i32
        %add3A_387 = arith.addi %mul3A_159, %add3A_386 : i32
        %get3A_388 = arith.index_cast %add3A_387 : i32 to index
        %get3A_389 = arith.constant 32 : index
        %get3A_390 = tpu.vector_load %arg9[%get3A_388, %get3A_389] {strides = array<i32>} : memref<1280x64xbf16, #tpu.memory_space<vmem>>, vector<1x32xbf16>,
        %get3A_391 = vector.shape_cast %get3A_390 : vector<1x32xbf16> to vector<32xbf16>
        %add3A_392 = arith.constant 15 : i32
        %add3A_393 = arith.addi %mul3A_159, %add3A_392 : i32
        %get3A_394 = arith.index_cast %add3A_393 : i32 to index
        %get3A_395 = arith.constant 32 : index
        %get3A_396 = tpu.vector_load %arg9[%get3A_394, %get3A_395] {strides = array<i32>} : memref<1280x64xbf16, #tpu.memory_space<vmem>>, vector<1x32xbf16>,
        %get3A_397 = vector.shape_cast %get3A_396 : vector<1x32xbf16> to vector<32xbf16>
        %add3A_398 = arith.constant 16 : i32
        %add3A_399 = arith.addi %mul3A_159, %add3A_398 : i32
        %get3A_400 = arith.index_cast %add3A_399 : i32 to index
        %get3A_401 = arith.constant 32 : index
        %get3A_402 = tpu.vector_load %arg9[%get3A_400, %get3A_401] {strides = array<i32>} : memref<1280x64xbf16, #tpu.memory_space<vmem>>, vector<1x32xbf16>,
        %get3A_403 = vector.shape_cast %get3A_402 : vector<1x32xbf16> to vector<32xbf16>
        %add3A_404 = arith.constant 17 : i32
        %add3A_405 = arith.addi %mul3A_159, %add3A_404 : i32
        %get3A_406 = arith.index_cast %add3A_405 : i32 to index
        %get3A_407 = arith.constant 32 : index
        %get3A_408 = tpu.vector_load %arg9[%get3A_406, %get3A_407] {strides = array<i32>} : memref<1280x64xbf16, #tpu.memory_space<vmem>>, vector<1x32xbf16>,
        %get3A_409 = vector.shape_cast %get3A_408 : vector<1x32xbf16> to vector<32xbf16>
        %add3A_410 = arith.constant 18 : i32
        %add3A_411 = arith.addi %mul3A_159, %add3A_410 : i32
        %get3A_412 = arith.index_cast %add3A_411 : i32 to index
        %get3A_413 = arith.constant 32 : index
        %get3A_414 = tpu.vector_load %arg9[%get3A_412, %get3A_413] {strides = array<i32>} : memref<1280x64xbf16, #tpu.memory_space<vmem>>, vector<1x32xbf16>,
        %get3A_415 = vector.shape_cast %get3A_414 : vector<1x32xbf16> to vector<32xbf16>
        %add3A_416 = arith.constant 19 : i32
        %add3A_417 = arith.addi %mul3A_159, %add3A_416 : i32
        %get3A_418 = arith.index_cast %add3A_417 : i32 to index
        %get3A_419 = arith.constant 32 : index
        %get3A_420 = tpu.vector_load %arg9[%get3A_418, %get3A_419] {strides = array<i32>} : memref<1280x64xbf16, #tpu.memory_space<vmem>>, vector<1x32xbf16>,
        %get3A_421 = vector.shape_cast %get3A_420 : vector<1x32xbf16> to vector<32xbf16>
        %add3A_422 = arith.addf %get3A_307, %get3A_313 : vector<32xbf16>
        %add3A_423 = arith.addf %get3A_319, %get3A_325 : vector<32xbf16>
        %add3A_424 = arith.addf %get3A_331, %get3A_337 : vector<32xbf16>
        %add3A_425 = arith.addf %get3A_343, %get3A_349 : vector<32xbf16>
        %add3A_426 = arith.addf %get3A_355, %get3A_361 : vector<32xbf16>
        %add3A_427 = arith.addf %get3A_367, %get3A_373 : vector<32xbf16>
        %add3A_428 = arith.addf %get3A_379, %get3A_385 : vector<32xbf16>
        %add3A_429 = arith.addf %get3A_391, %get3A_397 : vector<32xbf16>
        %add3A_430 = arith.addf %get3A_403, %get3A_409 : vector<32xbf16>
        %add3A_431 = arith.addf %get3A_415, %get3A_421 : vector<32xbf16>
        %add3A_432 = arith.addf %add3A_422, %add3A_423 : vector<32xbf16>
        %add3A_433 = arith.addf %add3A_424, %add3A_425 : vector<32xbf16>
        %add3A_434 = arith.addf %add3A_426, %add3A_427 : vector<32xbf16>
        %add3A_435 = arith.addf %add3A_428, %add3A_429 : vector<32xbf16>
        %add3A_436 = arith.addf %add3A_430, %add3A_431 : vector<32xbf16>
        %add3A_437 = arith.addf %add3A_432, %add3A_433 : vector<32xbf16>
        %add3A_438 = arith.addf %add3A_434, %add3A_435 : vector<32xbf16>
        %add3A_439 = arith.addf %add3A_437, %add3A_438 : vector<32xbf16>
        %add3A_440 = arith.addf %add3A_439, %add3A_436 : vector<32xbf16>
        %swap3A_441 = arith.index_cast %scan3A_157 : i32 to index
        %swap3A_442 = arith.constant 32 : index
        %swap3A_443 = tpu.vector_load %arg11[%swap3A_441, %swap3A_442] {strides = array<i32>} : memref<64x64xbf16, #tpu.memory_space<vmem>>, vector<1x32xbf16>,
        %swap3A_444 = vector.shape_cast %swap3A_443 : vector<1x32xbf16> to vector<32xbf16>
        %swap3A_445 = vector.shape_cast %add3A_440 : vector<32xbf16> to vector<1x32xbf16>
        tpu.vector_store %arg11[%swap3A_441, %swap3A_442], %swap3A_445 {strides = array<i32>} : memref<64x64xbf16, #tpu.memory_space<vmem>>, vector<1x32xbf16>,
      }
      %scan3A_123 = arith.constant 64 : i32
      %mul3A_124 = arith.constant 64 : i32
      %mul3A_125 = arith.muli %add3A_100, %mul3A_124 : i32
      %add3A_126 = arith.addi %mul3A_2, %mul3A_125 : i32
      "tpu.region"() ({
        %run_scoped3A = tpu.sem_alloc : memref<!tpu.dma_semaphore, #tpu.memory_space<semaphore_mem>>
        %dma_start3A_157 = arith.constant 0 : i32
        %dma_start3A_158 = tpu.memref_slice %arg4[%add3A_126, %dma_start3A_157] : memref<106496x64xbf16, #tpu.memory_space<hbm>> -> memref<64x64xbf16, #tpu.memory_space<hbm>>
        %dma_start3A_159 = arith.constant 0 : i32
        %dma_start3A_160 = tpu.memref_slice %arg4[%add3A_126, %dma_start3A_159] : memref<106496x64xbf16, #tpu.memory_space<hbm>> -> memref<64x64xbf16, #tpu.memory_space<hbm>>
        tpu.enqueue_dma source(%arg11 : memref<64x64xbf16, #tpu.memory_space<vmem>>) target(%dma_start3A_160 : memref<64x64xbf16, #tpu.memory_space<hbm>>) target_semaphore(%run_scoped3A : memref<!tpu.dma_semaphore, #tpu.memory_space<semaphore_mem>>)
        %dma_wait3A_161 = arith.constant 0 : i32
        %dma_wait3A_162 = tpu.memref_slice %arg4[%add3A_126, %dma_wait3A_161] : memref<106496x64xbf16, #tpu.memory_space<hbm>> -> memref<64x64xbf16, #tpu.memory_space<hbm>>
        %dma_wait3A_163 = arith.constant 0 : i32
        %dma_wait3A_164 = tpu.memref_slice %arg4[%add3A_126, %dma_wait3A_163] : memref<106496x64xbf16, #tpu.memory_space<hbm>> -> memref<64x64xbf16, #tpu.memory_space<hbm>>
        tpu.wait_dma2 semaphore(%run_scoped3A : memref<!tpu.dma_semaphore, #tpu.memory_space<semaphore_mem>>) src(%arg11 : memref<64x64xbf16, #tpu.memory_space<vmem>>) dst(%dma_wait3A_164 : memref<64x64xbf16, #tpu.memory_space<hbm>>)
        tpu.yield
      }) : () -> ()
      %mul3A_127 = arith.constant 4 : i32
      %mul3A_128 = arith.muli %mul3A_127, %scan3A_39 : i32
      %add3A_129 = arith.constant 3 : i32
      %add3A_130 = arith.addi %mul3A_128, %add3A_129 : i32
      %dma_wait3A_131 = arith.constant 0 : i32
      %dma_wait3A_132 = arith.constant 0 : i32
      %dma_wait3A_133 = tpu.memref_slice %arg3[%dma_wait3A_131, %dma_wait3A_132] : memref<100000x64xbf16, #tpu.memory_space<hbm>> -> memref<100000x64xbf16, #tpu.memory_space<hbm>>
      tpu.wait_indirect_dma semaphore(%arg17 : memref<!tpu.dma_semaphore, #tpu.memory_space<semaphore_mem>>) src(%dma_wait3A_133 : memref<100000x64xbf16, #tpu.memory_space<hbm>>) dst(%arg10 : memref<1280x64xbf16, #tpu.memory_space<vmem>>)
      %add3A_134 = arith.constant 4 : i32
      %add3A_135 = arith.addi %add3A_130, %add3A_134 : i32
      %lt3A_136 = arith.constant 52 : i32
      %lt3A_137 = arith.cmpi slt, %add3A_135, %lt3A_136 : i32
      %convert_element_type3A_138 = arith.extui %lt3A_137 : i1 to i32
      %cond3A_139 = arith.constant 0 : i32
      %cond3A_140 = arith.cmpi ne, %convert_element_type3A_138, %cond3A_139 : i32
      scf.if %cond3A_140 {
        %add3A_157 = arith.constant 4 : i32
        %add3A_158 = arith.addi %add3A_130, %add3A_157 : i32
        %mul3A_159 = arith.constant 64 : i32
        %mul3A_160 = arith.muli %add3A_158, %mul3A_159 : i32
        %add3A_161 = arith.addi %mul3A_2, %mul3A_160 : i32
        %mul3A_162 = arith.constant 20 : i32
        %mul3A_163 = arith.muli %add3A_161, %mul3A_162 : i32
        %dma_start3A_164 = tpu.memref_slice %arg2[%mul3A_163] : memref<2129920xi32, #tpu.memory_space<hbm>> -> memref<1280xi32, #tpu.memory_space<hbm>>
        %dma_start3A_165 = tpu.memref_slice %arg2[%mul3A_163] : memref<2129920xi32, #tpu.memory_space<hbm>> -> memref<1280xi32, #tpu.memory_space<hbm>>
        tpu.enqueue_dma source(%dma_start3A_165 : memref<1280xi32, #tpu.memory_space<hbm>>) target(%arg8 : memref<1280xi32, #tpu.memory_space<vmem>>) target_semaphore(%arg15 : memref<!tpu.dma_semaphore, #tpu.memory_space<semaphore_mem>>)
      } else {
      }
      %add3A_141 = arith.constant 1 : i32
      %add3A_142 = arith.addi %add3A_130, %add3A_141 : i32
      %lt3A_143 = arith.constant 52 : i32
      %lt3A_144 = arith.cmpi slt, %add3A_142, %lt3A_143 : i32
      %convert_element_type3A_145 = arith.extui %lt3A_144 : i1 to i32
      %cond3A_146 = arith.constant 0 : i32
      %cond3A_147 = arith.cmpi ne, %convert_element_type3A_145, %cond3A_146 : i32
      scf.if %cond3A_147 {
        %add3A_157 = arith.constant 1 : i32
        %add3A_158 = arith.addi %add3A_130, %add3A_157 : i32
        %mul3A_159 = arith.constant 64 : i32
        %mul3A_160 = arith.muli %add3A_158, %mul3A_159 : i32
        %add3A_161 = arith.addi %mul3A_2, %mul3A_160 : i32
        %mul3A_162 = arith.constant 20 : i32
        %mul3A_163 = arith.muli %add3A_161, %mul3A_162 : i32
        %dma_wait3A_164 = tpu.memref_slice %arg2[%mul3A_163] : memref<2129920xi32, #tpu.memory_space<hbm>> -> memref<1280xi32, #tpu.memory_space<hbm>>
        %dma_wait3A_165 = tpu.memref_slice %arg2[%mul3A_163] : memref<2129920xi32, #tpu.memory_space<hbm>> -> memref<1280xi32, #tpu.memory_space<hbm>>
        tpu.wait_dma2 semaphore(%arg12 : memref<!tpu.dma_semaphore, #tpu.memory_space<semaphore_mem>>) src(%dma_wait3A_165 : memref<1280xi32, #tpu.memory_space<hbm>>) dst(%arg5 : memref<1280xi32, #tpu.memory_space<vmem>>)
        %dma_start3A_166 = arith.constant 0 : i32
        %dma_start3A_167 = arith.constant 0 : i32
        %dma_start3A_168 = tpu.memref_slice %arg3[%dma_start3A_166, %dma_start3A_167] : memref<100000x64xbf16, #tpu.memory_space<hbm>> -> memref<100000x64xbf16, #tpu.memory_space<hbm>>
        tpu.enqueue_indirect_dma source(%dma_start3A_168 : memref<100000x64xbf16, #tpu.memory_space<hbm>>) target(%arg9 : memref<1280x64xbf16, #tpu.memory_space<vmem>>) offsets(%arg5 : memref<1280xi32, #tpu.memory_space<vmem>>) semaphore(%arg16 : memref<!tpu.dma_semaphore, #tpu.memory_space<semaphore_mem>>)
      } else {
      }
      %scan3A_148 = arith.constant 0 : i32
      %scan3A_149 = arith.constant 0 : i32
      %scan3A_150 = arith.constant 64 : i32
      %scan3A_151 = arith.addi %scan3A_149, %scan3A_150 : i32
      %scan3A_152 = arith.constant 1 : i32
      scf.for %scan3A_157 = %scan3A_149 to %scan3A_151 step %scan3A_152  : i32 {
        %mul3A_158 = arith.constant 20 : i32
        %mul3A_159 = arith.muli %scan3A_157, %mul3A_158 : i32
        %add3A_160 = arith.constant 0 : i32
        %add3A_161 = arith.addi %mul3A_159, %add3A_160 : i32
        %get3A = arith.index_cast %add3A_161 : i32 to index
        %get3A_162 = arith.constant 0 : index
        %get3A_163 = tpu.vector_load %arg10[%get3A, %get3A_162] {strides = array<i32>} : memref<1280x64xbf16, #tpu.memory_space<vmem>>, vector<1x32xbf16>,
        %get3A_164 = vector.shape_cast %get3A_163 : vector<1x32xbf16> to vector<32xbf16>
        %add3A_165 = arith.constant 1 : i32
        %add3A_166 = arith.addi %mul3A_159, %add3A_165 : i32
        %get3A_167 = arith.index_cast %add3A_166 : i32 to index
        %get3A_168 = arith.constant 0 : index
        %get3A_169 = tpu.vector_load %arg10[%get3A_167, %get3A_168] {strides = array<i32>} : memref<1280x64xbf16, #tpu.memory_space<vmem>>, vector<1x32xbf16>,
        %get3A_170 = vector.shape_cast %get3A_169 : vector<1x32xbf16> to vector<32xbf16>
        %add3A_171 = arith.constant 2 : i32
        %add3A_172 = arith.addi %mul3A_159, %add3A_171 : i32
        %get3A_173 = arith.index_cast %add3A_172 : i32 to index
        %get3A_174 = arith.constant 0 : index
        %get3A_175 = tpu.vector_load %arg10[%get3A_173, %get3A_174] {strides = array<i32>} : memref<1280x64xbf16, #tpu.memory_space<vmem>>, vector<1x32xbf16>,
        %get3A_176 = vector.shape_cast %get3A_175 : vector<1x32xbf16> to vector<32xbf16>
        %add3A_177 = arith.constant 3 : i32
        %add3A_178 = arith.addi %mul3A_159, %add3A_177 : i32
        %get3A_179 = arith.index_cast %add3A_178 : i32 to index
        %get3A_180 = arith.constant 0 : index
        %get3A_181 = tpu.vector_load %arg10[%get3A_179, %get3A_180] {strides = array<i32>} : memref<1280x64xbf16, #tpu.memory_space<vmem>>, vector<1x32xbf16>,
        %get3A_182 = vector.shape_cast %get3A_181 : vector<1x32xbf16> to vector<32xbf16>
        %add3A_183 = arith.constant 4 : i32
        %add3A_184 = arith.addi %mul3A_159, %add3A_183 : i32
        %get3A_185 = arith.index_cast %add3A_184 : i32 to index
        %get3A_186 = arith.constant 0 : index
        %get3A_187 = tpu.vector_load %arg10[%get3A_185, %get3A_186] {strides = array<i32>} : memref<1280x64xbf16, #tpu.memory_space<vmem>>, vector<1x32xbf16>,
        %get3A_188 = vector.shape_cast %get3A_187 : vector<1x32xbf16> to vector<32xbf16>
        %add3A_189 = arith.constant 5 : i32
        %add3A_190 = arith.addi %mul3A_159, %add3A_189 : i32
        %get3A_191 = arith.index_cast %add3A_190 : i32 to index
        %get3A_192 = arith.constant 0 : index
        %get3A_193 = tpu.vector_load %arg10[%get3A_191, %get3A_192] {strides = array<i32>} : memref<1280x64xbf16, #tpu.memory_space<vmem>>, vector<1x32xbf16>,
        %get3A_194 = vector.shape_cast %get3A_193 : vector<1x32xbf16> to vector<32xbf16>
        %add3A_195 = arith.constant 6 : i32
        %add3A_196 = arith.addi %mul3A_159, %add3A_195 : i32
        %get3A_197 = arith.index_cast %add3A_196 : i32 to index
        %get3A_198 = arith.constant 0 : index
        %get3A_199 = tpu.vector_load %arg10[%get3A_197, %get3A_198] {strides = array<i32>} : memref<1280x64xbf16, #tpu.memory_space<vmem>>, vector<1x32xbf16>,
        %get3A_200 = vector.shape_cast %get3A_199 : vector<1x32xbf16> to vector<32xbf16>
        %add3A_201 = arith.constant 7 : i32
        %add3A_202 = arith.addi %mul3A_159, %add3A_201 : i32
        %get3A_203 = arith.index_cast %add3A_202 : i32 to index
        %get3A_204 = arith.constant 0 : index
        %get3A_205 = tpu.vector_load %arg10[%get3A_203, %get3A_204] {strides = array<i32>} : memref<1280x64xbf16, #tpu.memory_space<vmem>>, vector<1x32xbf16>,
        %get3A_206 = vector.shape_cast %get3A_205 : vector<1x32xbf16> to vector<32xbf16>
        %add3A_207 = arith.constant 8 : i32
        %add3A_208 = arith.addi %mul3A_159, %add3A_207 : i32
        %get3A_209 = arith.index_cast %add3A_208 : i32 to index
        %get3A_210 = arith.constant 0 : index
        %get3A_211 = tpu.vector_load %arg10[%get3A_209, %get3A_210] {strides = array<i32>} : memref<1280x64xbf16, #tpu.memory_space<vmem>>, vector<1x32xbf16>,
        %get3A_212 = vector.shape_cast %get3A_211 : vector<1x32xbf16> to vector<32xbf16>
        %add3A_213 = arith.constant 9 : i32
        %add3A_214 = arith.addi %mul3A_159, %add3A_213 : i32
        %get3A_215 = arith.index_cast %add3A_214 : i32 to index
        %get3A_216 = arith.constant 0 : index
        %get3A_217 = tpu.vector_load %arg10[%get3A_215, %get3A_216] {strides = array<i32>} : memref<1280x64xbf16, #tpu.memory_space<vmem>>, vector<1x32xbf16>,
        %get3A_218 = vector.shape_cast %get3A_217 : vector<1x32xbf16> to vector<32xbf16>
        %add3A_219 = arith.constant 10 : i32
        %add3A_220 = arith.addi %mul3A_159, %add3A_219 : i32
        %get3A_221 = arith.index_cast %add3A_220 : i32 to index
        %get3A_222 = arith.constant 0 : index
        %get3A_223 = tpu.vector_load %arg10[%get3A_221, %get3A_222] {strides = array<i32>} : memref<1280x64xbf16, #tpu.memory_space<vmem>>, vector<1x32xbf16>,
        %get3A_224 = vector.shape_cast %get3A_223 : vector<1x32xbf16> to vector<32xbf16>
        %add3A_225 = arith.constant 11 : i32
        %add3A_226 = arith.addi %mul3A_159, %add3A_225 : i32
        %get3A_227 = arith.index_cast %add3A_226 : i32 to index
        %get3A_228 = arith.constant 0 : index
        %get3A_229 = tpu.vector_load %arg10[%get3A_227, %get3A_228] {strides = array<i32>} : memref<1280x64xbf16, #tpu.memory_space<vmem>>, vector<1x32xbf16>,
        %get3A_230 = vector.shape_cast %get3A_229 : vector<1x32xbf16> to vector<32xbf16>
        %add3A_231 = arith.constant 12 : i32
        %add3A_232 = arith.addi %mul3A_159, %add3A_231 : i32
        %get3A_233 = arith.index_cast %add3A_232 : i32 to index
        %get3A_234 = arith.constant 0 : index
        %get3A_235 = tpu.vector_load %arg10[%get3A_233, %get3A_234] {strides = array<i32>} : memref<1280x64xbf16, #tpu.memory_space<vmem>>, vector<1x32xbf16>,
        %get3A_236 = vector.shape_cast %get3A_235 : vector<1x32xbf16> to vector<32xbf16>
        %add3A_237 = arith.constant 13 : i32
        %add3A_238 = arith.addi %mul3A_159, %add3A_237 : i32
        %get3A_239 = arith.index_cast %add3A_238 : i32 to index
        %get3A_240 = arith.constant 0 : index
        %get3A_241 = tpu.vector_load %arg10[%get3A_239, %get3A_240] {strides = array<i32>} : memref<1280x64xbf16, #tpu.memory_space<vmem>>, vector<1x32xbf16>,
        %get3A_242 = vector.shape_cast %get3A_241 : vector<1x32xbf16> to vector<32xbf16>
        %add3A_243 = arith.constant 14 : i32
        %add3A_244 = arith.addi %mul3A_159, %add3A_243 : i32
        %get3A_245 = arith.index_cast %add3A_244 : i32 to index
        %get3A_246 = arith.constant 0 : index
        %get3A_247 = tpu.vector_load %arg10[%get3A_245, %get3A_246] {strides = array<i32>} : memref<1280x64xbf16, #tpu.memory_space<vmem>>, vector<1x32xbf16>,
        %get3A_248 = vector.shape_cast %get3A_247 : vector<1x32xbf16> to vector<32xbf16>
        %add3A_249 = arith.constant 15 : i32
        %add3A_250 = arith.addi %mul3A_159, %add3A_249 : i32
        %get3A_251 = arith.index_cast %add3A_250 : i32 to index
        %get3A_252 = arith.constant 0 : index
        %get3A_253 = tpu.vector_load %arg10[%get3A_251, %get3A_252] {strides = array<i32>} : memref<1280x64xbf16, #tpu.memory_space<vmem>>, vector<1x32xbf16>,
        %get3A_254 = vector.shape_cast %get3A_253 : vector<1x32xbf16> to vector<32xbf16>
        %add3A_255 = arith.constant 16 : i32
        %add3A_256 = arith.addi %mul3A_159, %add3A_255 : i32
        %get3A_257 = arith.index_cast %add3A_256 : i32 to index
        %get3A_258 = arith.constant 0 : index
        %get3A_259 = tpu.vector_load %arg10[%get3A_257, %get3A_258] {strides = array<i32>} : memref<1280x64xbf16, #tpu.memory_space<vmem>>, vector<1x32xbf16>,
        %get3A_260 = vector.shape_cast %get3A_259 : vector<1x32xbf16> to vector<32xbf16>
        %add3A_261 = arith.constant 17 : i32
        %add3A_262 = arith.addi %mul3A_159, %add3A_261 : i32
        %get3A_263 = arith.index_cast %add3A_262 : i32 to index
        %get3A_264 = arith.constant 0 : index
        %get3A_265 = tpu.vector_load %arg10[%get3A_263, %get3A_264] {strides = array<i32>} : memref<1280x64xbf16, #tpu.memory_space<vmem>>, vector<1x32xbf16>,
        %get3A_266 = vector.shape_cast %get3A_265 : vector<1x32xbf16> to vector<32xbf16>
        %add3A_267 = arith.constant 18 : i32
        %add3A_268 = arith.addi %mul3A_159, %add3A_267 : i32
        %get3A_269 = arith.index_cast %add3A_268 : i32 to index
        %get3A_270 = arith.constant 0 : index
        %get3A_271 = tpu.vector_load %arg10[%get3A_269, %get3A_270] {strides = array<i32>} : memref<1280x64xbf16, #tpu.memory_space<vmem>>, vector<1x32xbf16>,
        %get3A_272 = vector.shape_cast %get3A_271 : vector<1x32xbf16> to vector<32xbf16>
        %add3A_273 = arith.constant 19 : i32
        %add3A_274 = arith.addi %mul3A_159, %add3A_273 : i32
        %get3A_275 = arith.index_cast %add3A_274 : i32 to index
        %get3A_276 = arith.constant 0 : index
        %get3A_277 = tpu.vector_load %arg10[%get3A_275, %get3A_276] {strides = array<i32>} : memref<1280x64xbf16, #tpu.memory_space<vmem>>, vector<1x32xbf16>,
        %get3A_278 = vector.shape_cast %get3A_277 : vector<1x32xbf16> to vector<32xbf16>
        %add3A_279 = arith.addf %get3A_164, %get3A_170 : vector<32xbf16>
        %add3A_280 = arith.addf %get3A_176, %get3A_182 : vector<32xbf16>
        %add3A_281 = arith.addf %get3A_188, %get3A_194 : vector<32xbf16>
        %add3A_282 = arith.addf %get3A_200, %get3A_206 : vector<32xbf16>
        %add3A_283 = arith.addf %get3A_212, %get3A_218 : vector<32xbf16>
        %add3A_284 = arith.addf %get3A_224, %get3A_230 : vector<32xbf16>
        %add3A_285 = arith.addf %get3A_236, %get3A_242 : vector<32xbf16>
        %add3A_286 = arith.addf %get3A_248, %get3A_254 : vector<32xbf16>
        %add3A_287 = arith.addf %get3A_260, %get3A_266 : vector<32xbf16>
        %add3A_288 = arith.addf %get3A_272, %get3A_278 : vector<32xbf16>
        %add3A_289 = arith.addf %add3A_279, %add3A_280 : vector<32xbf16>
        %add3A_290 = arith.addf %add3A_281, %add3A_282 : vector<32xbf16>
        %add3A_291 = arith.addf %add3A_283, %add3A_284 : vector<32xbf16>
        %add3A_292 = arith.addf %add3A_285, %add3A_286 : vector<32xbf16>
        %add3A_293 = arith.addf %add3A_287, %add3A_288 : vector<32xbf16>
        %add3A_294 = arith.addf %add3A_289, %add3A_290 : vector<32xbf16>
        %add3A_295 = arith.addf %add3A_291, %add3A_292 : vector<32xbf16>
        %add3A_296 = arith.addf %add3A_294, %add3A_295 : vector<32xbf16>
        %add3A_297 = arith.addf %add3A_296, %add3A_293 : vector<32xbf16>
        %swap3A = arith.index_cast %scan3A_157 : i32 to index
        %swap3A_298 = arith.constant 0 : index
        %swap3A_299 = tpu.vector_load %arg11[%swap3A, %swap3A_298] {strides = array<i32>} : memref<64x64xbf16, #tpu.memory_space<vmem>>, vector<1x32xbf16>,
        %swap3A_300 = vector.shape_cast %swap3A_299 : vector<1x32xbf16> to vector<32xbf16>
        %swap3A_301 = vector.shape_cast %add3A_297 : vector<32xbf16> to vector<1x32xbf16>
        tpu.vector_store %arg11[%swap3A, %swap3A_298], %swap3A_301 {strides = array<i32>} : memref<64x64xbf16, #tpu.memory_space<vmem>>, vector<1x32xbf16>,
        %add3A_302 = arith.constant 0 : i32
        %add3A_303 = arith.addi %mul3A_159, %add3A_302 : i32
        %get3A_304 = arith.index_cast %add3A_303 : i32 to index
        %get3A_305 = arith.constant 32 : index
        %get3A_306 = tpu.vector_load %arg10[%get3A_304, %get3A_305] {strides = array<i32>} : memref<1280x64xbf16, #tpu.memory_space<vmem>>, vector<1x32xbf16>,
        %get3A_307 = vector.shape_cast %get3A_306 : vector<1x32xbf16> to vector<32xbf16>
        %add3A_308 = arith.constant 1 : i32
        %add3A_309 = arith.addi %mul3A_159, %add3A_308 : i32
        %get3A_310 = arith.index_cast %add3A_309 : i32 to index
        %get3A_311 = arith.constant 32 : index
        %get3A_312 = tpu.vector_load %arg10[%get3A_310, %get3A_311] {strides = array<i32>} : memref<1280x64xbf16, #tpu.memory_space<vmem>>, vector<1x32xbf16>,
        %get3A_313 = vector.shape_cast %get3A_312 : vector<1x32xbf16> to vector<32xbf16>
        %add3A_314 = arith.constant 2 : i32
        %add3A_315 = arith.addi %mul3A_159, %add3A_314 : i32
        %get3A_316 = arith.index_cast %add3A_315 : i32 to index
        %get3A_317 = arith.constant 32 : index
        %get3A_318 = tpu.vector_load %arg10[%get3A_316, %get3A_317] {strides = array<i32>} : memref<1280x64xbf16, #tpu.memory_space<vmem>>, vector<1x32xbf16>,
        %get3A_319 = vector.shape_cast %get3A_318 : vector<1x32xbf16> to vector<32xbf16>
        %add3A_320 = arith.constant 3 : i32
        %add3A_321 = arith.addi %mul3A_159, %add3A_320 : i32
        %get3A_322 = arith.index_cast %add3A_321 : i32 to index
        %get3A_323 = arith.constant 32 : index
        %get3A_324 = tpu.vector_load %arg10[%get3A_322, %get3A_323] {strides = array<i32>} : memref<1280x64xbf16, #tpu.memory_space<vmem>>, vector<1x32xbf16>,
        %get3A_325 = vector.shape_cast %get3A_324 : vector<1x32xbf16> to vector<32xbf16>
        %add3A_326 = arith.constant 4 : i32
        %add3A_327 = arith.addi %mul3A_159, %add3A_326 : i32
        %get3A_328 = arith.index_cast %add3A_327 : i32 to index
        %get3A_329 = arith.constant 32 : index
        %get3A_330 = tpu.vector_load %arg10[%get3A_328, %get3A_329] {strides = array<i32>} : memref<1280x64xbf16, #tpu.memory_space<vmem>>, vector<1x32xbf16>,
        %get3A_331 = vector.shape_cast %get3A_330 : vector<1x32xbf16> to vector<32xbf16>
        %add3A_332 = arith.constant 5 : i32
        %add3A_333 = arith.addi %mul3A_159, %add3A_332 : i32
        %get3A_334 = arith.index_cast %add3A_333 : i32 to index
        %get3A_335 = arith.constant 32 : index
        %get3A_336 = tpu.vector_load %arg10[%get3A_334, %get3A_335] {strides = array<i32>} : memref<1280x64xbf16, #tpu.memory_space<vmem>>, vector<1x32xbf16>,
        %get3A_337 = vector.shape_cast %get3A_336 : vector<1x32xbf16> to vector<32xbf16>
        %add3A_338 = arith.constant 6 : i32
        %add3A_339 = arith.addi %mul3A_159, %add3A_338 : i32
        %get3A_340 = arith.index_cast %add3A_339 : i32 to index
        %get3A_341 = arith.constant 32 : index
        %get3A_342 = tpu.vector_load %arg10[%get3A_340, %get3A_341] {strides = array<i32>} : memref<1280x64xbf16, #tpu.memory_space<vmem>>, vector<1x32xbf16>,
        %get3A_343 = vector.shape_cast %get3A_342 : vector<1x32xbf16> to vector<32xbf16>
        %add3A_344 = arith.constant 7 : i32
        %add3A_345 = arith.addi %mul3A_159, %add3A_344 : i32
        %get3A_346 = arith.index_cast %add3A_345 : i32 to index
        %get3A_347 = arith.constant 32 : index
        %get3A_348 = tpu.vector_load %arg10[%get3A_346, %get3A_347] {strides = array<i32>} : memref<1280x64xbf16, #tpu.memory_space<vmem>>, vector<1x32xbf16>,
        %get3A_349 = vector.shape_cast %get3A_348 : vector<1x32xbf16> to vector<32xbf16>
        %add3A_350 = arith.constant 8 : i32
        %add3A_351 = arith.addi %mul3A_159, %add3A_350 : i32
        %get3A_352 = arith.index_cast %add3A_351 : i32 to index
        %get3A_353 = arith.constant 32 : index
        %get3A_354 = tpu.vector_load %arg10[%get3A_352, %get3A_353] {strides = array<i32>} : memref<1280x64xbf16, #tpu.memory_space<vmem>>, vector<1x32xbf16>,
        %get3A_355 = vector.shape_cast %get3A_354 : vector<1x32xbf16> to vector<32xbf16>
        %add3A_356 = arith.constant 9 : i32
        %add3A_357 = arith.addi %mul3A_159, %add3A_356 : i32
        %get3A_358 = arith.index_cast %add3A_357 : i32 to index
        %get3A_359 = arith.constant 32 : index
        %get3A_360 = tpu.vector_load %arg10[%get3A_358, %get3A_359] {strides = array<i32>} : memref<1280x64xbf16, #tpu.memory_space<vmem>>, vector<1x32xbf16>,
        %get3A_361 = vector.shape_cast %get3A_360 : vector<1x32xbf16> to vector<32xbf16>
        %add3A_362 = arith.constant 10 : i32
        %add3A_363 = arith.addi %mul3A_159, %add3A_362 : i32
        %get3A_364 = arith.index_cast %add3A_363 : i32 to index
        %get3A_365 = arith.constant 32 : index
        %get3A_366 = tpu.vector_load %arg10[%get3A_364, %get3A_365] {strides = array<i32>} : memref<1280x64xbf16, #tpu.memory_space<vmem>>, vector<1x32xbf16>,
        %get3A_367 = vector.shape_cast %get3A_366 : vector<1x32xbf16> to vector<32xbf16>
        %add3A_368 = arith.constant 11 : i32
        %add3A_369 = arith.addi %mul3A_159, %add3A_368 : i32
        %get3A_370 = arith.index_cast %add3A_369 : i32 to index
        %get3A_371 = arith.constant 32 : index
        %get3A_372 = tpu.vector_load %arg10[%get3A_370, %get3A_371] {strides = array<i32>} : memref<1280x64xbf16, #tpu.memory_space<vmem>>, vector<1x32xbf16>,
        %get3A_373 = vector.shape_cast %get3A_372 : vector<1x32xbf16> to vector<32xbf16>
        %add3A_374 = arith.constant 12 : i32
        %add3A_375 = arith.addi %mul3A_159, %add3A_374 : i32
        %get3A_376 = arith.index_cast %add3A_375 : i32 to index
        %get3A_377 = arith.constant 32 : index
        %get3A_378 = tpu.vector_load %arg10[%get3A_376, %get3A_377] {strides = array<i32>} : memref<1280x64xbf16, #tpu.memory_space<vmem>>, vector<1x32xbf16>,
        %get3A_379 = vector.shape_cast %get3A_378 : vector<1x32xbf16> to vector<32xbf16>
        %add3A_380 = arith.constant 13 : i32
        %add3A_381 = arith.addi %mul3A_159, %add3A_380 : i32
        %get3A_382 = arith.index_cast %add3A_381 : i32 to index
        %get3A_383 = arith.constant 32 : index
        %get3A_384 = tpu.vector_load %arg10[%get3A_382, %get3A_383] {strides = array<i32>} : memref<1280x64xbf16, #tpu.memory_space<vmem>>, vector<1x32xbf16>,
        %get3A_385 = vector.shape_cast %get3A_384 : vector<1x32xbf16> to vector<32xbf16>
        %add3A_386 = arith.constant 14 : i32
        %add3A_387 = arith.addi %mul3A_159, %add3A_386 : i32
        %get3A_388 = arith.index_cast %add3A_387 : i32 to index
        %get3A_389 = arith.constant 32 : index
        %get3A_390 = tpu.vector_load %arg10[%get3A_388, %get3A_389] {strides = array<i32>} : memref<1280x64xbf16, #tpu.memory_space<vmem>>, vector<1x32xbf16>,
        %get3A_391 = vector.shape_cast %get3A_390 : vector<1x32xbf16> to vector<32xbf16>
        %add3A_392 = arith.constant 15 : i32
        %add3A_393 = arith.addi %mul3A_159, %add3A_392 : i32
        %get3A_394 = arith.index_cast %add3A_393 : i32 to index
        %get3A_395 = arith.constant 32 : index
        %get3A_396 = tpu.vector_load %arg10[%get3A_394, %get3A_395] {strides = array<i32>} : memref<1280x64xbf16, #tpu.memory_space<vmem>>, vector<1x32xbf16>,
        %get3A_397 = vector.shape_cast %get3A_396 : vector<1x32xbf16> to vector<32xbf16>
        %add3A_398 = arith.constant 16 : i32
        %add3A_399 = arith.addi %mul3A_159, %add3A_398 : i32
        %get3A_400 = arith.index_cast %add3A_399 : i32 to index
        %get3A_401 = arith.constant 32 : index
        %get3A_402 = tpu.vector_load %arg10[%get3A_400, %get3A_401] {strides = array<i32>} : memref<1280x64xbf16, #tpu.memory_space<vmem>>, vector<1x32xbf16>,
        %get3A_403 = vector.shape_cast %get3A_402 : vector<1x32xbf16> to vector<32xbf16>
        %add3A_404 = arith.constant 17 : i32
        %add3A_405 = arith.addi %mul3A_159, %add3A_404 : i32
        %get3A_406 = arith.index_cast %add3A_405 : i32 to index
        %get3A_407 = arith.constant 32 : index
        %get3A_408 = tpu.vector_load %arg10[%get3A_406, %get3A_407] {strides = array<i32>} : memref<1280x64xbf16, #tpu.memory_space<vmem>>, vector<1x32xbf16>,
        %get3A_409 = vector.shape_cast %get3A_408 : vector<1x32xbf16> to vector<32xbf16>
        %add3A_410 = arith.constant 18 : i32
        %add3A_411 = arith.addi %mul3A_159, %add3A_410 : i32
        %get3A_412 = arith.index_cast %add3A_411 : i32 to index
        %get3A_413 = arith.constant 32 : index
        %get3A_414 = tpu.vector_load %arg10[%get3A_412, %get3A_413] {strides = array<i32>} : memref<1280x64xbf16, #tpu.memory_space<vmem>>, vector<1x32xbf16>,
        %get3A_415 = vector.shape_cast %get3A_414 : vector<1x32xbf16> to vector<32xbf16>
        %add3A_416 = arith.constant 19 : i32
        %add3A_417 = arith.addi %mul3A_159, %add3A_416 : i32
        %get3A_418 = arith.index_cast %add3A_417 : i32 to index
        %get3A_419 = arith.constant 32 : index
        %get3A_420 = tpu.vector_load %arg10[%get3A_418, %get3A_419] {strides = array<i32>} : memref<1280x64xbf16, #tpu.memory_space<vmem>>, vector<1x32xbf16>,
        %get3A_421 = vector.shape_cast %get3A_420 : vector<1x32xbf16> to vector<32xbf16>
        %add3A_422 = arith.addf %get3A_307, %get3A_313 : vector<32xbf16>
        %add3A_423 = arith.addf %get3A_319, %get3A_325 : vector<32xbf16>
        %add3A_424 = arith.addf %get3A_331, %get3A_337 : vector<32xbf16>
        %add3A_425 = arith.addf %get3A_343, %get3A_349 : vector<32xbf16>
        %add3A_426 = arith.addf %get3A_355, %get3A_361 : vector<32xbf16>
        %add3A_427 = arith.addf %get3A_367, %get3A_373 : vector<32xbf16>
        %add3A_428 = arith.addf %get3A_379, %get3A_385 : vector<32xbf16>
        %add3A_429 = arith.addf %get3A_391, %get3A_397 : vector<32xbf16>
        %add3A_430 = arith.addf %get3A_403, %get3A_409 : vector<32xbf16>
        %add3A_431 = arith.addf %get3A_415, %get3A_421 : vector<32xbf16>
        %add3A_432 = arith.addf %add3A_422, %add3A_423 : vector<32xbf16>
        %add3A_433 = arith.addf %add3A_424, %add3A_425 : vector<32xbf16>
        %add3A_434 = arith.addf %add3A_426, %add3A_427 : vector<32xbf16>
        %add3A_435 = arith.addf %add3A_428, %add3A_429 : vector<32xbf16>
        %add3A_436 = arith.addf %add3A_430, %add3A_431 : vector<32xbf16>
        %add3A_437 = arith.addf %add3A_432, %add3A_433 : vector<32xbf16>
        %add3A_438 = arith.addf %add3A_434, %add3A_435 : vector<32xbf16>
        %add3A_439 = arith.addf %add3A_437, %add3A_438 : vector<32xbf16>
        %add3A_440 = arith.addf %add3A_439, %add3A_436 : vector<32xbf16>
        %swap3A_441 = arith.index_cast %scan3A_157 : i32 to index
        %swap3A_442 = arith.constant 32 : index
        %swap3A_443 = tpu.vector_load %arg11[%swap3A_441, %swap3A_442] {strides = array<i32>} : memref<64x64xbf16, #tpu.memory_space<vmem>>, vector<1x32xbf16>,
        %swap3A_444 = vector.shape_cast %swap3A_443 : vector<1x32xbf16> to vector<32xbf16>
        %swap3A_445 = vector.shape_cast %add3A_440 : vector<32xbf16> to vector<1x32xbf16>
        tpu.vector_store %arg11[%swap3A_441, %swap3A_442], %swap3A_445 {strides = array<i32>} : memref<64x64xbf16, #tpu.memory_space<vmem>>, vector<1x32xbf16>,
      }
      %scan3A_153 = arith.constant 64 : i32
      %mul3A_154 = arith.constant 64 : i32
      %mul3A_155 = arith.muli %add3A_130, %mul3A_154 : i32
      %add3A_156 = arith.addi %mul3A_2, %mul3A_155 : i32
      "tpu.region"() ({
        %run_scoped3A = tpu.sem_alloc : memref<!tpu.dma_semaphore, #tpu.memory_space<semaphore_mem>>
        %dma_start3A_157 = arith.constant 0 : i32
        %dma_start3A_158 = tpu.memref_slice %arg4[%add3A_156, %dma_start3A_157] : memref<106496x64xbf16, #tpu.memory_space<hbm>> -> memref<64x64xbf16, #tpu.memory_space<hbm>>
        %dma_start3A_159 = arith.constant 0 : i32
        %dma_start3A_160 = tpu.memref_slice %arg4[%add3A_156, %dma_start3A_159] : memref<106496x64xbf16, #tpu.memory_space<hbm>> -> memref<64x64xbf16, #tpu.memory_space<hbm>>
        tpu.enqueue_dma source(%arg11 : memref<64x64xbf16, #tpu.memory_space<vmem>>) target(%dma_start3A_160 : memref<64x64xbf16, #tpu.memory_space<hbm>>) target_semaphore(%run_scoped3A : memref<!tpu.dma_semaphore, #tpu.memory_space<semaphore_mem>>)
        %dma_wait3A_161 = arith.constant 0 : i32
        %dma_wait3A_162 = tpu.memref_slice %arg4[%add3A_156, %dma_wait3A_161] : memref<106496x64xbf16, #tpu.memory_space<hbm>> -> memref<64x64xbf16, #tpu.memory_space<hbm>>
        %dma_wait3A_163 = arith.constant 0 : i32
        %dma_wait3A_164 = tpu.memref_slice %arg4[%add3A_156, %dma_wait3A_163] : memref<106496x64xbf16, #tpu.memory_space<hbm>> -> memref<64x64xbf16, #tpu.memory_space<hbm>>
        tpu.wait_dma2 semaphore(%run_scoped3A : memref<!tpu.dma_semaphore, #tpu.memory_space<semaphore_mem>>) src(%arg11 : memref<64x64xbf16, #tpu.memory_space<vmem>>) dst(%dma_wait3A_164 : memref<64x64xbf16, #tpu.memory_space<hbm>>)
        tpu.yield
      }) : () -> ()
    }
    %scan3A_38 = arith.constant 13 : i32
    return
  }
}

module attributes {stable_mosaic.version = 14 : i64} {
  func.func @body(%arg0: i32, %arg1: memref<512x1664xbf16, #tpu.memory_space<vmem>>, %arg2: memref<512x1664xbf16, #tpu.memory_space<vmem>>, %arg3: memref<1664x1664xbf16, #tpu.memory_space<vmem>>, %arg4: memref<512x1664xf32, #tpu.memory_space<vmem>>) attributes {dimension_semantics = [#tpu.dimension_semantics<arbitrary>], iteration_bounds = array<i64: 8>, scalar_prefetch = 0 : i64, scratch_operands = 0 : i64, tpu.core_type = #tpu.core_type<tc>, window_params = [{transform_indices = @transform_0, window_bounds = array<i64: 512, 1664>}, {transform_indices = @transform_1, window_bounds = array<i64: 512, 1664>}, {pipeline_mode = #tpu.pipeline_mode<synchronous>, transform_indices = @transform_2, window_bounds = array<i64: 1664, 1664>}, {transform_indices = @transform_3, window_bounds = array<i64: 512, 1664>}]} {
    %get3A = arith.constant 0 : index
    %get3A_0 = arith.constant 0 : index
    %get3A_1 = vector.load %arg2[%get3A, %get3A_0] : memref<512x1664xbf16, #tpu.memory_space<vmem>>, vector<512x1664xbf16>
    %get3A_2 = arith.constant 0 : index
    %get3A_3 = arith.constant 0 : index
    %get3A_4 = vector.load %arg3[%get3A_2, %get3A_3] : memref<1664x1664xbf16, #tpu.memory_space<vmem>>, vector<1664x1664xbf16>
    %dot_general3A = arith.constant dense<0.000000e+00> : vector<512x1664xf32>
    %dot_general3A_5 = tpu.matmul %get3A_1, %get3A_4, %dot_general3A {dimension_numbers = #tpu.dot_dimension_numbers<[1], [1], [0], [0], [0, 0, 1, 0], [], []>, transpose_lhs_hint = false} : vector<512x1664xbf16>, vector<1664x1664xbf16>, vector<512x1664xf32> -> vector<512x1664xf32>
    %get3A_6 = arith.constant 0 : index
    %get3A_7 = arith.constant 0 : index
    %get3A_8 = vector.load %arg1[%get3A_6, %get3A_7] : memref<512x1664xbf16, #tpu.memory_space<vmem>>, vector<512x1664xbf16>
    %convert_element_type3A = arith.extf %get3A_8 : vector<512x1664xbf16> to vector<512x1664xf32>
    %mul3A = arith.constant 8.000000e-01 : f32
    %mul3A_9 = vector.broadcast %mul3A : f32 to vector<512x1664xf32>
    %mul3A_10 = arith.mulf %mul3A_9, %convert_element_type3A : vector<512x1664xf32>
    %mul3A_11 = arith.constant 0.00999999977 : f32
    %mul3A_12 = vector.broadcast %mul3A_11 : f32 to vector<512x1664xf32>
    %mul3A_13 = arith.mulf %mul3A_12, %dot_general3A_5 : vector<512x1664xf32>
    %add3A = arith.addf %mul3A_10, %mul3A_13 : vector<512x1664xf32>
    %mul3A_14 = arith.mulf %add3A, %add3A : vector<512x1664xf32>
    %reduce_sum3A = arith.constant dense<0.000000e+00> : vector<512xf32>
    %reduce_sum3A_15 = vector.multi_reduction <add>, %mul3A_14, %reduce_sum3A [1] : vector<512x1664xf32> to vector<512xf32>
    %broadcast_in_dim3A = vector.shape_cast %reduce_sum3A_15 : vector<512xf32> to vector<512x1xf32>
    %sqrt3A = math.sqrt %broadcast_in_dim3A : vector<512x1xf32>
    %max3A = arith.constant 9.99999996E-13 : f32
    %max3A_16 = vector.broadcast %max3A : f32 to vector<512x1xf32>
    %max3A_17 = arith.maximumf %sqrt3A, %max3A_16 : vector<512x1xf32>
    %div3A = vector.broadcast %max3A_17 : vector<512x1xf32> to vector<512x1664xf32>
    %div3A_18 = arith.divf %add3A, %div3A : vector<512x1664xf32>
    %swap3A = arith.constant 0 : index
    %swap3A_19 = arith.constant 0 : index
    %swap3A_20 = vector.load %arg4[%swap3A, %swap3A_19] : memref<512x1664xf32, #tpu.memory_space<vmem>>, vector<512x1664xf32>
    tpu.vector_store %arg4[%swap3A, %swap3A_19], %div3A_18 {strides = array<i32>} : memref<512x1664xf32, #tpu.memory_space<vmem>>, vector<512x1664xf32>,
    return
  }
  func.func @transform_0(%arg0: i32) -> (i32, i32) {
    %c0_i32 = arith.constant 0 : i32
    %c0_i32_0 = arith.constant 0 : i32
    return %arg0, %c0_i32 : i32, i32
  }
  func.func @transform_1(%arg0: i32) -> (i32, i32) {
    %c0_i32 = arith.constant 0 : i32
    %c0_i32_0 = arith.constant 0 : i32
    return %arg0, %c0_i32 : i32, i32
  }
  func.func @transform_2(%arg0: i32) -> (i32, i32) {
    %c0_i32 = arith.constant 0 : i32
    %c0_i32_0 = arith.constant 0 : i32
    %c0_i32_1 = arith.constant 0 : i32
    return %c0_i32, %c0_i32_0 : i32, i32
  }
  func.func @transform_3(%arg0: i32) -> (i32, i32) {
    %c0_i32 = arith.constant 0 : i32
    %c0_i32_0 = arith.constant 0 : i32
    return %arg0, %c0_i32 : i32, i32
  }
}

</mosaic_0001>

<sc_bundles>
// kernel: kernel.5.cloned.1.call-start
scs
__scs_entry_jumppad:
0x0: {  	(pc) =	sbr.rel $0x88, $3  }
0x1: {  	(tag) =	ssettag $0x0;
	lr =	simm.s32 $0x1  }
0x2: {  	[smem:$0x3F9C] =	sst lr;
	_ =	strace $0xD0000000  }
0x3: {  	_ = 	snop  }
0x4: {  	_ = 	snop  }
0x5: {  	_ = 	snop  }
0x6: {  	_ = 	snop  }
0x7: {  	_ = 	snop  }
__scs_overlays_trampoline_lowered:
0x8: {  	[smem:$0x3FAB] =	sst s0  }
0x9: {  	[smem:$0x3FAC] =	sst s1  }
0xa: {  	[smem:$0x3FAD] =	sst s2  }
0xb: {  	[smem:$0x3FAE] =	sst s3  }
0xc: {  	[smem:$0x3FAF] =	sst s4  }
0xd: {  	[smem:$0x3FB0] =	sst s5  }
0xe: {  	[smem:$0x3FB1] =	sst s6  }
0xf: {  	[smem:$0x3FB2] =	sst s7  }
0x10: {  	[smem:$0x3FB3] =	sst s8  }
0x11: {  	[smem:$0x3FB4] =	sst s9;
	s0 =	simm.s32 @!p0 $0x0  }
0x12: {  	s1 =	sld [smem:$0x3F9A];
	s0 =	simm.s32 @p0 $0x1  }
0x13: {  	[smem:$0x3FB5] =	sst s0;
	s0 =	simm.s32 @!p1 $0x0  }
0x14: {  	s2 =	sld [smem:$0x3F99];
	s0 =	simm.s32 @p1 $0x1  }
0x15: {  	[smem:$0x3FB6] =	sst s0;
	s0 =	simm.s32 @!p2 $0x0  }
0x16: {  	s3 =	sld [smem:$0x3FDB];
	s0 =	simm.s32 @p2 $0x1  }
0x17: {  	s4 =	simm.s32 $0x1BF5;
	[smem:$0x3FB8] =	sst s0  }
0x18: {  	s0 =	sld [smem:$0x3F9B];
	_ =	swait.ge [sflag:s4], $0x0  }
0x19: {  	s7 =	sld [smem:$0x3F9C]  }
0x1a: {  	s8 =	sadd.s32 $0xFFFFE003, lr  }
0x1b: {  	s9 =	sadd.s32 $0xFFFFFEF7, lr;
	s5 =	simm.s32 $0xFFFFFFFF;
	p2 =	slt.u32 s8, $0xFFFFF086  }
0x1c: {  	p1 =	slt.u32 s9, $0xF7A;
	s5 =	simm.s32 @!p2 $0x0  }
0x1d: {  	s5 =	simm.s32 @p1 $0x1;
	p0 =	seq.s32 s7, s2  }
0x1e: {  	s7 =	smul.u32 @!p0 $0xF7A, s2;
	p2 =	seq.s32 @!p0 s5, $0x0  }
0x1f: {  	s9 =	smul.u32 $0xF7A, s1;
	s8 =	simm.s32 @!p0 $0x1BF5;
	p2 =	por !p2, p0  }
0x20: {  	[sflag:s8] =	ssyncset.s32 @!p0 $0xFFFFF086;
	s6 =	sadd.s32 @!p0 s3, s7;
	s7 =	simm.s32 @!p0 $0x108  }
0x21: {  	s3 =	sadd.s32 s3, s9;
	s6 =	sadd.s32 @!p0 $0x88, s6;
	s7 =	simm.s32 @p2 $0x1082  }
0x22: {  	[simem:s7], [sflag:s8] =	dma.local @!p0 [hbm:s6], $0xF7A  }
0x23: {  	s9 =	sor.u32 $0xD0000000, s2;
	s6 =	simm.s32 $0x108;
	_ =	swait.ge @!p0 [sflag:s8], $0x0  }
0x24: {  	s3 =	sadd.s32 $0x88, s3;
	s6 =	simm.s32 @!p1 $0x1082;
	[sflag:s4] =	ssyncset.s32 $0xFFFFF086  }
0x25: {  	[simem:s6], [sflag:s4] =	dma.local [hbm:s3], $0xF7A  }
0x26: {  	[smem:$0x3F9C] =	sst s1;
	(tag) =	ssettag s2;
	_ =	strace s9  }
0x27: {  	s1 =	sld [smem:$0x3FAC]  }
0x28: {  	s2 =	sld [smem:$0x3FAD]  }
0x29: {  	s4 =	sld [smem:$0x3FAF]  }
0x2a: {  	p0 =	seq.s32 s5, $0x0;
	s5 =	sld [smem:$0x3FB0]  }
0x2b: {  	s6 =	sld [smem:$0x3FB1]  }
0x2c: {  	s7 =	sld [smem:$0x3FB2]  }
0x2d: {  	s3 =	simm.s32 $0x108;
	s8 =	sld [smem:$0x3FB3]  }
0x2e: {  	s3 =	simm.s32 @!p0 $0x1082;
	s9 =	sld [smem:$0x3FB4]  }
0x2f: {  	lr =	sadd.s32 s0, s3;
	s0 =	sld [smem:$0x3FAB]  }
0x30: {  	s3 =	sld [smem:$0x3FAE]  }
0x31: {  	[smem:$0x3FB7] =	sst s10  }
0x32: {  	s10 =	sld [smem:$0x3FB5];
	_ =	sdelay $0x3  }
0x33: {  	p0 =	seq.s32 s10, $0x1;
	s10 =	sld [smem:$0x3FB7];
	_ =	sdelay $0x3  }
0x34: {  	[smem:$0x3FB7] =	sst s10  }
0x35: {  	s10 =	sld [smem:$0x3FB6];
	_ =	sdelay $0x3  }
0x36: {  	p1 =	seq.s32 s10, $0x1;
	s10 =	sld [smem:$0x3FB7];
	_ =	sdelay $0x3  }
0x37: {  	[smem:$0x3FB7] =	sst s10  }
0x38: {  	s10 =	sld [smem:$0x3FB8]  }
0x39: {  	_ = 	snop;
	(pc) =	sbr.ind lr, $3  }
0x3a: {  	_ = 	snop  }
0x3b: {  	_ = 	snop  }
0x3c: {  	p2 =	seq.s32 s10, $0x1;
	s10 =	sld [smem:$0x3FB7]  }
0x3d: {  	_ =	shalt  }
0x3e: {  	_ =	shalt  }
0x3f: {  	_ =	shalt  }
0x40: {  	_ =	shalt  }
0x41: {  	_ =	shalt  }
0x42: {  	_ =	shalt  }
0x43: {  	_ =	shalt  }
0x44: {  	_ =	shalt  }
0x45: {  	_ =	shalt  }
0x46: {  	_ =	shalt  }
0x47: {  	_ =	shalt  }
0x48: {  	_ =	shalt  }
0x49: {  	_ =	shalt  }
0x4a: {  	_ =	shalt  }
0x4b: {  	_ =	shalt  }
0x4c: {  	_ =	shalt  }
0x4d: {  	_ =	shalt  }
0x4e: {  	_ =	shalt  }
0x4f: {  	_ =	shalt  }
0x50: {  	_ =	shalt  }
0x51: {  	_ =	shalt  }
0x52: {  	_ =	shalt  }
0x53: {  	_ =	shalt  }
0x54: {  	_ =	shalt  }
0x55: {  	_ =	shalt  }
0x56: {  	_ =	shalt  }
0x57: {  	_ =	shalt  }
0x58: {  	_ =	shalt  }
0x59: {  	_ =	shalt  }
0x5a: {  	_ =	shalt  }
0x5b: {  	_ =	shalt  }
0x5c: {  	_ =	shalt  }
0x5d: {  	_ =	shalt  }
0x5e: {  	_ =	shalt  }
0x5f: {  	_ =	shalt  }
0x60: {  	_ =	shalt  }
0x61: {  	_ =	shalt  }
0x62: {  	_ =	shalt  }
0x63: {  	_ =	shalt  }
0x64: {  	_ =	shalt  }
0x65: {  	_ =	shalt  }
0x66: {  	_ =	shalt  }
0x67: {  	_ =	shalt  }
0x68: {  	_ =	shalt  }
0x69: {  	_ =	shalt  }
0x6a: {  	_ =	shalt  }
0x6b: {  	_ =	shalt  }
0x6c: {  	_ =	shalt  }
0x6d: {  	_ =	shalt  }
0x6e: {  	_ =	shalt  }
0x6f: {  	_ =	shalt  }
0x70: {  	_ =	shalt  }
0x71: {  	_ =	shalt  }
0x72: {  	_ =	shalt  }
0x73: {  	_ =	shalt  }
0x74: {  	_ =	shalt  }
0x75: {  	_ =	shalt  }
0x76: {  	_ =	shalt  }
0x77: {  	_ =	shalt  }
0x78: {  	_ =	shalt  }
0x79: {  	_ =	shalt  }
0x7a: {  	_ =	shalt  }
0x7b: {  	_ =	shalt  }
0x7c: {  	_ =	shalt  }
0x7d: {  	_ =	shalt  }
0x7e: {  	_ =	shalt  }
0x7f: {  	_ =	shalt  }
0x80: {  	_ =	shalt  }
0x81: {  	_ =	shalt  }
0x82: {  	_ =	shalt  }
0x83: {  	_ =	shalt  }
0x84: {  	_ =	shalt  }
0x85: {  	_ =	shalt  }
0x86: {  	_ =	shalt  }
0x87: {  	_ =	shalt  }
.Lfunc_end0:
.L_simem_size_0:
called_computation_lowered:
.L_overlay_start_0:
0x88: {  	s2 =	sld [smem:$0x3FD9]  }
0x89: {  	s3 =	sld [smem:$0x3FFE];
	_ =	sdelay $0x1  }
0x8a: {  	s1 =	srdreg.scid  }
0x8b: {  	s0 =	sand.u32 $0x1, s1  }
0x8c: {  	s16 =	sshll.u32 s0, $0xA;
	s2 =	sadd.s32 s3, s2  }
0x8d: {  	s2 =	sadd.s32 s2, s16  }
0x8e: {  	[smem:$0x3FC3] =	sst s2  }
0x8f: {  	_ = 	snop  }
0x90: {  	(tm) =	ssettm $0x1  }
0x91: {  	s17 =	sld [smem:$0x3FFB];
	_ =	sdelay $0x3  }
0x92: {  	_ =	strace s17  }
0x93: {  	s2 =	sld [smem:$0x3FFC];
	_ =	sdelay $0x3  }
0x94: {  	_ =	strace s2  }
0x95: {  	s2 =	sld [smem:$0x3FFD];
	_ =	sdelay $0x3  }
0x96: {  	_ =	strace s2  }
0x97: {  	_ =	strace $0x8FFFFFFF  }
0x98: {  	s18 =	sld [smem:$0x3FDB];
	_ =	sdelay $0x1  }
0x99: {  	s19 =	simm.s32 $_scs_section_size  }
0x9a: {  	s4 =	simm.s32 $_size__tile_overlayer_lowered;
	s5 =	simm.s32 $_tile_overlayer_lowered  }
0x9b: {  	s22 =	simm.s32 $0x1BFF;
	s21 =	sshll.u32 s5, $0x1;
	s2 =	sadd.s32 s19, s18  }
0x9c: {  	s6 =	simm.s32 $0x0;
	s20 =	sshll.u32 s4, $0x1;
	s4 =	sadd.s32 s21, s2  }
0x9d: {  	[timem:s6], [sflag:s22] =	dma.local [hbm:s4], s20  }
0x9e: {  	_ =	swait.ge [sflag:s22], s20  }
0x9f: {  	s3 =	ssub.s32 $0x0, s20;
	[sflag:s22] =	ssyncset.done $0x0  }
0xa0: {  	[sflag:s22] =	ssyncadd.s32 s3;
	_ =	sdelay $0x1  }
0xa1: {  	s23 =	simm.s32 $0x1B8B  }
0xa2: {  	_ =	swait.ge [sflag:s23], $0x1  }
0xa3: {  	[sflag:s23] =	ssyncset.done $0x0  }
0xa4: {  	s25 =	simm.s32 $0x1B8E;
	s24 =	sld [smem:$0x3FFE];
	[sflag:s23] =	ssyncadd.s32 $0xFFFFFFFF  }
0xa5: {  	s26 =	simm.s32 $execute0_lowered;
	[smem:$0x3FD2] =	sst s25  }
0xa6: {  	s4 =	sshll.u32 s26, $0x1;
	_ =	strace $0x80000046;
	[dreg:$0x1] =	wrdreg $0xFFFFFFFF  }
0xa7: {  	s28 =	simm.s32 $_size_execute0_lowered;
	s2 =	sadd.s32 s2, s4;
	[dreg:$0x0] =	wrdreg $0x0  }
0xa8: {  	s4 =	sshll.u32 s28, $0x1;
	[dreg:$0x2] =	wrdreg s2  }
0xa9: {  	[dreg:$0x3] =	wrdreg s4  }
0xaa: {  	[dreg:$0x4] =	wrdreg $0xC0  }
0xab: {  	_ =	task [dreg:s6], $0x5FFFF  }
0xac: {  	[dreg:$0x1] =	wrdreg $0xFFFFFFFF  }
0xad: {  	[dreg:$0x0] =	wrdreg $0x60  }
0xae: {  	[dreg:$0x2] =	wrdreg s24  }
0xaf: {  	[dreg:$0x3] =	wrdreg $0x9  }
0xb0: {  	_ =	task.clear_ibuf [dreg:s6], $0x4FFFF;
	_ =	strace $0x90000046  }
0xb1: {  	s29 =	simm.s32 $0x9;
	_ =	strace $0x80000048  }
0xb2: {  	_ =	swait.ge [sflag:s29], $0x1  }
0xb3: {  	[sflag:s29] =	ssyncadd.s32 $0xFFFFFFFF  }
0xb4: {  	_ =	strace $0x90000048  }
0xb5: {  	_ =	sfence  }
0xb6: {  	s30 =	sld [smem:$0x0];
	_ =	sdelay $0x2  }
0xb7: {  	s31 =	sshll.u32 s1, $0xD;
	s1 =	sshrl.u32 s1, $0x2  }
0xb8: {  	s3 =	sand.u32 $0x4000, s31;
	s1 =	sadd.s32 s1, s30  }
0xb9: {  	s0 =	sor.u32 s3, s0;
	s1 =	sshll.u32 s1, $0x11  }
0xba: {  	s0 =	sor.u32 s1, s0  }
0xbb: {  	s0 =	sadd.s32 $0x8F2B, s0  }
0xbc: {  	[sflag:s0] =	ssyncadd.remote.s32 $0x1  }
0xbd: {  	_ =	sfence.sel $0xFFFF  }
0xbe: {  	[dreg:$0x0] =	wrdreg $0xFFFFFFFF;
	(pc) =	sbr.abs _section_cstart, $3  }
0xbf: {  	[dreg:$0x1] =	wrdreg $0xFFFFFFFF  }
0xc0: {  	_ =	task.clear_ibuf [dreg:s6], $0x2FFFF;
	_ =	strace $0x9FFFFFFF  }
0xc1: {  	(tm) =	ssettm $0x7FFFFFFF  }
tec
execute0_lowered:
.L_overlay_start_1:
0x0: {  	(tag) =	ssettag $0x1  }
0x1: {  	s0 =	rddreg [dreg:$0x0];
	s2 =	simm.s32 $0x0  }
0x2: {  	s1 =	srdreg.scid;
	s3 =	stileid.u32;
	s19 =	simm.s32 $0x500  }
0x3: {  	s21 =	simm.s32 $0xF00;
	s28 =	simm.s32 $0x15400;
	s29 =	simm.s32 $0x7  }
0x4: {  	s30 =	simm.s32 $0x6;
	s1 =	sand.u32 $0x1, s1;
	s3 =	sshll.u32 s3, $0x1  }
0x5: {  	s31 =	simm.s32 $0x3;
	[smem:$0x7FF] =	sst s2;
	s6 =	sor.u32 s1, s3  }
0x6: {  	s4 =	sadd.s32 $0x3E00, s0;
	s5 =	sadd.s32 $0x65A00, s0;
	s7 =	smul.u32 $0x10400, s6  }
0x7: {  	_ =	strace $0x80000047;
	s22 =	ssub.s32 $0x2, s1;
	s8 =	smul.u32 $0x2080, s6  }
0x8: {  	s3 =	sadd.s32 $0x265A00, s0;
	s1 =	sshrl.u32 s22, $0x1;
	s23 =	smul.u32 $0xD00, s6  }
0x9: {  	s0 =	ssub.s32 s22, s1;
	s7 =	sshrl.u32 s7, $0x3;
	s8 =	sadd.s32 s3, s8  }
0xa: {  	s11 =	sadd.s32 $0x100, s23;
	s12 =	sadd.s32 $0x140, s23;
	s14 =	sadd.s32 $0x180, s23  }
0xb: {  	s0 =	smax.u32 s0, $0x1;
	s7 =	sadd.s32 s3, s7;
	[dreg:$0x2] =	wrdreg s8  }
0xc: {  	s16 =	sadd.s32 $0x1C0, s23;
	[dreg:$0x6] =	wrdreg s0;
	s24 =	sadd.s32 $0xA0, s7  }
0xd: {  	s23 =	simm.s32 $0x1400;
	s25 =	sadd.s32 $0x140, s7;
	[dreg:$0x3] =	wrdreg s24  }
0xe: {  	s8 =	smul.u32 $0x34000, s6;
	s26 =	sadd.s32 $0x1E0, s7;
	[dreg:$0x4] =	wrdreg s25  }
0xf: {  	s0 =	simm.s32 $0x4;
	s6 =	simm.s32 $0x0;
	[dreg:$0x5] =	wrdreg s26  }
0x10: {  	s13 =	sor.u32 $0x1000, s8;
	s15 =	sor.u32 $0x2000, s8;
	s17 =	sor.u32 $0x3000, s8  }
0x11: {  	s24 =	simm.s32 $0x5;
	s25 =	simm.s32 $0x2;
	s26 =	simm.s32 $0xB400  }
.LBB2_1:
0x12: {  	[dreg:$0x7] =	wrdreg s6  }
0x13: {  	s1 =	rddreg [dreg:$0x2]  }
0x14: {  	[tilespmem:s2], [sflag:$0x1] =	stream.linear.gather [hbm4b:s1+s2], $0x500, $0x38;
	[tilespmem:$0x15C00] =	vst v63  }
0x15: {  	s9 =	rddreg [dreg:$0x3]  }
0x16: {  	[tilespmem:s19], [sflag:$0x2] =	stream.linear.gather [hbm4b:s9+s2], $0x500, $0x38;
	[tilespmem:$0x15C00] =	vst v63  }
0x17: {  	s10 =	rddreg [dreg:$0x4];
	s18 =	simm.s32 $0xA00  }
0x18: {  	[tilespmem:s18], [sflag:$0x3] =	stream.linear.gather [hbm4b:s10+s2], $0x500, $0x38;
	[tilespmem:$0x15C00] =	vst v63  }
0x19: {  	s20 =	rddreg [dreg:$0x5];
	s22 =	simm.s32 $0x1  }
0x1a: {  	[tilespmem:s21], [sflag:$0x4] =	stream.linear.gather [hbm4b:s20+s2], $0x500, $0x38;
	[tilespmem:$0x15C00] =	vst v63  }
0x1b: {  	_ =	swait.ge [sflag:s22], $0x500  }
0x1c: {  	[sflag:s22] =	ssyncset.done $0x0  }
0x1d: {  	s6 =	simm.s32 $0x0;
	[sflag:s22] =	ssyncadd.s32 $0xFFFFFB00  }
0x1e: {  	[tilespmem:s23], [sflag:$0x5] =	stream.indirect.gather [hbm4b:s4+s19], $0x20, s2, s19, $0xb8;
	[tilespmem:$0x15C00] =	vst v63  }
.LBB2_2:
0x1f: {  	p0 =	seq.s32 s6, $0xC  }
0x20: {  	s9 =	sshll.u32 @!p0 s6, $0x8  }
0x21: {  	s1 =	sadd.s32 @!p0 s9, s11  }
0x22: {  	s1 =	smul.u32 @!p0 $0x14, s1  }
0x23: {  	_ =	swait.ge [sflag:s24], $0xA000  }
0x24: {  	[sflag:s24] =	ssyncset.done $0x0;
	s1 =	sshrl.u32 @!p0 s1, $0x3  }
0x25: {  	s7 =	simm.s32 @!p0 $0x0;
	[sflag:s24] =	ssyncadd.s32 $0xFFFF6000;
	s1 =	sadd.s32 @!p0 s3, s1  }
0x26: {  	[tilespmem:s7], [sflag:$0x1] =	stream.linear.gather @!p0 [hbm4b:s1+s7], $0x500, $0x38;
	[tilespmem:$0x15C00] =	vst v63  }
0x27: {  	_ =	swait.ge [sflag:s25], $0x500  }
0x28: {  	[sflag:s25] =	ssyncset.done $0x0  }
0x29: {  	s10 =	simm.s32 $0x1540;
	[sflag:s25] =	ssyncadd.s32 $0xFFFFFB00  }
0x2a: {  	[tilespmem:s26], [sflag:$0x6] =	stream.indirect.gather [hbm4b:s4+s19], $0x20, s19, s19, $0xb8;
	[tilespmem:$0x15C00] =	vst v63  }
0x2b: {  	v0 =	vld [tilespmem:s10+$0x60]  }
0x2c: {  	v1 =	vld [tilespmem:s10+$0xA0]  }
0x2d: {  	v2 =	vld [tilespmem:s10+$0x0]  }
0x2e: {  	v3 =	vld [tilespmem:s10+$0xFFFFFFE0]  }
0x2f: {  	v4 =	vld [tilespmem:s10+$0x20]  }
0x30: {  	v5 =	vld [tilespmem:s10+$0x40]  }
0x31: {  	v6 =	vld [tilespmem:s10+$0x80]  }
0x32: {  	v7 =	vld [tilespmem:s10+$0xFFFFFEC0]  }
0x33: {  	v8 =	vld [tilespmem:s10+$0xFFFFFFC0]  }
0x34: {  	v9 =	vld [tilespmem:s10+$0xFFFFFFA0]  }
0x35: {  	v10 =	vld [tilespmem:s10+$0xFFFFFF80]  }
0x36: {  	v11 =	vld [tilespmem:s10+$0xFFFFFF60]  }
0x37: {  	v12 =	vld [tilespmem:s10+$0xFFFFFF40]  }
0x38: {  	v13 =	vld [tilespmem:s10+$0xFFFFFF20]  }
0x39: {  	v14 =	vld [tilespmem:s10+$0xFFFFFF00]  }
0x3a: {  	v15 =	vld [tilespmem:s10+$0xFFFFFEE0];
	_ =	sdelay $0x1  }
0x3b: {  	v16 =	vld [tilespmem:s10+$0x100];
	v2 =	vadd.bf16 v4, v2;
	v1 =	vadd.bf16 v1, v6  }
0x3c: {  	v4 =	vld [tilespmem:s10+$0x120];
	v3 =	vadd.bf16 v3, v8;
	v6 =	vadd.bf16 v9, v10  }
0x3d: {  	v8 =	vld [tilespmem:s10+$0xE0];
	v9 =	vadd.bf16 v11, v12;
	v0 =	vadd.bf16 v0, v5  }
0x3e: {  	v5 =	vld [tilespmem:s10+$0xC0];
	v10 =	vadd.bf16 v13, v14;
	v7 =	vadd.bf16 v15, v7  }
0x3f: {  	v2 =	vadd.bf16 v2, v3;
	v0 =	vadd.bf16 v1, v0  }
0x40: {  	v1 =	vadd.bf16 v6, v9;
	v3 =	vadd.bf16 v10, v7;
	_ =	sdelay $0x1  }
0x41: {  	v0 =	vadd.bf16 v0, v2;
	v1 =	vadd.bf16 v1, v3  }
0x42: {  	v4 =	vadd.bf16 v4, v16;
	v2 =	vadd.bf16 v8, v5;
	_ =	sdelay $0x1  }
0x43: {  	v0 =	vadd.bf16 v0, v1;
	v2 =	vadd.bf16 v4, v2;
	_ =	sdelay $0x1  }
0x44: {  	v0 =	vadd.bf16 v2, v0  }
0x45: {  	s1 =	simm.s32 $0x0  }
0x46: {  	[tilespmem:s1+$0x15400] =	vst v0  }
0x47: {  	v1 =	vld [tilespmem:s10+$0xFFFFFED0]  }
0x48: {  	v2 =	vld [tilespmem:s10+$0xFFFFFEF0]  }
0x49: {  	v8 =	vld [tilespmem:s10+$0xFFFFFF10]  }
0x4a: {  	v3 =	vld [tilespmem:s10+$0x70]  }
0x4b: {  	v9 =	vld [tilespmem:s10+$0xFFFFFF50]  }
0x4c: {  	v10 =	vld [tilespmem:s10+$0xFFFFFF70]  }
0x4d: {  	v11 =	vld [tilespmem:s10+$0x50]  }
0x4e: {  	v0 =	vld [tilespmem:s10+$0xFFFFFFF0]  }
0x4f: {  	v63 =	vld [tilespmem:s10+$0xFFFFFF30]  }
0x50: {  	v4 =	vld [tilespmem:s10+$0x10]  }
0x51: {  	v6 =	vld [tilespmem:s10+$0x30]  }
0x52: {  	v5 =	vld [tilespmem:s10+$0xB0]  }
0x53: {  	v7 =	vld [tilespmem:s10+$0xFFFFFF90]  }
0x54: {  	v1 =	vadd.bf16 v2, v1;
	v2 =	vadd.bf16 v10, v9;
	v9 =	vld [tilespmem:s10+$0xFFFFFFB0]  }
0x55: {  	s18 =	simm.s32 $0x80;
	s22 =	simm.s32 $0x1540;
	s7 =	sshll.u32 s6, $0xE;
	v3 =	vadd.bf16 v3, v11;
	v8 =	vadd.bf16 v63, v8;
	v10 =	vld [tilespmem:s10+$0x90]  }
.LBB2_3:
0x56: {  	p1 =	sne.s32 s18, $0x1F80  }
0x57: {  	v11 =	vld [tilespmem:s10+$0xFFFFFFD0];
	s22 =	sadd.s32 $0x280, s22;
	s20 =	smov.u32 s18;
	s18 =	sadd.s32 $0x80, s18  }
0x58: {  	v12 =	vld [tilespmem:s10+$0x130]  }
0x59: {  	v13 =	vld [tilespmem:s10+$0x110]  }
0x5a: {  	v4 =	vadd.bf16 v6, v4;
	v14 =	vld [tilespmem:s10+$0xF0];
	v7 =	vadd.bf16 v9, v7  }
0x5b: {  	v1 =	vadd.bf16 v8, v1;
	v6 =	vld [tilespmem:s10+$0xD0];
	v5 =	vadd.bf16 v5, v10;
	s10 =	smov.u32 s22  }
0x5c: {  	v0 =	vadd.bf16 v0, v11;
	v2 =	vadd.bf16 v7, v2  }
0x5d: {  	v3 =	vadd.bf16 v5, v3  }
0x5e: {  	v0 =	vadd.bf16 v4, v0;
	v1 =	vadd.bf16 v2, v1  }
0x5f: {  	v2 =	vadd.bf16 v12, v13  }
0x60: {  	v4 =	vadd.bf16 v14, v6;
	v0 =	vadd.bf16 v3, v0;
	_ =	sdelay $0x1  }
0x61: {  	v2 =	vadd.bf16 v2, v4;
	v0 =	vadd.bf16 v0, v1;
	_ =	sdelay $0x1  }
0x62: {  	v0 =	vadd.bf16 v2, v0;
	_ =	sdelay $0x1  }
0x63: {  	[tilespmem:s1+$0x15410] =	vst v0  }
0x64: {  	v0 =	vld [tilespmem:s22+$0x60]  }
0x65: {  	v1 =	vld [tilespmem:s22+$0xA0]  }
0x66: {  	v2 =	vld [tilespmem:s22+$0x0]  }
0x67: {  	v3 =	vld [tilespmem:s22+$0xFFFFFFE0]  }
0x68: {  	v4 =	vld [tilespmem:s22+$0x20]  }
0x69: {  	v5 =	vld [tilespmem:s22+$0x40]  }
0x6a: {  	v6 =	vld [tilespmem:s22+$0x80]  }
0x6b: {  	v7 =	vld [tilespmem:s22+$0xFFFFFEC0]  }
0x6c: {  	v8 =	vld [tilespmem:s22+$0xFFFFFFC0]  }
0x6d: {  	v9 =	vld [tilespmem:s22+$0xFFFFFFA0]  }
0x6e: {  	v10 =	vld [tilespmem:s22+$0xFFFFFF80]  }
0x6f: {  	v2 =	vadd.bf16 v4, v2;
	v11 =	vld [tilespmem:s22+$0xFFFFFF60];
	v1 =	vadd.bf16 v1, v6  }
0x70: {  	v4 =	vld [tilespmem:s22+$0xFFFFFF40]  }
0x71: {  	v6 =	vld [tilespmem:s22+$0xFFFFFF20];
	v3 =	vadd.bf16 v3, v8  }
0x72: {  	v8 =	vld [tilespmem:s22+$0xFFFFFF00]  }
0x73: {  	v12 =	vld [tilespmem:s22+$0xFFFFFEE0];
	v9 =	vadd.bf16 v9, v10;
	v2 =	vadd.bf16 v2, v3  }
0x74: {  	v3 =	vld [tilespmem:s22+$0x100]  }
0x75: {  	v10 =	vld [tilespmem:s22+$0x120];
	v4 =	vadd.bf16 v11, v4  }
0x76: {  	v0 =	vadd.bf16 v0, v5;
	v11 =	vld [tilespmem:s22+$0xE0]  }
0x77: {  	v5 =	vld [tilespmem:s22+$0xC0];
	v6 =	vadd.bf16 v6, v8;
	v4 =	vadd.bf16 v9, v4  }
0x78: {  	v7 =	vadd.bf16 v12, v7  }
0x79: {  	v0 =	vadd.bf16 v1, v0  }
0x7a: {  	v1 =	vadd.bf16 v6, v7  }
0x7b: {  	v0 =	vadd.bf16 v0, v2;
	v3 =	vadd.bf16 v10, v3  }
0x7c: {  	v2 =	vadd.bf16 v11, v5;
	v1 =	vadd.bf16 v4, v1;
	_ =	sdelay $0x1  }
0x7d: {  	v2 =	vadd.bf16 v3, v2;
	v0 =	vadd.bf16 v0, v1;
	_ =	sdelay $0x1  }
0x7e: {  	v0 =	vadd.bf16 v2, v0  }
0x7f: {  	s1 =	sshra.s32 s20, $0x2  }
0x80: {  	[tilespmem:s1+$0x15400] =	vst v0  }
0x81: {  	v0 =	vld [tilespmem:s22+$0xFFFFFED0]  }
0x82: {  	v1 =	vld [tilespmem:s22+$0xFFFFFEF0]  }
0x83: {  	v8 =	vld [tilespmem:s22+$0xFFFFFF10]  }
0x84: {  	v3 =	vld [tilespmem:s22+$0x70]  }
0x85: {  	v2 =	vld [tilespmem:s22+$0xFFFFFF50]  }
0x86: {  	v5 =	vld [tilespmem:s22+$0xFFFFFF70]  }
0x87: {  	v7 =	vld [tilespmem:s22+$0x50];
	v1 =	vadd.bf16 v1, v0  }
0x88: {  	v0 =	vld [tilespmem:s22+$0xFFFFFFF0]  }
0x89: {  	v10 =	vld [tilespmem:s22+$0xFFFFFF30]  }
0x8a: {  	v4 =	vld [tilespmem:s22+$0x10]  }
.Ltmp0:
0x8b: {  	v6 =	vld [tilespmem:s22+$0x30];
	v2 =	vadd.bf16 v5, v2;
	(pc) =	sbr.rel @p1 .LBB2_3-.Ltmp0, $4  }
0x8c: {  	v5 =	vld [tilespmem:s22+$0xB0];
	v3 =	vadd.bf16 v3, v7  }
0x8d: {  	v7 =	vld [tilespmem:s22+$0xFFFFFF90]  }
0x8e: {  	v9 =	vld [tilespmem:s22+$0xFFFFFFB0];
	v8 =	vadd.bf16 v10, v8  }
0x8f: {  	v10 =	vld [tilespmem:s22+$0x90]  }
0x90: {  	v11 =	vld [tilespmem:s10+$0xFFFFFFD0]  }
0x91: {  	v12 =	vld [tilespmem:s10+$0x130]  }
0x92: {  	v13 =	vld [tilespmem:s10+$0x110]  }
0x93: {  	v14 =	vld [tilespmem:s10+$0xF0]  }
0x94: {  	v4 =	vadd.bf16 v6, v4;
	v6 =	vld [tilespmem:s10+$0xD0];
	v7 =	vadd.bf16 v9, v7  }
0x95: {  	v5 =	vadd.bf16 v5, v10;
	v0 =	vadd.bf16 v0, v11  }
0x96: {  	v1 =	vadd.bf16 v8, v1;
	v2 =	vadd.bf16 v7, v2  }
0x97: {  	v3 =	vadd.bf16 v5, v3;
	v0 =	vadd.bf16 v4, v0  }
0x98: {  	v1 =	vadd.bf16 v2, v1;
	v2 =	vadd.bf16 v12, v13  }
0x99: {  	v4 =	vadd.bf16 v14, v6;
	v0 =	vadd.bf16 v3, v0;
	_ =	sdelay $0x1  }
0x9a: {  	v2 =	vadd.bf16 v2, v4;
	v0 =	vadd.bf16 v0, v1;
	_ =	sdelay $0x1  }
0x9b: {  	s18 =	sadd.s32 s8, s7;
	v0 =	vadd.bf16 v2, v0  }
0x9c: {  	s10 =	sshrl.u32 s18, $0x4  }
0x9d: {  	s20 =	sadd.s32 s5, s10;
	[tilespmem:s1+$0x15410] =	vst v0  }
0x9e: {  	[hbm4b:s20+s2] =	stream.linear.scatter [tilespmem:s28], [sflag:$0x7], $0x800, $0x38;
	[tilespmem:$0x15C00] =	vst v63  }
0x9f: {  	_ =	swait.ge [sflag:s29], $0x800  }
0xa0: {  	s1 =	sadd.s32 @!p0 s9, s12;
	[sflag:s29] =	ssyncset.done $0x0  }
0xa1: {  	s1 =	smul.u32 @!p0 $0x14, s1;
	[sflag:s29] =	ssyncadd.s32 $0xFFFFF800  }
0xa2: {  	_ =	swait.ge [sflag:s30], $0xA000  }
0xa3: {  	s18 =	simm.s32 @!p0 $0x500;
	s1 =	sshrl.u32 @!p0 s1, $0x3;
	[sflag:s30] =	ssyncset.done $0x0  }
0xa4: {  	s10 =	simm.s32 @!p0 $0x0;
	s1 =	sadd.s32 @!p0 s3, s1;
	[sflag:s30] =	ssyncadd.s32 $0xFFFF6000  }
0xa5: {  	[tilespmem:s18], [sflag:$0x2] =	stream.linear.gather @!p0 [hbm4b:s1+s10], $0x500, $0x38;
	[tilespmem:$0x15C00] =	vst v63  }
0xa6: {  	_ =	swait.ge [sflag:s31], $0x500  }
0xa7: {  	[sflag:s31] =	ssyncset.done $0x0  }
0xa8: {  	s22 =	simm.s32 $0xA00;
	s10 =	simm.s32 $0xB540;
	[sflag:s31] =	ssyncadd.s32 $0xFFFFFB00  }
0xa9: {  	[tilespmem:s23], [sflag:$0x5] =	stream.indirect.gather [hbm4b:s4+s19], $0x20, s22, s19, $0xb8;
	[tilespmem:$0x15C00] =	vst v63  }
0xaa: {  	v0 =	vld [tilespmem:s10+$0x60]  }
0xab: {  	v1 =	vld [tilespmem:s10+$0xA0]  }
0xac: {  	v2 =	vld [tilespmem:s10+$0x0]  }
0xad: {  	v3 =	vld [tilespmem:s10+$0xFFFFFFE0]  }
0xae: {  	v4 =	vld [tilespmem:s10+$0x20]  }
0xaf: {  	v5 =	vld [tilespmem:s10+$0x40]  }
0xb0: {  	v6 =	vld [tilespmem:s10+$0x80]  }
0xb1: {  	v7 =	vld [tilespmem:s10+$0xFFFFFEC0]  }
0xb2: {  	v8 =	vld [tilespmem:s10+$0xFFFFFFC0]  }
0xb3: {  	v9 =	vld [tilespmem:s10+$0xFFFFFFA0]  }
0xb4: {  	v10 =	vld [tilespmem:s10+$0xFFFFFF80]  }
0xb5: {  	v11 =	vld [tilespmem:s10+$0xFFFFFF60]  }
0xb6: {  	v60 =	vld [tilespmem:s10+$0xFFFFFF40]  }
0xb7: {  	v61 =	vld [tilespmem:s10+$0xFFFFFF20]  }
0xb8: {  	v62 =	vld [tilespmem:s10+$0xFFFFFF00]  }
0xb9: {  	v15 =	vld [tilespmem:s10+$0xFFFFFEE0];
	_ =	sdelay $0x1  }
0xba: {  	v16 =	vld [tilespmem:s10+$0x100];
	v2 =	vadd.bf16 v4, v2;
	v1 =	vadd.bf16 v1, v6  }
0xbb: {  	v4 =	vld [tilespmem:s10+$0x120];
	v3 =	vadd.bf16 v3, v8;
	v6 =	vadd.bf16 v9, v10  }
0xbc: {  	v8 =	vld [tilespmem:s10+$0xE0];
	v9 =	vadd.bf16 v11, v60;
	v0 =	vadd.bf16 v0, v5  }
0xbd: {  	v5 =	vld [tilespmem:s10+$0xC0];
	v10 =	vadd.bf16 v61, v62;
	v7 =	vadd.bf16 v15, v7  }
0xbe: {  	v2 =	vadd.bf16 v2, v3;
	v0 =	vadd.bf16 v1, v0  }
0xbf: {  	v1 =	vadd.bf16 v6, v9;
	v3 =	vadd.bf16 v10, v7;
	_ =	sdelay $0x1  }
0xc0: {  	v0 =	vadd.bf16 v0, v2;
	v1 =	vadd.bf16 v1, v3  }
0xc1: {  	v4 =	vadd.bf16 v4, v16;
	v2 =	vadd.bf16 v8, v5;
	_ =	sdelay $0x1  }
0xc2: {  	v0 =	vadd.bf16 v0, v1;
	v2 =	vadd.bf16 v4, v2;
	_ =	sdelay $0x1  }
0xc3: {  	v0 =	vadd.bf16 v2, v0  }
0xc4: {  	s1 =	simm.s32 $0x0  }
0xc5: {  	[tilespmem:s1+$0x15400] =	vst v0  }
0xc6: {  	v1 =	vld [tilespmem:s10+$0xFFFFFED0]  }
0xc7: {  	v2 =	vld [tilespmem:s10+$0xFFFFFEF0]  }
0xc8: {  	v7 =	vld [tilespmem:s10+$0xFFFFFF10]  }
0xc9: {  	v3 =	vld [tilespmem:s10+$0x70]  }
0xca: {  	v9 =	vld [tilespmem:s10+$0xFFFFFF50]  }
0xcb: {  	v10 =	vld [tilespmem:s10+$0xFFFFFF70]  }
0xcc: {  	v11 =	vld [tilespmem:s10+$0x50]  }
0xcd: {  	v0 =	vld [tilespmem:s10+$0xFFFFFFF0]  }
0xce: {  	v63 =	vld [tilespmem:s10+$0xFFFFFF30]  }
0xcf: {  	v4 =	vld [tilespmem:s10+$0x10]  }
0xd0: {  	v6 =	vld [tilespmem:s10+$0x30]  }
0xd1: {  	v5 =	vld [tilespmem:s10+$0xB0]  }
0xd2: {  	v8 =	vld [tilespmem:s10+$0xFFFFFF90]  }
0xd3: {  	v1 =	vadd.bf16 v2, v1;
	v2 =	vadd.bf16 v10, v9;
	v9 =	vld [tilespmem:s10+$0xFFFFFFB0]  }
0xd4: {  	s18 =	simm.s32 $0x80;
	s22 =	simm.s32 $0xB540;
	v3 =	vadd.bf16 v3, v11;
	v7 =	vadd.bf16 v63, v7;
	v10 =	vld [tilespmem:s10+$0x90]  }
.LBB2_5:
0xd5: {  	p1 =	sne.s32 s18, $0x1F80  }
0xd6: {  	v11 =	vld [tilespmem:s10+$0xFFFFFFD0];
	s22 =	sadd.s32 $0x280, s22;
	s20 =	smov.u32 s18;
	s18 =	sadd.s32 $0x80, s18  }
0xd7: {  	v12 =	vld [tilespmem:s10+$0x130]  }
0xd8: {  	v13 =	vld [tilespmem:s10+$0x110]  }
0xd9: {  	v4 =	vadd.bf16 v6, v4;
	v14 =	vld [tilespmem:s10+$0xF0];
	v8 =	vadd.bf16 v9, v8  }
0xda: {  	v1 =	vadd.bf16 v7, v1;
	v6 =	vld [tilespmem:s10+$0xD0];
	v5 =	vadd.bf16 v5, v10;
	s10 =	smov.u32 s22  }
0xdb: {  	v0 =	vadd.bf16 v0, v11;
	v2 =	vadd.bf16 v8, v2  }
0xdc: {  	v3 =	vadd.bf16 v5, v3  }
0xdd: {  	v0 =	vadd.bf16 v4, v0;
	v1 =	vadd.bf16 v2, v1  }
0xde: {  	v2 =	vadd.bf16 v12, v13  }
0xdf: {  	v4 =	vadd.bf16 v14, v6;
	v0 =	vadd.bf16 v3, v0;
	_ =	sdelay $0x1  }
0xe0: {  	v2 =	vadd.bf16 v2, v4;
	v0 =	vadd.bf16 v0, v1;
	_ =	sdelay $0x1  }
0xe1: {  	v0 =	vadd.bf16 v2, v0;
	_ =	sdelay $0x1  }
0xe2: {  	[tilespmem:s1+$0x15410] =	vst v0  }
0xe3: {  	v0 =	vld [tilespmem:s22+$0x60]  }
0xe4: {  	v1 =	vld [tilespmem:s22+$0xA0]  }
0xe5: {  	v2 =	vld [tilespmem:s22+$0x0]  }
0xe6: {  	v3 =	vld [tilespmem:s22+$0xFFFFFFE0]  }
0xe7: {  	v4 =	vld [tilespmem:s22+$0x20]  }
0xe8: {  	v5 =	vld [tilespmem:s22+$0x40]  }
0xe9: {  	v6 =	vld [tilespmem:s22+$0x80]  }
0xea: {  	v7 =	vld [tilespmem:s22+$0xFFFFFEC0]  }
0xeb: {  	v8 =	vld [tilespmem:s22+$0xFFFFFFC0]  }
0xec: {  	v9 =	vld [tilespmem:s22+$0xFFFFFFA0]  }
0xed: {  	v10 =	vld [tilespmem:s22+$0xFFFFFF80]  }
0xee: {  	v2 =	vadd.bf16 v4, v2;
	v11 =	vld [tilespmem:s22+$0xFFFFFF60];
	v1 =	vadd.bf16 v1, v6  }
0xef: {  	v4 =	vld [tilespmem:s22+$0xFFFFFF40]  }
0xf0: {  	v6 =	vld [tilespmem:s22+$0xFFFFFF20];
	v3 =	vadd.bf16 v3, v8  }
0xf1: {  	v8 =	vld [tilespmem:s22+$0xFFFFFF00]  }
0xf2: {  	v12 =	vld [tilespmem:s22+$0xFFFFFEE0];
	v9 =	vadd.bf16 v9, v10;
	v2 =	vadd.bf16 v2, v3  }
0xf3: {  	v3 =	vld [tilespmem:s22+$0x100]  }
0xf4: {  	v10 =	vld [tilespmem:s22+$0x120];
	v4 =	vadd.bf16 v11, v4  }
0xf5: {  	v0 =	vadd.bf16 v0, v5;
	v11 =	vld [tilespmem:s22+$0xE0]  }
0xf6: {  	v5 =	vld [tilespmem:s22+$0xC0];
	v6 =	vadd.bf16 v6, v8;
	v4 =	vadd.bf16 v9, v4  }
0xf7: {  	v7 =	vadd.bf16 v12, v7  }
0xf8: {  	v0 =	vadd.bf16 v1, v0  }
0xf9: {  	v1 =	vadd.bf16 v6, v7  }
0xfa: {  	v0 =	vadd.bf16 v0, v2;
	v3 =	vadd.bf16 v10, v3  }
0xfb: {  	v2 =	vadd.bf16 v11, v5;
	v1 =	vadd.bf16 v4, v1;
	_ =	sdelay $0x1  }
0xfc: {  	v2 =	vadd.bf16 v3, v2;
	v0 =	vadd.bf16 v0, v1;
	_ =	sdelay $0x1  }
0xfd: {  	v0 =	vadd.bf16 v2, v0  }
0xfe: {  	s1 =	sshra.s32 s20, $0x2  }
0xff: {  	[tilespmem:s1+$0x15400] =	vst v0  }
0x100: {  	v0 =	vld [tilespmem:s22+$0xFFFFFED0]  }
0x101: {  	v1 =	vld [tilespmem:s22+$0xFFFFFEF0]  }
0x102: {  	v7 =	vld [tilespmem:s22+$0xFFFFFF10]  }
0x103: {  	v3 =	vld [tilespmem:s22+$0x70]  }
0x104: {  	v2 =	vld [tilespmem:s22+$0xFFFFFF50]  }
0x105: {  	v5 =	vld [tilespmem:s22+$0xFFFFFF70]  }
0x106: {  	v8 =	vld [tilespmem:s22+$0x50];
	v1 =	vadd.bf16 v1, v0  }
0x107: {  	v0 =	vld [tilespmem:s22+$0xFFFFFFF0]  }
0x108: {  	v10 =	vld [tilespmem:s22+$0xFFFFFF30]  }
0x109: {  	v4 =	vld [tilespmem:s22+$0x10]  }
.Ltmp1:
0x10a: {  	v6 =	vld [tilespmem:s22+$0x30];
	v2 =	vadd.bf16 v5, v2;
	(pc) =	sbr.rel @p1 .LBB2_5-.Ltmp1, $4  }
0x10b: {  	v5 =	vld [tilespmem:s22+$0xB0];
	v3 =	vadd.bf16 v3, v8  }
0x10c: {  	v8 =	vld [tilespmem:s22+$0xFFFFFF90]  }
0x10d: {  	v9 =	vld [tilespmem:s22+$0xFFFFFFB0];
	v7 =	vadd.bf16 v10, v7  }
0x10e: {  	v10 =	vld [tilespmem:s22+$0x90]  }
0x10f: {  	v11 =	vld [tilespmem:s10+$0xFFFFFFD0]  }
0x110: {  	v12 =	vld [tilespmem:s10+$0x130]  }
0x111: {  	v13 =	vld [tilespmem:s10+$0x110]  }
0x112: {  	v14 =	vld [tilespmem:s10+$0xF0]  }
0x113: {  	v4 =	vadd.bf16 v6, v4;
	v6 =	vld [tilespmem:s10+$0xD0];
	v8 =	vadd.bf16 v9, v8  }
0x114: {  	v5 =	vadd.bf16 v5, v10;
	v0 =	vadd.bf16 v0, v11  }
0x115: {  	v1 =	vadd.bf16 v7, v1;
	v2 =	vadd.bf16 v8, v2  }
0x116: {  	v3 =	vadd.bf16 v5, v3;
	v0 =	vadd.bf16 v4, v0  }
0x117: {  	v1 =	vadd.bf16 v2, v1;
	v2 =	vadd.bf16 v12, v13  }
0x118: {  	v4 =	vadd.bf16 v14, v6;
	v0 =	vadd.bf16 v3, v0;
	_ =	sdelay $0x1  }
0x119: {  	v2 =	vadd.bf16 v2, v4;
	v0 =	vadd.bf16 v0, v1;
	_ =	sdelay $0x1  }
0x11a: {  	s20 =	sadd.s32 s7, s13;
	v0 =	vadd.bf16 v2, v0  }
0x11b: {  	s10 =	sshrl.u32 s20, $0x4  }
0x11c: {  	s22 =	sadd.s32 s5, s10;
	[tilespmem:s1+$0x15410] =	vst v0  }
0x11d: {  	[hbm4b:s22+s2] =	stream.linear.scatter [tilespmem:s28], [sflag:$0x7], $0x800, $0x38;
	[tilespmem:$0x15C00] =	vst v63  }
0x11e: {  	_ =	swait.ge [sflag:s29], $0x800  }
0x11f: {  	s1 =	sadd.s32 @!p0 s9, s14;
	[sflag:s29] =	ssyncset.done $0x0  }
0x120: {  	s1 =	smul.u32 @!p0 $0x14, s1;
	[sflag:s29] =	ssyncadd.s32 $0xFFFFF800  }
0x121: {  	_ =	swait.ge [sflag:s24], $0xA000  }
0x122: {  	s18 =	simm.s32 @!p0 $0xA00;
	s1 =	sshrl.u32 @!p0 s1, $0x3;
	[sflag:s24] =	ssyncset.done $0x0  }
0x123: {  	s10 =	simm.s32 @!p0 $0x0;
	s1 =	sadd.s32 @!p0 s3, s1;
	[sflag:s24] =	ssyncadd.s32 $0xFFFF6000  }
0x124: {  	[tilespmem:s18], [sflag:$0x3] =	stream.linear.gather @!p0 [hbm4b:s1+s10], $0x500, $0x38;
	[tilespmem:$0x15C00] =	vst v63  }
0x125: {  	_ =	swait.ge [sflag:s0], $0x500  }
0x126: {  	[sflag:s0] =	ssyncset.done $0x0  }
0x127: {  	s10 =	simm.s32 $0x1540;
	[sflag:s0] =	ssyncadd.s32 $0xFFFFFB00  }
0x128: {  	[tilespmem:s26], [sflag:$0x6] =	stream.indirect.gather [hbm4b:s4+s19], $0x20, s21, s19, $0xb8;
	[tilespmem:$0x15C00] =	vst v63  }
0x129: {  	v0 =	vld [tilespmem:s10+$0x60]  }
0x12a: {  	v1 =	vld [tilespmem:s10+$0xA0]  }
0x12b: {  	v2 =	vld [tilespmem:s10+$0x0]  }
0x12c: {  	v3 =	vld [tilespmem:s10+$0xFFFFFFE0]  }
0x12d: {  	v4 =	vld [tilespmem:s10+$0x20]  }
0x12e: {  	v5 =	vld [tilespmem:s10+$0x40]  }
0x12f: {  	v6 =	vld [tilespmem:s10+$0x80]  }
0x130: {  	v7 =	vld [tilespmem:s10+$0xFFFFFEC0]  }
0x131: {  	v8 =	vld [tilespmem:s10+$0xFFFFFFC0]  }
0x132: {  	v9 =	vld [tilespmem:s10+$0xFFFFFFA0]  }
0x133: {  	v10 =	vld [tilespmem:s10+$0xFFFFFF80]  }
0x134: {  	v11 =	vld [tilespmem:s10+$0xFFFFFF60]  }
0x135: {  	v60 =	vld [tilespmem:s10+$0xFFFFFF40]  }
0x136: {  	v61 =	vld [tilespmem:s10+$0xFFFFFF20]  }
0x137: {  	v62 =	vld [tilespmem:s10+$0xFFFFFF00]  }
0x138: {  	v15 =	vld [tilespmem:s10+$0xFFFFFEE0];
	_ =	sdelay $0x1  }
0x139: {  	v16 =	vld [tilespmem:s10+$0x100];
	v2 =	vadd.bf16 v4, v2;
	v1 =	vadd.bf16 v1, v6  }
0x13a: {  	v4 =	vld [tilespmem:s10+$0x120];
	v3 =	vadd.bf16 v3, v8;
	v6 =	vadd.bf16 v9, v10  }
0x13b: {  	v8 =	vld [tilespmem:s10+$0xE0];
	v9 =	vadd.bf16 v11, v60;
	v0 =	vadd.bf16 v0, v5  }
0x13c: {  	v5 =	vld [tilespmem:s10+$0xC0];
	v10 =	vadd.bf16 v61, v62;
	v7 =	vadd.bf16 v15, v7  }
0x13d: {  	v2 =	vadd.bf16 v2, v3;
	v0 =	vadd.bf16 v1, v0  }
0x13e: {  	v1 =	vadd.bf16 v6, v9;
	v3 =	vadd.bf16 v10, v7;
	_ =	sdelay $0x1  }
0x13f: {  	v0 =	vadd.bf16 v0, v2;
	v1 =	vadd.bf16 v1, v3  }
0x140: {  	v4 =	vadd.bf16 v4, v16;
	v2 =	vadd.bf16 v8, v5;
	_ =	sdelay $0x1  }
0x141: {  	v0 =	vadd.bf16 v0, v1;
	v2 =	vadd.bf16 v4, v2;
	_ =	sdelay $0x1  }
0x142: {  	v0 =	vadd.bf16 v2, v0  }
0x143: {  	s1 =	simm.s32 $0x0  }
0x144: {  	[tilespmem:s1+$0x15400] =	vst v0  }
0x145: {  	v1 =	vld [tilespmem:s10+$0xFFFFFED0]  }
0x146: {  	v2 =	vld [tilespmem:s10+$0xFFFFFEF0]  }
0x147: {  	v7 =	vld [tilespmem:s10+$0xFFFFFF10]  }
0x148: {  	v3 =	vld [tilespmem:s10+$0x70]  }
0x149: {  	v9 =	vld [tilespmem:s10+$0xFFFFFF50]  }
0x14a: {  	v10 =	vld [tilespmem:s10+$0xFFFFFF70]  }
0x14b: {  	v11 =	vld [tilespmem:s10+$0x50]  }
0x14c: {  	v0 =	vld [tilespmem:s10+$0xFFFFFFF0]  }
0x14d: {  	v63 =	vld [tilespmem:s10+$0xFFFFFF30]  }
0x14e: {  	v4 =	vld [tilespmem:s10+$0x10]  }
0x14f: {  	v6 =	vld [tilespmem:s10+$0x30]  }
0x150: {  	v5 =	vld [tilespmem:s10+$0xB0]  }
0x151: {  	v8 =	vld [tilespmem:s10+$0xFFFFFF90]  }
0x152: {  	v1 =	vadd.bf16 v2, v1;
	v2 =	vadd.bf16 v10, v9;
	v9 =	vld [tilespmem:s10+$0xFFFFFFB0]  }
0x153: {  	s22 =	simm.s32 $0x1540;
	s18 =	simm.s32 $0x80;
	v3 =	vadd.bf16 v3, v11;
	v7 =	vadd.bf16 v63, v7;
	v10 =	vld [tilespmem:s10+$0x90]  }
.LBB2_7:
0x154: {  	p1 =	sne.s32 s18, $0x1F80  }
0x155: {  	v11 =	vld [tilespmem:s10+$0xFFFFFFD0];
	s22 =	sadd.s32 $0x280, s22;
	s20 =	smov.u32 s18;
	s18 =	sadd.s32 $0x80, s18  }
0x156: {  	v12 =	vld [tilespmem:s10+$0x130]  }
0x157: {  	v13 =	vld [tilespmem:s10+$0x110]  }
0x158: {  	v4 =	vadd.bf16 v6, v4;
	v14 =	vld [tilespmem:s10+$0xF0];
	v8 =	vadd.bf16 v9, v8  }
0x159: {  	v1 =	vadd.bf16 v7, v1;
	v6 =	vld [tilespmem:s10+$0xD0];
	v5 =	vadd.bf16 v5, v10;
	s10 =	smov.u32 s22  }
0x15a: {  	v0 =	vadd.bf16 v0, v11;
	v2 =	vadd.bf16 v8, v2  }
0x15b: {  	v3 =	vadd.bf16 v5, v3  }
0x15c: {  	v0 =	vadd.bf16 v4, v0;
	v1 =	vadd.bf16 v2, v1  }
0x15d: {  	v2 =	vadd.bf16 v12, v13  }
0x15e: {  	v4 =	vadd.bf16 v14, v6;
	v0 =	vadd.bf16 v3, v0;
	_ =	sdelay $0x1  }
0x15f: {  	v2 =	vadd.bf16 v2, v4;
	v0 =	vadd.bf16 v0, v1;
	_ =	sdelay $0x1  }
0x160: {  	v0 =	vadd.bf16 v2, v0;
	_ =	sdelay $0x1  }
0x161: {  	[tilespmem:s1+$0x15410] =	vst v0  }
0x162: {  	v0 =	vld [tilespmem:s22+$0x60]  }
0x163: {  	v1 =	vld [tilespmem:s22+$0xA0]  }
0x164: {  	v2 =	vld [tilespmem:s22+$0x0]  }
0x165: {  	v3 =	vld [tilespmem:s22+$0xFFFFFFE0]  }
0x166: {  	v4 =	vld [tilespmem:s22+$0x20]  }
0x167: {  	v5 =	vld [tilespmem:s22+$0x40]  }
0x168: {  	v6 =	vld [tilespmem:s22+$0x80]  }
0x169: {  	v7 =	vld [tilespmem:s22+$0xFFFFFEC0]  }
0x16a: {  	v8 =	vld [tilespmem:s22+$0xFFFFFFC0]  }
0x16b: {  	v9 =	vld [tilespmem:s22+$0xFFFFFFA0]  }
0x16c: {  	v10 =	vld [tilespmem:s22+$0xFFFFFF80]  }
0x16d: {  	v2 =	vadd.bf16 v4, v2;
	v11 =	vld [tilespmem:s22+$0xFFFFFF60];
	v1 =	vadd.bf16 v1, v6  }
0x16e: {  	v4 =	vld [tilespmem:s22+$0xFFFFFF40]  }
0x16f: {  	v6 =	vld [tilespmem:s22+$0xFFFFFF20];
	v3 =	vadd.bf16 v3, v8  }
0x170: {  	v8 =	vld [tilespmem:s22+$0xFFFFFF00]  }
0x171: {  	v12 =	vld [tilespmem:s22+$0xFFFFFEE0];
	v9 =	vadd.bf16 v9, v10;
	v2 =	vadd.bf16 v2, v3  }
0x172: {  	v3 =	vld [tilespmem:s22+$0x100]  }
0x173: {  	v10 =	vld [tilespmem:s22+$0x120];
	v4 =	vadd.bf16 v11, v4  }
0x174: {  	v0 =	vadd.bf16 v0, v5;
	v11 =	vld [tilespmem:s22+$0xE0]  }
0x175: {  	v5 =	vld [tilespmem:s22+$0xC0];
	v6 =	vadd.bf16 v6, v8;
	v4 =	vadd.bf16 v9, v4  }
0x176: {  	v7 =	vadd.bf16 v12, v7  }
0x177: {  	v0 =	vadd.bf16 v1, v0  }
0x178: {  	v1 =	vadd.bf16 v6, v7  }
0x179: {  	v0 =	vadd.bf16 v0, v2;
	v3 =	vadd.bf16 v10, v3  }
0x17a: {  	v2 =	vadd.bf16 v11, v5;
	v1 =	vadd.bf16 v4, v1;
	_ =	sdelay $0x1  }
0x17b: {  	v2 =	vadd.bf16 v3, v2;
	v0 =	vadd.bf16 v0, v1;
	_ =	sdelay $0x1  }
0x17c: {  	v0 =	vadd.bf16 v2, v0  }
0x17d: {  	s1 =	sshra.s32 s20, $0x2  }
0x17e: {  	[tilespmem:s1+$0x15400] =	vst v0  }
0x17f: {  	v0 =	vld [tilespmem:s22+$0xFFFFFED0]  }
0x180: {  	v1 =	vld [tilespmem:s22+$0xFFFFFEF0]  }
0x181: {  	v7 =	vld [tilespmem:s22+$0xFFFFFF10]  }
0x182: {  	v3 =	vld [tilespmem:s22+$0x70]  }
0x183: {  	v2 =	vld [tilespmem:s22+$0xFFFFFF50]  }
0x184: {  	v5 =	vld [tilespmem:s22+$0xFFFFFF70]  }
0x185: {  	v8 =	vld [tilespmem:s22+$0x50];
	v1 =	vadd.bf16 v1, v0  }
0x186: {  	v0 =	vld [tilespmem:s22+$0xFFFFFFF0]  }
0x187: {  	v10 =	vld [tilespmem:s22+$0xFFFFFF30]  }
0x188: {  	v4 =	vld [tilespmem:s22+$0x10]  }
.Ltmp2:
0x189: {  	v6 =	vld [tilespmem:s22+$0x30];
	v2 =	vadd.bf16 v5, v2;
	(pc) =	sbr.rel @p1 .LBB2_7-.Ltmp2, $4  }
0x18a: {  	v5 =	vld [tilespmem:s22+$0xB0];
	v3 =	vadd.bf16 v3, v8  }
0x18b: {  	v8 =	vld [tilespmem:s22+$0xFFFFFF90]  }
0x18c: {  	v9 =	vld [tilespmem:s22+$0xFFFFFFB0];
	v7 =	vadd.bf16 v10, v7  }
0x18d: {  	v10 =	vld [tilespmem:s22+$0x90]  }
0x18e: {  	v11 =	vld [tilespmem:s10+$0xFFFFFFD0]  }
0x18f: {  	v12 =	vld [tilespmem:s10+$0x130]  }
0x190: {  	v13 =	vld [tilespmem:s10+$0x110]  }
0x191: {  	v14 =	vld [tilespmem:s10+$0xF0]  }
0x192: {  	v4 =	vadd.bf16 v6, v4;
	v6 =	vld [tilespmem:s10+$0xD0];
	v8 =	vadd.bf16 v9, v8  }
0x193: {  	v5 =	vadd.bf16 v5, v10;
	v0 =	vadd.bf16 v0, v11  }
0x194: {  	v1 =	vadd.bf16 v7, v1;
	v2 =	vadd.bf16 v8, v2  }
0x195: {  	v3 =	vadd.bf16 v5, v3;
	v0 =	vadd.bf16 v4, v0  }
0x196: {  	v1 =	vadd.bf16 v2, v1;
	v2 =	vadd.bf16 v12, v13  }
0x197: {  	v4 =	vadd.bf16 v14, v6;
	v0 =	vadd.bf16 v3, v0;
	_ =	sdelay $0x1  }
0x198: {  	v2 =	vadd.bf16 v2, v4;
	v0 =	vadd.bf16 v0, v1;
	_ =	sdelay $0x1  }
0x199: {  	s20 =	sadd.s32 s7, s15;
	v0 =	vadd.bf16 v2, v0  }
0x19a: {  	s10 =	sshrl.u32 s20, $0x4  }
0x19b: {  	s22 =	sadd.s32 s5, s10;
	[tilespmem:s1+$0x15410] =	vst v0  }
0x19c: {  	[hbm4b:s22+s2] =	stream.linear.scatter [tilespmem:s28], [sflag:$0x7], $0x800, $0x38;
	[tilespmem:$0x15C00] =	vst v63  }
0x19d: {  	_ =	swait.ge [sflag:s29], $0x800  }
0x19e: {  	s1 =	sadd.s32 @!p0 s9, s16;
	[sflag:s29] =	ssyncset.done $0x0  }
0x19f: {  	s1 =	smul.u32 @!p0 $0x14, s1;
	[sflag:s29] =	ssyncadd.s32 $0xFFFFF800  }
0x1a0: {  	_ =	swait.ge [sflag:s30], $0xA000  }
0x1a1: {  	s10 =	simm.s32 @!p0 $0xF00;
	s1 =	sshrl.u32 @!p0 s1, $0x3;
	[sflag:s30] =	ssyncset.done $0x0  }
0x1a2: {  	s9 =	simm.s32 @!p0 $0x0;
	s1 =	sadd.s32 @!p0 s3, s1;
	[sflag:s30] =	ssyncadd.s32 $0xFFFF6000  }
0x1a3: {  	[tilespmem:s10], [sflag:$0x4] =	stream.linear.gather @!p0 [hbm4b:s1+s9], $0x500, $0x38;
	[tilespmem:$0x15C00] =	vst v63  }
0x1a4: {  	s1 =	simm.s32 @!p0 $0x1  }
0x1a5: {  	_ =	swait.ge @!p0 [sflag:s1], $0x500  }
0x1a6: {  	[sflag:s1] =	ssyncset.done @!p0 $0x0  }
0x1a7: {  	s10 =	simm.s32 @!p0 $0x1400;
	[sflag:s1] =	ssyncadd.s32 @!p0 $0xFFFFFB00;
	s1 =	simm.s32 @!p0 $0x500  }
0x1a8: {  	[tilespmem:s10], [sflag:$0x5] =	stream.indirect.gather @!p0 [hbm4b:s4+s1], $0x20, s9, s1, $0xb8;
	[tilespmem:$0x15C00] =	vst v63  }
0x1a9: {  	s9 =	simm.s32 $0xB540  }
0x1aa: {  	v0 =	vld [tilespmem:s9+$0x60]  }
0x1ab: {  	v1 =	vld [tilespmem:s9+$0xA0]  }
0x1ac: {  	v2 =	vld [tilespmem:s9+$0x0]  }
0x1ad: {  	v3 =	vld [tilespmem:s9+$0xFFFFFFE0]  }
0x1ae: {  	v4 =	vld [tilespmem:s9+$0x20]  }
0x1af: {  	v5 =	vld [tilespmem:s9+$0x40]  }
0x1b0: {  	v6 =	vld [tilespmem:s9+$0x80]  }
0x1b1: {  	v7 =	vld [tilespmem:s9+$0xFFFFFEC0]  }
0x1b2: {  	v8 =	vld [tilespmem:s9+$0xFFFFFFC0]  }
0x1b3: {  	v9 =	vld [tilespmem:s9+$0xFFFFFFA0]  }
0x1b4: {  	v10 =	vld [tilespmem:s9+$0xFFFFFF80]  }
0x1b5: {  	v11 =	vld [tilespmem:s9+$0xFFFFFF60]  }
0x1b6: {  	v60 =	vld [tilespmem:s9+$0xFFFFFF40]  }
0x1b7: {  	v61 =	vld [tilespmem:s9+$0xFFFFFF20]  }
0x1b8: {  	v62 =	vld [tilespmem:s9+$0xFFFFFF00]  }
0x1b9: {  	v15 =	vld [tilespmem:s9+$0xFFFFFEE0];
	_ =	sdelay $0x1  }
0x1ba: {  	v16 =	vld [tilespmem:s9+$0x100];
	v2 =	vadd.bf16 v4, v2;
	v1 =	vadd.bf16 v1, v6  }
0x1bb: {  	v4 =	vld [tilespmem:s9+$0x120];
	v3 =	vadd.bf16 v3, v8;
	v6 =	vadd.bf16 v9, v10  }
0x1bc: {  	v8 =	vld [tilespmem:s9+$0xE0];
	v9 =	vadd.bf16 v11, v60;
	v0 =	vadd.bf16 v0, v5  }
0x1bd: {  	v5 =	vld [tilespmem:s9+$0xC0];
	v10 =	vadd.bf16 v61, v62;
	v7 =	vadd.bf16 v15, v7  }
0x1be: {  	v2 =	vadd.bf16 v2, v3;
	v0 =	vadd.bf16 v1, v0  }
0x1bf: {  	v1 =	vadd.bf16 v6, v9;
	v3 =	vadd.bf16 v10, v7;
	_ =	sdelay $0x1  }
0x1c0: {  	v0 =	vadd.bf16 v0, v2;
	v1 =	vadd.bf16 v1, v3  }
0x1c1: {  	v4 =	vadd.bf16 v4, v16;
	v2 =	vadd.bf16 v8, v5;
	_ =	sdelay $0x1  }
0x1c2: {  	v0 =	vadd.bf16 v0, v1;
	v2 =	vadd.bf16 v4, v2;
	_ =	sdelay $0x1  }
0x1c3: {  	v0 =	vadd.bf16 v2, v0  }
0x1c4: {  	s1 =	simm.s32 $0x0  }
0x1c5: {  	[tilespmem:s1+$0x15400] =	vst v0  }
0x1c6: {  	v1 =	vld [tilespmem:s9+$0xFFFFFED0]  }
0x1c7: {  	v2 =	vld [tilespmem:s9+$0xFFFFFEF0]  }
0x1c8: {  	v7 =	vld [tilespmem:s9+$0xFFFFFF10]  }
0x1c9: {  	v3 =	vld [tilespmem:s9+$0x70]  }
0x1ca: {  	v9 =	vld [tilespmem:s9+$0xFFFFFF50]  }
0x1cb: {  	v10 =	vld [tilespmem:s9+$0xFFFFFF70]  }
0x1cc: {  	v11 =	vld [tilespmem:s9+$0x50]  }
0x1cd: {  	v0 =	vld [tilespmem:s9+$0xFFFFFFF0]  }
0x1ce: {  	v63 =	vld [tilespmem:s9+$0xFFFFFF30]  }
0x1cf: {  	v4 =	vld [tilespmem:s9+$0x10]  }
0x1d0: {  	v6 =	vld [tilespmem:s9+$0x30]  }
0x1d1: {  	v5 =	vld [tilespmem:s9+$0xB0]  }
0x1d2: {  	v8 =	vld [tilespmem:s9+$0xFFFFFF90]  }
0x1d3: {  	v1 =	vadd.bf16 v2, v1;
	v2 =	vadd.bf16 v10, v9;
	v9 =	vld [tilespmem:s9+$0xFFFFFFB0]  }
0x1d4: {  	s18 =	simm.s32 $0xB540;
	s10 =	simm.s32 $0x80;
	v3 =	vadd.bf16 v3, v11;
	v7 =	vadd.bf16 v63, v7;
	v10 =	vld [tilespmem:s9+$0x90]  }
.LBB2_9:
0x1d5: {  	p0 =	sne.s32 s10, $0x1F80  }
0x1d6: {  	v11 =	vld [tilespmem:s9+$0xFFFFFFD0];
	s18 =	sadd.s32 $0x280, s18;
	s20 =	smov.u32 s10;
	s10 =	sadd.s32 $0x80, s10  }
0x1d7: {  	v12 =	vld [tilespmem:s9+$0x130]  }
0x1d8: {  	v13 =	vld [tilespmem:s9+$0x110]  }
0x1d9: {  	v4 =	vadd.bf16 v6, v4;
	v14 =	vld [tilespmem:s9+$0xF0];
	v8 =	vadd.bf16 v9, v8  }
0x1da: {  	v1 =	vadd.bf16 v7, v1;
	v6 =	vld [tilespmem:s9+$0xD0];
	v5 =	vadd.bf16 v5, v10;
	s9 =	smov.u32 s18  }
0x1db: {  	v0 =	vadd.bf16 v0, v11;
	v2 =	vadd.bf16 v8, v2  }
0x1dc: {  	v3 =	vadd.bf16 v5, v3  }
0x1dd: {  	v0 =	vadd.bf16 v4, v0;
	v1 =	vadd.bf16 v2, v1  }
0x1de: {  	v2 =	vadd.bf16 v12, v13  }
0x1df: {  	v4 =	vadd.bf16 v14, v6;
	v0 =	vadd.bf16 v3, v0;
	_ =	sdelay $0x1  }
0x1e0: {  	v2 =	vadd.bf16 v2, v4;
	v0 =	vadd.bf16 v0, v1;
	_ =	sdelay $0x1  }
0x1e1: {  	v0 =	vadd.bf16 v2, v0;
	_ =	sdelay $0x1  }
0x1e2: {  	[tilespmem:s1+$0x15410] =	vst v0  }
0x1e3: {  	v0 =	vld [tilespmem:s18+$0x60]  }
0x1e4: {  	v1 =	vld [tilespmem:s18+$0xA0]  }
0x1e5: {  	v2 =	vld [tilespmem:s18+$0x0]  }
0x1e6: {  	v3 =	vld [tilespmem:s18+$0xFFFFFFE0]  }
0x1e7: {  	v4 =	vld [tilespmem:s18+$0x20]  }
0x1e8: {  	v5 =	vld [tilespmem:s18+$0x40]  }
0x1e9: {  	v6 =	vld [tilespmem:s18+$0x80]  }
0x1ea: {  	v7 =	vld [tilespmem:s18+$0xFFFFFEC0]  }
0x1eb: {  	v8 =	vld [tilespmem:s18+$0xFFFFFFC0]  }
0x1ec: {  	v9 =	vld [tilespmem:s18+$0xFFFFFFA0]  }
0x1ed: {  	v10 =	vld [tilespmem:s18+$0xFFFFFF80]  }
0x1ee: {  	v2 =	vadd.bf16 v4, v2;
	v11 =	vld [tilespmem:s18+$0xFFFFFF60];
	v1 =	vadd.bf16 v1, v6  }
0x1ef: {  	v4 =	vld [tilespmem:s18+$0xFFFFFF40]  }
0x1f0: {  	v6 =	vld [tilespmem:s18+$0xFFFFFF20];
	v3 =	vadd.bf16 v3, v8  }
0x1f1: {  	v8 =	vld [tilespmem:s18+$0xFFFFFF00]  }
0x1f2: {  	v12 =	vld [tilespmem:s18+$0xFFFFFEE0];
	v9 =	vadd.bf16 v9, v10;
	v2 =	vadd.bf16 v2, v3  }
0x1f3: {  	v3 =	vld [tilespmem:s18+$0x100]  }
0x1f4: {  	v10 =	vld [tilespmem:s18+$0x120];
	v4 =	vadd.bf16 v11, v4  }
0x1f5: {  	v0 =	vadd.bf16 v0, v5;
	v11 =	vld [tilespmem:s18+$0xE0]  }
0x1f6: {  	v5 =	vld [tilespmem:s18+$0xC0];
	v6 =	vadd.bf16 v6, v8;
	v4 =	vadd.bf16 v9, v4  }
0x1f7: {  	v7 =	vadd.bf16 v12, v7  }
0x1f8: {  	v0 =	vadd.bf16 v1, v0  }
0x1f9: {  	v1 =	vadd.bf16 v6, v7  }
0x1fa: {  	v0 =	vadd.bf16 v0, v2;
	v3 =	vadd.bf16 v10, v3  }
0x1fb: {  	v2 =	vadd.bf16 v11, v5;
	v1 =	vadd.bf16 v4, v1;
	_ =	sdelay $0x1  }
0x1fc: {  	v2 =	vadd.bf16 v3, v2;
	v0 =	vadd.bf16 v0, v1;
	_ =	sdelay $0x1  }
0x1fd: {  	v0 =	vadd.bf16 v2, v0  }
0x1fe: {  	s1 =	sshra.s32 s20, $0x2  }
0x1ff: {  	[tilespmem:s1+$0x15400] =	vst v0  }
0x200: {  	v0 =	vld [tilespmem:s18+$0xFFFFFED0]  }
0x201: {  	v1 =	vld [tilespmem:s18+$0xFFFFFEF0]  }
0x202: {  	v7 =	vld [tilespmem:s18+$0xFFFFFF10]  }
0x203: {  	v3 =	vld [tilespmem:s18+$0x70]  }
0x204: {  	v2 =	vld [tilespmem:s18+$0xFFFFFF50]  }
0x205: {  	v5 =	vld [tilespmem:s18+$0xFFFFFF70]  }
0x206: {  	v8 =	vld [tilespmem:s18+$0x50];
	v1 =	vadd.bf16 v1, v0  }
0x207: {  	v0 =	vld [tilespmem:s18+$0xFFFFFFF0]  }
0x208: {  	v10 =	vld [tilespmem:s18+$0xFFFFFF30]  }
0x209: {  	v4 =	vld [tilespmem:s18+$0x10]  }
.Ltmp3:
0x20a: {  	v6 =	vld [tilespmem:s18+$0x30];
	v2 =	vadd.bf16 v5, v2;
	(pc) =	sbr.rel @p0 .LBB2_9-.Ltmp3, $4  }
0x20b: {  	v5 =	vld [tilespmem:s18+$0xB0];
	v3 =	vadd.bf16 v3, v8  }
0x20c: {  	v8 =	vld [tilespmem:s18+$0xFFFFFF90]  }
0x20d: {  	v9 =	vld [tilespmem:s18+$0xFFFFFFB0];
	v7 =	vadd.bf16 v10, v7  }
0x20e: {  	v10 =	vld [tilespmem:s18+$0x90]  }
0x20f: {  	v11 =	vld [tilespmem:s9+$0xFFFFFFD0]  }
0x210: {  	v12 =	vld [tilespmem:s9+$0x130]  }
0x211: {  	v13 =	vld [tilespmem:s9+$0x110]  }
0x212: {  	v14 =	vld [tilespmem:s9+$0xF0]  }
0x213: {  	v61 =	vld [tilespmem:s9+$0xD0]  }
0x214: {  	v4 =	vadd.bf16 v6, v4;
	v8 =	vadd.bf16 v9, v8  }
0x215: {  	v5 =	vadd.bf16 v5, v10;
	v0 =	vadd.bf16 v0, v11  }
0x216: {  	v1 =	vadd.bf16 v7, v1;
	v2 =	vadd.bf16 v8, v2  }
0x217: {  	v3 =	vadd.bf16 v5, v3;
	v0 =	vadd.bf16 v4, v0  }
0x218: {  	v62 =	vadd.bf16 v12, v13;
	v63 =	vadd.bf16 v14, v61  }
0x219: {  	v1 =	vadd.bf16 v2, v1;
	v0 =	vadd.bf16 v3, v0;
	_ =	sdelay $0x1  }
0x21a: {  	v2 =	vadd.bf16 v62, v63;
	v0 =	vadd.bf16 v0, v1;
	_ =	sdelay $0x1  }
0x21b: {  	s7 =	sadd.s32 s7, s17;
	s6 =	sadd.s32 $0x1, s6;
	v0 =	vadd.bf16 v2, v0  }
0x21c: {  	s7 =	sshrl.u32 s7, $0x4;
	p0 =	sne.s32 s6, $0xD  }
.Ltmp4:
0x21d: {  	s22 =	sadd.s32 s5, s7;
	[tilespmem:s1+$0x15410] =	vst v0;
	(pc) =	sbr.rel @p0 .LBB2_2-.Ltmp4, $4  }
0x21e: {  	[hbm4b:s22+s2] =	stream.linear.scatter [tilespmem:s28], [sflag:$0x7], $0x800, $0x38;
	[tilespmem:$0x15C00] =	vst v63  }
0x21f: {  	_ =	swait.ge [sflag:s29], $0x800  }
0x220: {  	[sflag:s29] =	ssyncset.done $0x0  }
0x221: {  	[sflag:s29] =	ssyncadd.s32 $0xFFFFF800  }
0x222: {  	s6 =	rddreg [dreg:$0x7]  }
0x223: {  	s1 =	rddreg [dreg:$0x6];
	s6 =	sadd.s32 $0x1, s6  }
0x224: {  	p0 =	sne.s32 s6, s1  }
.Ltmp5:
0x225: {  	_ = 	snop;
	(pc) =	sbr.rel @p0 .LBB2_1-.Ltmp5, $1  }
0x226: {  	_ =	sdelay $0x3  }
0x227: {  	_ =	sfence.sel $0x180000  }
0x228: {  	[bflag:$0x0] =	sbarrier.arrive $0xFFFF  }
0x229: {  	_ =	strace $0x90000047  }
0x22a: {  	s0 =	stileid.u32;
	[bflag:$0x2] =	sbarrier.arrive $0xFFFF  }
0x22b: {  	p0 =	sne.s32 s0, $0x0;
	s0 =	rddreg [dreg:$0x1]  }
0x22c: {  	s0 =	sadd.s32 @!p0 $0x100000, s0  }
0x22d: {  	[sflag:s0] =	ssyncadd.tile.s32 @!p0 $0x1;
	_ =	shalt  }
.Lfunc_end2:
_tile_overlayer_lowered:
.L_overlay_start_2:
0x22e: {  	(tag) =	ssettag $0x2  }
0x22f: {  	s0 =	rddreg [dreg:$0x0];
	s2 =	stileid.u32  }
0x230: {  	s1 =	rddreg [dreg:$0x1];
	p0 =	sne.s32 s2, $0x0  }
0x231: {  	s3 =	rddreg [dreg:$0x2];
	[bflag:$0x3] =	sbarrier.arrive $0xFFFF;
	s2 =	simm.s32 @!p0 $0x1C07  }
0x232: {  	[timem:s3], [sflag:s2] =	dma.local @!p0 [hbm:s0], s1  }
0x233: {  	s0 =	simm.s32 @!p0 $0x7  }
0x234: {  	_ =	swait.ge @!p0 [sflag:s0], s1  }
0x235: {  	s1 =	ssub.s32 @!p0 $0x0, s1;
	[sflag:s0] =	ssyncset.done @!p0 $0x0  }
0x236: {  	[sflag:s0] =	ssyncadd.s32 @!p0 s1  }
0x237: {  	[bflag:$0x3] =	sbarrier.arrive $0xFFFF  }
0x238: {  	_ =	shalt  }

// kernel: kernel.8.cloned.1.call-start
scs
__scs_entry_jumppad:
0x0: {  	(pc) =	sbr.rel $0x88, $3  }
0x1: {  	(tag) =	ssettag $0x0;
	lr =	simm.s32 $0x1  }
0x2: {  	[smem:$0x3F9C] =	sst lr;
	_ =	strace $0xD0000000  }
0x3: {  	_ = 	snop  }
0x4: {  	_ = 	snop  }
0x5: {  	_ = 	snop  }
0x6: {  	_ = 	snop  }
0x7: {  	_ = 	snop  }
__scs_overlays_trampoline_lowered:
0x8: {  	[smem:$0x3FAB] =	sst s0  }
0x9: {  	[smem:$0x3FAC] =	sst s1  }
0xa: {  	[smem:$0x3FAD] =	sst s2  }
0xb: {  	[smem:$0x3FAE] =	sst s3  }
0xc: {  	[smem:$0x3FAF] =	sst s4  }
0xd: {  	[smem:$0x3FB0] =	sst s5  }
0xe: {  	[smem:$0x3FB1] =	sst s6  }
0xf: {  	[smem:$0x3FB2] =	sst s7  }
0x10: {  	[smem:$0x3FB3] =	sst s8  }
0x11: {  	[smem:$0x3FB4] =	sst s9;
	s0 =	simm.s32 @!p0 $0x0  }
0x12: {  	s1 =	sld [smem:$0x3F9A];
	s0 =	simm.s32 @p0 $0x1  }
0x13: {  	[smem:$0x3FB5] =	sst s0;
	s0 =	simm.s32 @!p1 $0x0  }
0x14: {  	s2 =	sld [smem:$0x3F99];
	s0 =	simm.s32 @p1 $0x1  }
0x15: {  	[smem:$0x3FB6] =	sst s0;
	s0 =	simm.s32 @!p2 $0x0  }
0x16: {  	s3 =	sld [smem:$0x3FDB];
	s0 =	simm.s32 @p2 $0x1  }
0x17: {  	s4 =	simm.s32 $0x1BF5;
	[smem:$0x3FB8] =	sst s0  }
0x18: {  	s0 =	sld [smem:$0x3F9B];
	_ =	swait.ge [sflag:s4], $0x0  }
0x19: {  	s7 =	sld [smem:$0x3F9C]  }
0x1a: {  	s8 =	sadd.s32 $0xFFFFE003, lr  }
0x1b: {  	s9 =	sadd.s32 $0xFFFFFEF7, lr;
	s5 =	simm.s32 $0xFFFFFFFF;
	p2 =	slt.u32 s8, $0xFFFFF086  }
0x1c: {  	p1 =	slt.u32 s9, $0xF7A;
	s5 =	simm.s32 @!p2 $0x0  }
0x1d: {  	s5 =	simm.s32 @p1 $0x1;
	p0 =	seq.s32 s7, s2  }
0x1e: {  	s7 =	smul.u32 @!p0 $0xF7A, s2;
	p2 =	seq.s32 @!p0 s5, $0x0  }
0x1f: {  	s9 =	smul.u32 $0xF7A, s1;
	s8 =	simm.s32 @!p0 $0x1BF5;
	p2 =	por !p2, p0  }
0x20: {  	[sflag:s8] =	ssyncset.s32 @!p0 $0xFFFFF086;
	s6 =	sadd.s32 @!p0 s3, s7;
	s7 =	simm.s32 @!p0 $0x108  }
0x21: {  	s3 =	sadd.s32 s3, s9;
	s6 =	sadd.s32 @!p0 $0x88, s6;
	s7 =	simm.s32 @p2 $0x1082  }
0x22: {  	[simem:s7], [sflag:s8] =	dma.local @!p0 [hbm:s6], $0xF7A  }
0x23: {  	s9 =	sor.u32 $0xD0000000, s2;
	s6 =	simm.s32 $0x108;
	_ =	swait.ge @!p0 [sflag:s8], $0x0  }
0x24: {  	s3 =	sadd.s32 $0x88, s3;
	s6 =	simm.s32 @!p1 $0x1082;
	[sflag:s4] =	ssyncset.s32 $0xFFFFF086  }
0x25: {  	[simem:s6], [sflag:s4] =	dma.local [hbm:s3], $0xF7A  }
0x26: {  	[smem:$0x3F9C] =	sst s1;
	(tag) =	ssettag s2;
	_ =	strace s9  }
0x27: {  	s1 =	sld [smem:$0x3FAC]  }
0x28: {  	s2 =	sld [smem:$0x3FAD]  }
0x29: {  	s4 =	sld [smem:$0x3FAF]  }
0x2a: {  	p0 =	seq.s32 s5, $0x0;
	s5 =	sld [smem:$0x3FB0]  }
0x2b: {  	s6 =	sld [smem:$0x3FB1]  }
0x2c: {  	s7 =	sld [smem:$0x3FB2]  }
0x2d: {  	s3 =	simm.s32 $0x108;
	s8 =	sld [smem:$0x3FB3]  }
0x2e: {  	s3 =	simm.s32 @!p0 $0x1082;
	s9 =	sld [smem:$0x3FB4]  }
0x2f: {  	lr =	sadd.s32 s0, s3;
	s0 =	sld [smem:$0x3FAB]  }
0x30: {  	s3 =	sld [smem:$0x3FAE]  }
0x31: {  	[smem:$0x3FB7] =	sst s10  }
0x32: {  	s10 =	sld [smem:$0x3FB5];
	_ =	sdelay $0x3  }
0x33: {  	p0 =	seq.s32 s10, $0x1;
	s10 =	sld [smem:$0x3FB7];
	_ =	sdelay $0x3  }
0x34: {  	[smem:$0x3FB7] =	sst s10  }
0x35: {  	s10 =	sld [smem:$0x3FB6];
	_ =	sdelay $0x3  }
0x36: {  	p1 =	seq.s32 s10, $0x1;
	s10 =	sld [smem:$0x3FB7];
	_ =	sdelay $0x3  }
0x37: {  	[smem:$0x3FB7] =	sst s10  }
0x38: {  	s10 =	sld [smem:$0x3FB8]  }
0x39: {  	_ = 	snop;
	(pc) =	sbr.ind lr, $3  }
0x3a: {  	_ = 	snop  }
0x3b: {  	_ = 	snop  }
0x3c: {  	p2 =	seq.s32 s10, $0x1;
	s10 =	sld [smem:$0x3FB7]  }
0x3d: {  	_ =	shalt  }
0x3e: {  	_ =	shalt  }
0x3f: {  	_ =	shalt  }
0x40: {  	_ =	shalt  }
0x41: {  	_ =	shalt  }
0x42: {  	_ =	shalt  }
0x43: {  	_ =	shalt  }
0x44: {  	_ =	shalt  }
0x45: {  	_ =	shalt  }
0x46: {  	_ =	shalt  }
0x47: {  	_ =	shalt  }
0x48: {  	_ =	shalt  }
0x49: {  	_ =	shalt  }
0x4a: {  	_ =	shalt  }
0x4b: {  	_ =	shalt  }
0x4c: {  	_ =	shalt  }
0x4d: {  	_ =	shalt  }
0x4e: {  	_ =	shalt  }
0x4f: {  	_ =	shalt  }
0x50: {  	_ =	shalt  }
0x51: {  	_ =	shalt  }
0x52: {  	_ =	shalt  }
0x53: {  	_ =	shalt  }
0x54: {  	_ =	shalt  }
0x55: {  	_ =	shalt  }
0x56: {  	_ =	shalt  }
0x57: {  	_ =	shalt  }
0x58: {  	_ =	shalt  }
0x59: {  	_ =	shalt  }
0x5a: {  	_ =	shalt  }
0x5b: {  	_ =	shalt  }
0x5c: {  	_ =	shalt  }
0x5d: {  	_ =	shalt  }
0x5e: {  	_ =	shalt  }
0x5f: {  	_ =	shalt  }
0x60: {  	_ =	shalt  }
0x61: {  	_ =	shalt  }
0x62: {  	_ =	shalt  }
0x63: {  	_ =	shalt  }
0x64: {  	_ =	shalt  }
0x65: {  	_ =	shalt  }
0x66: {  	_ =	shalt  }
0x67: {  	_ =	shalt  }
0x68: {  	_ =	shalt  }
0x69: {  	_ =	shalt  }
0x6a: {  	_ =	shalt  }
0x6b: {  	_ =	shalt  }
0x6c: {  	_ =	shalt  }
0x6d: {  	_ =	shalt  }
0x6e: {  	_ =	shalt  }
0x6f: {  	_ =	shalt  }
0x70: {  	_ =	shalt  }
0x71: {  	_ =	shalt  }
0x72: {  	_ =	shalt  }
0x73: {  	_ =	shalt  }
0x74: {  	_ =	shalt  }
0x75: {  	_ =	shalt  }
0x76: {  	_ =	shalt  }
0x77: {  	_ =	shalt  }
0x78: {  	_ =	shalt  }
0x79: {  	_ =	shalt  }
0x7a: {  	_ =	shalt  }
0x7b: {  	_ =	shalt  }
0x7c: {  	_ =	shalt  }
0x7d: {  	_ =	shalt  }
0x7e: {  	_ =	shalt  }
0x7f: {  	_ =	shalt  }
0x80: {  	_ =	shalt  }
0x81: {  	_ =	shalt  }
0x82: {  	_ =	shalt  }
0x83: {  	_ =	shalt  }
0x84: {  	_ =	shalt  }
0x85: {  	_ =	shalt  }
0x86: {  	_ =	shalt  }
0x87: {  	_ =	shalt  }
.Lfunc_end0:
.L_simem_size_0:
called_computation.1_lowered:
.L_overlay_start_0:
0x88: {  	s2 =	sld [smem:$0x3FD9]  }
0x89: {  	s3 =	sld [smem:$0x3FFE];
	_ =	sdelay $0x1  }
0x8a: {  	s1 =	srdreg.scid  }
0x8b: {  	s0 =	sand.u32 $0x1, s1  }
0x8c: {  	s17 =	sshll.u32 s0, $0xA;
	s2 =	sadd.s32 s3, s2  }
0x8d: {  	s2 =	sadd.s32 s2, s17  }
0x8e: {  	[smem:$0x3FC3] =	sst s2  }
0x8f: {  	_ = 	snop  }
0x90: {  	s18 =	sld [smem:$0x3FD0];
	(tm) =	ssettm $0x1  }
0x91: {  	s19 =	sld [smem:$0x3FFB];
	_ =	sdelay $0x3  }
0x92: {  	_ =	strace s19  }
0x93: {  	s2 =	sld [smem:$0x3FFC];
	_ =	sdelay $0x3  }
0x94: {  	_ =	strace s2  }
0x95: {  	s2 =	sld [smem:$0x3FFD];
	_ =	sdelay $0x3  }
0x96: {  	_ =	strace s2  }
0x97: {  	_ =	strace $0x8FFFFFFF  }
0x98: {  	s20 =	sld [smem:$0x3FDB];
	_ =	sdelay $0x1  }
0x99: {  	s4 =	simm.s32 $_scs_section_size  }
0x9a: {  	s5 =	simm.s32 $_size__tile_overlayer_lowered;
	s6 =	simm.s32 $_tile_overlayer_lowered  }
0x9b: {  	s7 =	simm.s32 $0x1BFF;
	s21 =	sshll.u32 s6, $0x1;
	s4 =	sadd.s32 s4, s20  }
0x9c: {  	s22 =	simm.s32 $0x0;
	s5 =	sshll.u32 s5, $0x1;
	s6 =	sadd.s32 s21, s4  }
0x9d: {  	[timem:s22], [sflag:s7] =	dma.local [hbm:s6], s5  }
0x9e: {  	_ =	swait.ge [sflag:s7], s5  }
0x9f: {  	s5 =	ssub.s32 $0x0, s5;
	[sflag:s7] =	ssyncset.done $0x0  }
0xa0: {  	[sflag:s7] =	ssyncadd.s32 s5;
	_ =	sdelay $0x1  }
0xa1: {  	s23 =	simm.s32 $0x1B8B  }
0xa2: {  	_ =	swait.ge [sflag:s23], $0x1  }
0xa3: {  	[sflag:s23] =	ssyncset.done $0x0  }
0xa4: {  	[sflag:s23] =	ssyncadd.s32 $0xFFFFFFFF  }
0xa5: {  	s5 =	sld [smem:$0x0]  }
0xa6: {  	s6 =	sand.u32 $0xFFFFFFFE, s1  }
0xa7: {  	p0 =	sne.s32 s1, s6  }
0xa8: {  	s6 =	sshll.u32 @p0 s6, $0xE  }
0xa9: {  	s6 =	sadd.s32 @p0 $0x11B8D, s6;
	s7 =	sshll.u32 @p0 s5, $0x11  }
0xaa: {  	s6 =	sor.u32 @p0 s7, s6  }
0xab: {  	[sflag:s6] =	ssyncadd.remote.s32 @p0 $0x1;
	_ =	sdelay $0x1  }
0xac: {  	s6 =	simm.s32 @p0 $0x1B8D  }
0xad: {  	_ =	swait.eq @p0 [sflag:s6], $0x1  }
0xae: {  	[sflag:s6] =	ssyncadd.s32 @p0 $0xFFFFFFFF  }
0xaf: {  	s7 =	sshll.u32 @!p0 s1, $0xE  }
0xb0: {  	s7 =	sor.u32 @!p0 $0x4000, s7;
	s6 =	simm.s32 @!p0 $0x1B8D  }
0xb1: {  	s5 =	sshll.u32 @!p0 s5, $0x11;
	s7 =	sadd.s32 @!p0 $0x11B8D, s7;
	_ =	swait.eq @!p0 [sflag:s6], $0x1  }
0xb2: {  	s5 =	sor.u32 @!p0 s5, s7;
	[sflag:s6] =	ssyncadd.s32 @!p0 $0xFFFFFFFF  }
0xb3: {  	s25 =	simm.s32 $0x1B8E;
	s24 =	sld [smem:$0x3FFE];
	[sflag:s5] =	ssyncadd.remote.s32 @!p0 $0x1  }
0xb4: {  	s26 =	simm.s32 $execute0_lowered;
	[smem:$0x3FD2] =	sst s25  }
0xb5: {  	s6 =	sshll.u32 s26, $0x1;
	_ =	strace $0x80000049;
	[dreg:$0x1] =	wrdreg $0xFFFFFFFF  }
0xb6: {  	s28 =	simm.s32 $_size_execute0_lowered;
	s4 =	sadd.s32 s4, s6;
	[dreg:$0x0] =	wrdreg $0x0  }
0xb7: {  	s6 =	sshll.u32 s28, $0x1;
	[dreg:$0x2] =	wrdreg s4  }
0xb8: {  	[dreg:$0x3] =	wrdreg s6  }
0xb9: {  	[dreg:$0x4] =	wrdreg $0xC0  }
0xba: {  	_ =	task [dreg:s22], $0x5FFFF  }
0xbb: {  	[dreg:$0x1] =	wrdreg $0xFFFFFFFF  }
0xbc: {  	[dreg:$0x0] =	wrdreg $0x60  }
0xbd: {  	[dreg:$0x2] =	wrdreg s24  }
0xbe: {  	[dreg:$0x3] =	wrdreg s18  }
0xbf: {  	[dreg:$0x4] =	wrdreg $0xA  }
0xc0: {  	_ =	task.clear_ibuf [dreg:s22], $0x5FFFF;
	_ =	strace $0x90000049  }
0xc1: {  	s29 =	simm.s32 $0xA;
	_ =	strace $0x8000004B  }
0xc2: {  	_ =	swait.ge [sflag:s29], $0x1  }
0xc3: {  	[sflag:s29] =	ssyncadd.s32 $0xFFFFFFFF  }
0xc4: {  	_ =	strace $0x9000004B  }
0xc5: {  	_ =	sfence  }
0xc6: {  	s30 =	sld [smem:$0x0];
	_ =	sdelay $0x2  }
0xc7: {  	s31 =	sshll.u32 s1, $0xD;
	s1 =	sshrl.u32 s1, $0x2  }
0xc8: {  	s4 =	sand.u32 $0x4000, s31;
	s1 =	sadd.s32 s1, s30  }
0xc9: {  	s0 =	sor.u32 s4, s0;
	s1 =	sshll.u32 s1, $0x11  }
0xca: {  	s0 =	sor.u32 s1, s0  }
0xcb: {  	s0 =	sadd.s32 $0x8F2B, s0  }
0xcc: {  	[sflag:s0] =	ssyncadd.remote.s32 $0x1  }
0xcd: {  	_ =	sfence.sel $0xFFFF  }
0xce: {  	[dreg:$0x0] =	wrdreg $0xFFFFFFFF;
	(pc) =	sbr.abs _section_cstart, $3  }
0xcf: {  	[dreg:$0x1] =	wrdreg $0xFFFFFFFF  }
0xd0: {  	_ =	task.clear_ibuf [dreg:s22], $0x2FFFF;
	_ =	strace $0x9FFFFFFF  }
0xd1: {  	(tm) =	ssettm $0x7FFFFFFF  }
tec
execute0_lowered:
.L_overlay_start_1:
0x0: {  	(tag) =	ssettag $0x1  }
0x1: {  	s1 =	srdreg.scid;
	s0 =	stileid.u32  }
0x2: {  	s18 =	sand.u32 $0x1, s1;
	s28 =	sshll.u32 s0, $0x1  }
0x3: {  	s5 =	rddreg [dreg:$0x0];
	s11 =	sor.u32 s18, s28  }
0x4: {  	s17 =	rddreg [dreg:$0x1];
	s15 =	smul.u32 $0xD00, s11  }
0x5: {  	s2 =	simm.s32 $0x0;
	s1 =	rddreg [dreg:$0x2]  }
0x6: {  	[smem:$0x7FF] =	sst s2;
	s16 =	sadd.s32 $0x12F600, s5;
	s3 =	sshrl.u32 s15, $0x3  }
0x7: {  	_ =	strace $0x8000004A;
	s4 =	sadd.s32 s16, s3;
	s3 =	simm.s32 $0x3  }
0x8: {  	[tilespmem:s2], [sflag:$0x3] =	stream.linear.gather [hbm4b:s4+s2], $0x340, $0x38;
	[tilespmem:$0xD680] =	vst v63  }
0x9: {  	s6 =	simm.s32 $0x340;
	_ =	swait.ge [sflag:s3], $0x340  }
0xa: {  	s7 =	simm.s32 $0x680;
	s14 =	sadd.s32 $0x340, s15;
	[sflag:s3] =	ssyncset.done $0x0  }
0xb: {  	s5 =	sadd.s32 $0xCDA00, s5;
	s8 =	sshrl.u32 s14, $0x3;
	[sflag:s3] =	ssyncadd.s32 $0xFFFFFCC0  }
0xc: {  	[tilespmem:s7], [sflag:$0x1] =	stream.indirect.gather [hbm4b:s5+s6], $0x20, s2, s6, $0xb8;
	[tilespmem:$0xD680] =	vst v63  }
0xd: {  	s8 =	sadd.s32 s16, s8  }
0xe: {  	[tilespmem:s6], [sflag:$0x3] =	stream.linear.gather [hbm4b:s8+s2], $0x340, $0x38;
	[tilespmem:$0xD680] =	vst v63  }
0xf: {  	_ =	swait.ge [sflag:s3], $0x340  }
0x10: {  	[sflag:s3] =	ssyncset.done $0x0  }
0x11: {  	s9 =	simm.s32 $0x6E80;
	s10 =	simm.s32 $0x1;
	[sflag:s3] =	ssyncadd.s32 $0xFFFFFCC0  }
0x12: {  	[tilespmem:s9], [sflag:$0x2] =	stream.indirect.gather [hbm4b:s5+s6], $0x20, s6, s6, $0xb8;
	[tilespmem:$0xD680] =	vst v63  }
0x13: {  	s11 =	smul.u32 $0x3400, s11;
	_ =	swait.ge [sflag:s10], $0x6800  }
0x14: {  	[sflag:s10] =	ssyncset.done $0x0  }
0x15: {  	s11 =	sadd.s32 s17, s11;
	[sflag:s10] =	ssyncadd.s32 $0xFFFF9800  }
0x16: {  	[hbm4b:s11+s2] =	stream.linear.scatter [tilespmem:s7], [sflag:$0x3], $0x6800, $0x38;
	[tilespmem:$0xD680] =	vst v63  }
0x17: {  	s19 =	sadd.s32 $0x680, s15;
	_ =	swait.ge [sflag:s3], $0x6800  }
0x18: {  	s12 =	sshrl.u32 s19, $0x3;
	[sflag:s3] =	ssyncset.done $0x0  }
0x19: {  	s12 =	sadd.s32 s16, s12;
	[sflag:s3] =	ssyncadd.s32 $0xFFFF9800  }
0x1a: {  	[tilespmem:s2], [sflag:$0x3] =	stream.linear.gather [hbm4b:s12+s2], $0x340, $0x38;
	[tilespmem:$0xD680] =	vst v63  }
0x1b: {  	_ =	swait.ge [sflag:s3], $0x340  }
0x1c: {  	[sflag:s3] =	ssyncset.done $0x0  }
0x1d: {  	s13 =	simm.s32 $0x2;
	[sflag:s3] =	ssyncadd.s32 $0xFFFFFCC0  }
0x1e: {  	[tilespmem:s7], [sflag:$0x1] =	stream.indirect.gather [hbm4b:s5+s6], $0x20, s2, s6, $0xb8;
	[tilespmem:$0xD680] =	vst v63  }
0x1f: {  	_ =	swait.ge [sflag:s13], $0x6800  }
0x20: {  	s14 =	sshll.u32 s14, $0x2;
	[sflag:s13] =	ssyncset.done $0x0  }
0x21: {  	s14 =	sadd.s32 s17, s14;
	[sflag:s13] =	ssyncadd.s32 $0xFFFF9800  }
0x22: {  	[hbm4b:s14+s2] =	stream.linear.scatter [tilespmem:s9], [sflag:$0x3], $0x6800, $0x38;
	[tilespmem:$0xD680] =	vst v63  }
0x23: {  	s20 =	sadd.s32 $0x9C0, s15;
	_ =	swait.ge [sflag:s3], $0x6800  }
0x24: {  	s15 =	sshrl.u32 s20, $0x3;
	[sflag:s3] =	ssyncset.done $0x0  }
0x25: {  	s15 =	sadd.s32 s16, s15;
	[sflag:s3] =	ssyncadd.s32 $0xFFFF9800  }
0x26: {  	[tilespmem:s6], [sflag:$0x3] =	stream.linear.gather [hbm4b:s15+s2], $0x340, $0x38;
	[tilespmem:$0xD680] =	vst v63  }
0x27: {  	_ =	swait.ge [sflag:s3], $0x340  }
0x28: {  	[sflag:s3] =	ssyncset.done $0x0  }
0x29: {  	[sflag:s3] =	ssyncadd.s32 $0xFFFFFCC0  }
0x2a: {  	[tilespmem:s9], [sflag:$0x2] =	stream.indirect.gather [hbm4b:s5+s6], $0x20, s6, s6, $0xb8;
	[tilespmem:$0xD680] =	vst v63  }
0x2b: {  	_ =	swait.ge [sflag:s10], $0x6800  }
0x2c: {  	s29 =	sshll.u32 s19, $0x2;
	[sflag:s10] =	ssyncset.done $0x0  }
0x2d: {  	s18 =	ssub.s32 $0x2, s18;
	s16 =	sadd.s32 s17, s29;
	[sflag:s10] =	ssyncadd.s32 $0xFFFF9800  }
0x2e: {  	[hbm4b:s16+s2] =	stream.linear.scatter [tilespmem:s7], [sflag:$0x3], $0x6800, $0x38;
	[tilespmem:$0xD680] =	vst v63  }
0x2f: {  	s30 =	sshrl.u32 s18, $0x1;
	_ =	swait.ge [sflag:s3], $0x6800  }
0x30: {  	s18 =	ssub.s32 s18, s30;
	[sflag:s3] =	ssyncset.done $0x0  }
0x31: {  	s18 =	smax.u32 s18, $0x1;
	[sflag:s3] =	ssyncadd.s32 $0xFFFF9800  }
0x32: {  	p0 =	sne.s32 s18, $0x1;
	_ =	swait.ge [sflag:s13], $0x6800  }
.Ltmp0:
0x33: {  	s31 =	sshll.u32 s20, $0x2;
	[sflag:s13] =	ssyncset.done $0x0;
	(pc) =	sbr.rel @!p0 .LBB2_2-.Ltmp0, $4  }
0x34: {  	s17 =	sadd.s32 s17, s31;
	[sflag:s13] =	ssyncadd.s32 $0xFFFF9800  }
0x35: {  	[hbm4b:s17+s2] =	stream.linear.scatter [tilespmem:s9], [sflag:$0x3], $0x6800, $0x38;
	[tilespmem:$0xD680] =	vst v63  }
0x36: {  	_ =	swait.ge [sflag:s3], $0x6800  }
0x37: {  	s18 =	sadd.s32 $0xFFFFFFFF, s18;
	[sflag:s3] =	ssyncset.done $0x0  }
.LBB2_1:
0x38: {  	p0 =	sne.s32 s18, $0x1;
	s18 =	sadd.s32 $0xFFFFFFFF, s18;
	[sflag:s3] =	ssyncadd.s32 $0xFFFF9800  }
0x39: {  	[tilespmem:s2], [sflag:$0x3] =	stream.linear.gather [hbm4b:s4+s2], $0x340, $0x38;
	[tilespmem:$0xD680] =	vst v63  }
0x3a: {  	_ =	swait.ge [sflag:s3], $0x340  }
0x3b: {  	[sflag:s3] =	ssyncset.done $0x0  }
0x3c: {  	[sflag:s3] =	ssyncadd.s32 $0xFFFFFCC0  }
0x3d: {  	[tilespmem:s7], [sflag:$0x1] =	stream.indirect.gather [hbm4b:s5+s6], $0x20, s2, s6, $0xb8;
	[tilespmem:$0xD680] =	vst v63  }
0x3e: {  	_ = 	snop  }
0x3f: {  	[tilespmem:s6], [sflag:$0x3] =	stream.linear.gather [hbm4b:s8+s2], $0x340, $0x38;
	[tilespmem:$0xD680] =	vst v63  }
0x40: {  	_ =	swait.ge [sflag:s3], $0x340  }
0x41: {  	[sflag:s3] =	ssyncset.done $0x0  }
0x42: {  	[sflag:s3] =	ssyncadd.s32 $0xFFFFFCC0  }
0x43: {  	[tilespmem:s9], [sflag:$0x2] =	stream.indirect.gather [hbm4b:s5+s6], $0x20, s6, s6, $0xb8;
	[tilespmem:$0xD680] =	vst v63  }
0x44: {  	_ =	swait.ge [sflag:s10], $0x6800  }
0x45: {  	[sflag:s10] =	ssyncset.done $0x0  }
0x46: {  	[sflag:s10] =	ssyncadd.s32 $0xFFFF9800  }
0x47: {  	[hbm4b:s11+s2] =	stream.linear.scatter [tilespmem:s7], [sflag:$0x3], $0x6800, $0x38;
	[tilespmem:$0xD680] =	vst v63  }
0x48: {  	_ =	swait.ge [sflag:s3], $0x6800  }
0x49: {  	[sflag:s3] =	ssyncset.done $0x0  }
0x4a: {  	[sflag:s3] =	ssyncadd.s32 $0xFFFF9800  }
0x4b: {  	[tilespmem:s2], [sflag:$0x3] =	stream.linear.gather [hbm4b:s12+s2], $0x340, $0x38;
	[tilespmem:$0xD680] =	vst v63  }
0x4c: {  	_ =	swait.ge [sflag:s3], $0x340  }
0x4d: {  	[sflag:s3] =	ssyncset.done $0x0  }
0x4e: {  	[sflag:s3] =	ssyncadd.s32 $0xFFFFFCC0  }
0x4f: {  	[tilespmem:s7], [sflag:$0x1] =	stream.indirect.gather [hbm4b:s5+s6], $0x20, s2, s6, $0xb8;
	[tilespmem:$0xD680] =	vst v63  }
0x50: {  	_ =	swait.ge [sflag:s13], $0x6800  }
0x51: {  	[sflag:s13] =	ssyncset.done $0x0  }
0x52: {  	[sflag:s13] =	ssyncadd.s32 $0xFFFF9800  }
0x53: {  	[hbm4b:s14+s2] =	stream.linear.scatter [tilespmem:s9], [sflag:$0x3], $0x6800, $0x38;
	[tilespmem:$0xD680] =	vst v63  }
0x54: {  	_ =	swait.ge [sflag:s3], $0x6800  }
0x55: {  	[sflag:s3] =	ssyncset.done $0x0  }
0x56: {  	[sflag:s3] =	ssyncadd.s32 $0xFFFF9800  }
0x57: {  	[tilespmem:s6], [sflag:$0x3] =	stream.linear.gather [hbm4b:s15+s2], $0x340, $0x38;
	[tilespmem:$0xD680] =	vst v63  }
0x58: {  	_ =	swait.ge [sflag:s3], $0x340  }
0x59: {  	[sflag:s3] =	ssyncset.done $0x0  }
0x5a: {  	[sflag:s3] =	ssyncadd.s32 $0xFFFFFCC0  }
0x5b: {  	[tilespmem:s9], [sflag:$0x2] =	stream.indirect.gather [hbm4b:s5+s6], $0x20, s6, s6, $0xb8;
	[tilespmem:$0xD680] =	vst v63  }
0x5c: {  	_ =	swait.ge [sflag:s10], $0x6800  }
0x5d: {  	[sflag:s10] =	ssyncset.done $0x0  }
0x5e: {  	[sflag:s10] =	ssyncadd.s32 $0xFFFF9800  }
0x5f: {  	[hbm4b:s16+s2] =	stream.linear.scatter [tilespmem:s7], [sflag:$0x3], $0x6800, $0x38;
	[tilespmem:$0xD680] =	vst v63  }
0x60: {  	_ =	swait.ge [sflag:s3], $0x6800  }
0x61: {  	[sflag:s3] =	ssyncset.done $0x0  }
0x62: {  	[sflag:s3] =	ssyncadd.s32 $0xFFFF9800  }
0x63: {  	_ =	swait.ge [sflag:s13], $0x6800  }
.Ltmp1:
0x64: {  	[sflag:s13] =	ssyncset.done $0x0;
	(pc) =	sbr.rel @p0 .LBB2_1-.Ltmp1, $4  }
0x65: {  	[sflag:s13] =	ssyncadd.s32 $0xFFFF9800  }
0x66: {  	[hbm4b:s17+s2] =	stream.linear.scatter [tilespmem:s9], [sflag:$0x3], $0x6800, $0x38;
	[tilespmem:$0xD680] =	vst v63  }
0x67: {  	_ =	swait.ge [sflag:s3], $0x6800  }
0x68: {  	[sflag:s3] =	ssyncset.done $0x0  }
.LBB2_2:
0x69: {  	[sflag:s3] =	ssyncadd.s32 $0xFFFF9800  }
0x6a: {  	_ =	sfence.sel $0x180000  }
0x6b: {  	[bflag:$0x0] =	sbarrier.arrive $0xFFFF  }
0x6c: {  	p0 =	sne.s32 s0, $0x0;
	_ =	strace $0x9000004A  }
0x6d: {  	s0 =	sadd.s32 @!p0 $0x100000, s1;
	[bflag:$0x2] =	sbarrier.arrive $0xFFFF  }
0x6e: {  	[sflag:s0] =	ssyncadd.tile.s32 @!p0 $0x1;
	_ =	shalt  }
.Lfunc_end2:
_tile_overlayer_lowered:
.L_overlay_start_2:
0x6f: {  	(tag) =	ssettag $0x2  }
0x70: {  	s0 =	rddreg [dreg:$0x0];
	s2 =	stileid.u32  }
0x71: {  	s1 =	rddreg [dreg:$0x1];
	p0 =	sne.s32 s2, $0x0  }
0x72: {  	s3 =	rddreg [dreg:$0x2];
	[bflag:$0x3] =	sbarrier.arrive $0xFFFF;
	s2 =	simm.s32 @!p0 $0x1C03  }
0x73: {  	[timem:s3], [sflag:s2] =	dma.local @!p0 [hbm:s0], s1  }
0x74: {  	s0 =	simm.s32 @!p0 $0x3  }
0x75: {  	_ =	swait.ge @!p0 [sflag:s0], s1  }
0x76: {  	s1 =	ssub.s32 @!p0 $0x0, s1;
	[sflag:s0] =	ssyncset.done @!p0 $0x0  }
0x77: {  	[sflag:s0] =	ssyncadd.s32 @!p0 s1  }
0x78: {  	[bflag:$0x3] =	sbarrier.arrive $0xFFFF  }
0x79: {  	_ =	shalt  }

</sc_bundles>
